<compile_context>
chip_gen: v7x
topology: tpu7x:2x2x1
jax: 0.10.2.dev20260603
libtpu: 0.0.44.dev20260713+nightly
codegen_flags: <defaults>
</compile_context>

<pallas_src>
import functools
import math

import jax
import jax.numpy as jnp
from jax import lax
from jax.experimental import pallas as pl
from jax.experimental.pallas import tpu as pltpu
from jax.experimental.pallas import tpu_sc as plsc

N = 10000
K = 32
D = 128
NW = 32
CHUNK = 320
NP = NW * CHUNK
NB = 4
IDX = NB * K
NCH = CHUNK // NB
NBUF = 4
SCALE = 1.0 / math.sqrt(float(K + 1))
LANES = 16
DV = D // LANES


def _mm_body(x_ref, w_ref, b_ref, o_ref):
    h = lax.dot_general(
        x_ref[...], w_ref[...], (((1,), (1,)), ((), ())),
        preferred_element_type=jnp.float32,
        precision=lax.Precision.HIGHEST,
    )
    o_ref[...] = (h + b_ref[...]) * SCALE


def _mm(xp, W, b):
    BM = 1024
    return pl.pallas_call(
        _mm_body,
        grid=(NP // BM,),
        in_specs=[
            pl.BlockSpec((BM, D), lambda i: (i, 0)),
            pl.BlockSpec((D, D), lambda i: (0, 0)),
            pl.BlockSpec((1, D), lambda i: (0, 0)),
        ],
        out_specs=pl.BlockSpec((BM, D), lambda i: (i, 0)),
        out_shape=jax.ShapeDtypeStruct((NP, D), jnp.float32),
    )(xp, W, b[None, :])


def _sc_body(h_hbm, e_hbm, out_hbm, idx_all, out_all, rows, selfs, semr,
             sems):
    wid = lax.axis_index("s") * 2 + lax.axis_index("c")
    base = wid * CHUNK

    pltpu.sync_copy(e_hbm.at[pl.ds(base * K, CHUNK * K)], idx_all)

    def fire(b, g):
        pltpu.async_copy(h_hbm.at[idx_all.at[pl.ds(g * IDX, IDX)]],
                         rows[b], semr[b])
        pltpu.async_copy(h_hbm.at[pl.ds(base + g * NB, NB)],
                         selfs[b], sems[b])

    def wait(b):
        pltpu.make_async_copy(h_hbm.at[idx_all.at[pl.ds(0, IDX)]],
                              rows[b], semr[b]).wait()
        pltpu.make_async_copy(h_hbm.at[pl.ds(0, NB)], selfs[b],
                              sems[b]).wait()

    for b in range(NBUF):
        fire(b, b)

    def chunk_body(i, carry):
        for b in range(NBUF):
            g = i * NBUF + b
            wait(b)

            def node_body(n, c2, _b=b, _g=g):
                accs = [selfs[_b][n, pl.ds(d * LANES, LANES)]
                        for d in range(DV)]
                node = _g * NB + n
                for d in range(DV):
                    y = accs[d] * SCALE
                    out_all[node, pl.ds(d * LANES, LANES)] = jnp.where(
                        y > 0.0, y, jnp.exp(y) - 1.0)
                return c2

            lax.fori_loop(0, NB, node_body, 0)
            gn = g + NBUF

            @pl.when(gn < NCH)
            def _():
                fire(b, gn)
        return carry

    lax.fori_loop(0, NCH // NBUF, chunk_body, 0)
    pltpu.sync_copy(out_all, out_hbm.at[pl.ds(base, CHUNK)])


@functools.partial(
    pl.kernel,
    out_type=jax.ShapeDtypeStruct((NP, D), jnp.float32),
    mesh=plsc.VectorSubcoreMesh(core_axis_name="c", subcore_axis_name="s"),
    scratch_types=[
        pltpu.VMEM((CHUNK * K,), jnp.int32),
        pltpu.VMEM((CHUNK, D), jnp.float32),
        [pltpu.VMEM((IDX, D), jnp.float32)] * NBUF,
        [pltpu.VMEM((NB, D), jnp.float32)] * NBUF,
        [pltpu.SemaphoreType.DMA] * NBUF,
        [pltpu.SemaphoreType.DMA] * NBUF,
    ],
)
def _sc_gather(h_hbm, e_hbm, out_hbm, idx_all, out_all, rows, selfs, semr,
               sems):
    _sc_body(h_hbm, e_hbm, out_hbm, idx_all, out_all, rows, selfs, semr,
             sems)


def kernel(x, edge_index, W0, b0, W1, b1):
    xp = jnp.pad(x, ((0, NP - N), (0, 0)))
    eflat = jnp.pad(edge_index, ((0, NP - N), (0, 0))).reshape(-1)
    h1 = _mm(xp, W0, b0)
    a1 = _sc_gather(h1, eflat)
    h2 = _mm(a1, W1, b1)
    a2 = _sc_gather(h2, eflat)
    return a2[:N]

# --- scband reference (transcript-rebuilt; emitter-appended) ---
"""Pipeline reference for scband-gnnstack-31842887533162 (READ-ONLY COPY).

The authoritative reference and input builder live on the scoring server;
editing this copy changes nothing except your own understanding.
"""

import jax, jax.numpy as jnp
import numpy as np

N, K, D = 10000, 32, 128


def _gcn_layer(x, edge_index, W, b):
    # degree mask: count of valid (>=0) neighbor slots, +1 for self
    deg = jnp.sum(edge_index >= 0, axis=-1, keepdims=True).astype(x.dtype) + 1.0
    deg = jnp.clip(deg, 1.0, None)
    # Linear transform (torch nn.Linear: x @ W.T + b), pre-normalized by sqrt(deg)
    h = (x @ W.T + b) / jnp.sqrt(deg)
    # pad with a zero row so index -1 (padding) gathers zeros (numpy-style wrap)
    padded = jnp.concatenate([h, jnp.zeros((1, h.shape[1]), dtype=h.dtype)], axis=0)
    neigh = padded[edge_index]  # gather: [N, K, D]
    node_and_neigh = jnp.concatenate([neigh, h[:, None, :]], axis=1)  # [N, K+1, D]
    return jnp.sum(node_and_neigh, axis=1) / jnp.sqrt(deg)


def setup_inputs(seed: int = 0) -> dict:
    key = jax.random.key(seed)
    k1, k2, k3, k4, k5, k6 = jax.random.split(key, 6)
    x = jax.random.normal(k1, (N, D), dtype=jnp.float32)
    edge_index = jax.random.randint(k2, (N, K), 0, N, dtype=jnp.int32)
    scale = 1.0 / np.sqrt(D)
    W0 = jax.random.normal(k3, (D, D), dtype=jnp.float32) * scale
    b0 = jax.random.normal(k4, (D,), dtype=jnp.float32) * 0.01
    W1 = jax.random.normal(k5, (D, D), dtype=jnp.float32) * scale
    b1 = jax.random.normal(k6, (D,), dtype=jnp.float32) * 0.01
    return {"x": x, "edge_index": edge_index, "W0": W0, "b0": b0, "W1": W1, "b1": b1}


def reference(x, edge_index, W0, b0, W1, b1):
    h = _gcn_layer(x, edge_index, W0, b0)
    h = jax.nn.elu(h)
    h = _gcn_layer(h, edge_index, W1, b1)
    h = jax.nn.elu(h)
    return h

if __name__ == "__main__":
    import jax
    _d = setup_inputs()
    print(jax.jit(kernel)(*tuple(_d.values())))

</pallas_src>

<mosaic_0001>
#map = affine_map<(d0, d1) -> (0, 0)>
#map1 = affine_map<(d0, d1) -> (0)>
module attributes {stable_mosaic.version = 14 : i64} {
  func.func @_sc_gather(%arg0: i32, %arg1: i32, %arg2: memref<10240x128xf32, #tpu.memory_space<hbm>>, %arg3: memref<327680xi32, #tpu.memory_space<hbm>>, %arg4: memref<10240x128xf32, #tpu.memory_space<hbm>>, %arg5: memref<10240xi32, #tpu.memory_space<vmem>>, %arg6: memref<320x128xf32, #tpu.memory_space<vmem>>, %arg7: memref<128x128xf32, #tpu.memory_space<vmem>>, %arg8: memref<128x128xf32, #tpu.memory_space<vmem>>, %arg9: memref<128x128xf32, #tpu.memory_space<vmem>>, %arg10: memref<128x128xf32, #tpu.memory_space<vmem>>, %arg11: memref<4x128xf32, #tpu.memory_space<vmem>>, %arg12: memref<4x128xf32, #tpu.memory_space<vmem>>, %arg13: memref<4x128xf32, #tpu.memory_space<vmem>>, %arg14: memref<4x128xf32, #tpu.memory_space<vmem>>, %arg15: memref<!tpu.dma_semaphore, #tpu.memory_space<semaphore_mem>>, %arg16: memref<!tpu.dma_semaphore, #tpu.memory_space<semaphore_mem>>, %arg17: memref<!tpu.dma_semaphore, #tpu.memory_space<semaphore_mem>>, %arg18: memref<!tpu.dma_semaphore, #tpu.memory_space<semaphore_mem>>, %arg19: memref<!tpu.dma_semaphore, #tpu.memory_space<semaphore_mem>>, %arg20: memref<!tpu.dma_semaphore, #tpu.memory_space<semaphore_mem>>, %arg21: memref<!tpu.dma_semaphore, #tpu.memory_space<semaphore_mem>>, %arg22: memref<!tpu.dma_semaphore, #tpu.memory_space<semaphore_mem>>) attributes {dimension_semantics = [#tpu.dimension_semantics<core_parallel>, #tpu.dimension_semantics<subcore_parallel>], iteration_bounds = array<i64: 2, 16>, scalar_prefetch = 0 : i64, scratch_operands = 18 : i64, tpu.core_type = #tpu.core_type<sc_vector_subcore>, window_params = [{transform_indices = #map}, {transform_indices = #map1}, {transform_indices = #map}]} {
    %mul3A = arith.constant 2 : i32
    %mul3A_0 = arith.muli %arg1, %mul3A : i32
    %add3A = arith.addi %mul3A_0, %arg0 : i32
    %mul3A_1 = arith.constant 320 : i32
    %mul3A_2 = arith.muli %add3A, %mul3A_1 : i32
    %mul3A_3 = arith.constant 32 : i32
    %mul3A_4 = arith.muli %mul3A_2, %mul3A_3 : i32
    "tpu.region"() ({
      %run_scoped3A = tpu.sem_alloc : memref<!tpu.dma_semaphore, #tpu.memory_space<semaphore_mem>>
      %dma_start3A_53 = tpu.memref_slice %arg3[%mul3A_4] : memref<327680xi32, #tpu.memory_space<hbm>> -> memref<10240xi32, #tpu.memory_space<hbm>>
      %dma_start3A_54 = tpu.memref_slice %arg3[%mul3A_4] : memref<327680xi32, #tpu.memory_space<hbm>> -> memref<10240xi32, #tpu.memory_space<hbm>>
      tpu.enqueue_dma source(%dma_start3A_54 : memref<10240xi32, #tpu.memory_space<hbm>>) target(%arg5 : memref<10240xi32, #tpu.memory_space<vmem>>) target_semaphore(%run_scoped3A : memref<!tpu.dma_semaphore, #tpu.memory_space<semaphore_mem>>)
      %dma_wait3A = tpu.memref_slice %arg3[%mul3A_4] : memref<327680xi32, #tpu.memory_space<hbm>> -> memref<10240xi32, #tpu.memory_space<hbm>>
      %dma_wait3A_55 = tpu.memref_slice %arg3[%mul3A_4] : memref<327680xi32, #tpu.memory_space<hbm>> -> memref<10240xi32, #tpu.memory_space<hbm>>
      tpu.wait_dma2 semaphore(%run_scoped3A : memref<!tpu.dma_semaphore, #tpu.memory_space<semaphore_mem>>) src(%dma_wait3A_55 : memref<10240xi32, #tpu.memory_space<hbm>>) dst(%arg5 : memref<10240xi32, #tpu.memory_space<vmem>>)
      tpu.yield
    }) : () -> ()
    %dma_start3A = arith.constant 0 : i32
    %dma_start3A_5 = tpu.memref_slice %arg5[%dma_start3A] : memref<10240xi32, #tpu.memory_space<vmem>> -> memref<128xi32, #tpu.memory_space<vmem>>
    %dma_start3A_6 = arith.constant 0 : i32
    %dma_start3A_7 = arith.constant 0 : i32
    %dma_start3A_8 = tpu.memref_slice %arg2[%dma_start3A_6, %dma_start3A_7] : memref<10240x128xf32, #tpu.memory_space<hbm>> -> memref<10240x128xf32, #tpu.memory_space<hbm>>
    tpu.enqueue_indirect_dma source(%dma_start3A_8 : memref<10240x128xf32, #tpu.memory_space<hbm>>) target(%arg7 : memref<128x128xf32, #tpu.memory_space<vmem>>) offsets(%dma_start3A_5 : memref<128xi32, #tpu.memory_space<vmem>>) semaphore(%arg15 : memref<!tpu.dma_semaphore, #tpu.memory_space<semaphore_mem>>)
    %add3A_9 = arith.constant 0 : i32
    %add3A_10 = arith.addi %mul3A_2, %add3A_9 : i32
    %dma_start3A_11 = arith.constant 0 : i32
    %dma_start3A_12 = tpu.memref_slice %arg2[%add3A_10, %dma_start3A_11] : memref<10240x128xf32, #tpu.memory_space<hbm>> -> memref<4x128xf32, #tpu.memory_space<hbm>>
    %dma_start3A_13 = arith.constant 0 : i32
    %dma_start3A_14 = tpu.memref_slice %arg2[%add3A_10, %dma_start3A_13] : memref<10240x128xf32, #tpu.memory_space<hbm>> -> memref<4x128xf32, #tpu.memory_space<hbm>>
    tpu.enqueue_dma source(%dma_start3A_14 : memref<4x128xf32, #tpu.memory_space<hbm>>) target(%arg11 : memref<4x128xf32, #tpu.memory_space<vmem>>) target_semaphore(%arg19 : memref<!tpu.dma_semaphore, #tpu.memory_space<semaphore_mem>>)
    %dma_start3A_15 = arith.constant 128 : i32
    %dma_start3A_16 = tpu.memref_slice %arg5[%dma_start3A_15] : memref<10240xi32, #tpu.memory_space<vmem>> -> memref<128xi32, #tpu.memory_space<vmem>>
    %dma_start3A_17 = arith.constant 0 : i32
    %dma_start3A_18 = arith.constant 0 : i32
    %dma_start3A_19 = tpu.memref_slice %arg2[%dma_start3A_17, %dma_start3A_18] : memref<10240x128xf32, #tpu.memory_space<hbm>> -> memref<10240x128xf32, #tpu.memory_space<hbm>>
    tpu.enqueue_indirect_dma source(%dma_start3A_19 : memref<10240x128xf32, #tpu.memory_space<hbm>>) target(%arg8 : memref<128x128xf32, #tpu.memory_space<vmem>>) offsets(%dma_start3A_16 : memref<128xi32, #tpu.memory_space<vmem>>) semaphore(%arg16 : memref<!tpu.dma_semaphore, #tpu.memory_space<semaphore_mem>>)
    %add3A_20 = arith.constant 4 : i32
    %add3A_21 = arith.addi %mul3A_2, %add3A_20 : i32
    %dma_start3A_22 = arith.constant 0 : i32
    %dma_start3A_23 = tpu.memref_slice %arg2[%add3A_21, %dma_start3A_22] : memref<10240x128xf32, #tpu.memory_space<hbm>> -> memref<4x128xf32, #tpu.memory_space<hbm>>
    %dma_start3A_24 = arith.constant 0 : i32
    %dma_start3A_25 = tpu.memref_slice %arg2[%add3A_21, %dma_start3A_24] : memref<10240x128xf32, #tpu.memory_space<hbm>> -> memref<4x128xf32, #tpu.memory_space<hbm>>
    tpu.enqueue_dma source(%dma_start3A_25 : memref<4x128xf32, #tpu.memory_space<hbm>>) target(%arg12 : memref<4x128xf32, #tpu.memory_space<vmem>>) target_semaphore(%arg20 : memref<!tpu.dma_semaphore, #tpu.memory_space<semaphore_mem>>)
    %dma_start3A_26 = arith.constant 256 : i32
    %dma_start3A_27 = tpu.memref_slice %arg5[%dma_start3A_26] : memref<10240xi32, #tpu.memory_space<vmem>> -> memref<128xi32, #tpu.memory_space<vmem>>
    %dma_start3A_28 = arith.constant 0 : i32
    %dma_start3A_29 = arith.constant 0 : i32
    %dma_start3A_30 = tpu.memref_slice %arg2[%dma_start3A_28, %dma_start3A_29] : memref<10240x128xf32, #tpu.memory_space<hbm>> -> memref<10240x128xf32, #tpu.memory_space<hbm>>
    tpu.enqueue_indirect_dma source(%dma_start3A_30 : memref<10240x128xf32, #tpu.memory_space<hbm>>) target(%arg9 : memref<128x128xf32, #tpu.memory_space<vmem>>) offsets(%dma_start3A_27 : memref<128xi32, #tpu.memory_space<vmem>>) semaphore(%arg17 : memref<!tpu.dma_semaphore, #tpu.memory_space<semaphore_mem>>)
    %add3A_31 = arith.constant 8 : i32
    %add3A_32 = arith.addi %mul3A_2, %add3A_31 : i32
    %dma_start3A_33 = arith.constant 0 : i32
    %dma_start3A_34 = tpu.memref_slice %arg2[%add3A_32, %dma_start3A_33] : memref<10240x128xf32, #tpu.memory_space<hbm>> -> memref<4x128xf32, #tpu.memory_space<hbm>>
    %dma_start3A_35 = arith.constant 0 : i32
    %dma_start3A_36 = tpu.memref_slice %arg2[%add3A_32, %dma_start3A_35] : memref<10240x128xf32, #tpu.memory_space<hbm>> -> memref<4x128xf32, #tpu.memory_space<hbm>>
    tpu.enqueue_dma source(%dma_start3A_36 : memref<4x128xf32, #tpu.memory_space<hbm>>) target(%arg13 : memref<4x128xf32, #tpu.memory_space<vmem>>) target_semaphore(%arg21 : memref<!tpu.dma_semaphore, #tpu.memory_space<semaphore_mem>>)
    %dma_start3A_37 = arith.constant 384 : i32
    %dma_start3A_38 = tpu.memref_slice %arg5[%dma_start3A_37] : memref<10240xi32, #tpu.memory_space<vmem>> -> memref<128xi32, #tpu.memory_space<vmem>>
    %dma_start3A_39 = arith.constant 0 : i32
    %dma_start3A_40 = arith.constant 0 : i32
    %dma_start3A_41 = tpu.memref_slice %arg2[%dma_start3A_39, %dma_start3A_40] : memref<10240x128xf32, #tpu.memory_space<hbm>> -> memref<10240x128xf32, #tpu.memory_space<hbm>>
    tpu.enqueue_indirect_dma source(%dma_start3A_41 : memref<10240x128xf32, #tpu.memory_space<hbm>>) target(%arg10 : memref<128x128xf32, #tpu.memory_space<vmem>>) offsets(%dma_start3A_38 : memref<128xi32, #tpu.memory_space<vmem>>) semaphore(%arg18 : memref<!tpu.dma_semaphore, #tpu.memory_space<semaphore_mem>>)
    %add3A_42 = arith.constant 12 : i32
    %add3A_43 = arith.addi %mul3A_2, %add3A_42 : i32
    %dma_start3A_44 = arith.constant 0 : i32
    %dma_start3A_45 = tpu.memref_slice %arg2[%add3A_43, %dma_start3A_44] : memref<10240x128xf32, #tpu.memory_space<hbm>> -> memref<4x128xf32, #tpu.memory_space<hbm>>
    %dma_start3A_46 = arith.constant 0 : i32
    %dma_start3A_47 = tpu.memref_slice %arg2[%add3A_43, %dma_start3A_46] : memref<10240x128xf32, #tpu.memory_space<hbm>> -> memref<4x128xf32, #tpu.memory_space<hbm>>
    tpu.enqueue_dma source(%dma_start3A_47 : memref<4x128xf32, #tpu.memory_space<hbm>>) target(%arg14 : memref<4x128xf32, #tpu.memory_space<vmem>>) target_semaphore(%arg22 : memref<!tpu.dma_semaphore, #tpu.memory_space<semaphore_mem>>)
    %scan3A = arith.constant 0 : i32
    %scan3A_48 = arith.constant 0 : i32
    %scan3A_49 = arith.constant 20 : i32
    %scan3A_50 = arith.addi %scan3A_48, %scan3A_49 : i32
    %scan3A_51 = arith.constant 1 : i32
    scf.for %scan3A_53 = %scan3A_48 to %scan3A_50 step %scan3A_51  : i32 {
      %mul3A_54 = arith.constant 4 : i32
      %mul3A_55 = arith.muli %scan3A_53, %mul3A_54 : i32
      %add3A_56 = arith.constant 0 : i32
      %add3A_57 = arith.addi %mul3A_55, %add3A_56 : i32
      %dma_wait3A = arith.constant 0 : i32
      %dma_wait3A_58 = tpu.memref_slice %arg5[%dma_wait3A] : memref<10240xi32, #tpu.memory_space<vmem>> -> memref<128xi32, #tpu.memory_space<vmem>>
      %dma_wait3A_59 = arith.constant 0 : i32
      %dma_wait3A_60 = arith.constant 0 : i32
      %dma_wait3A_61 = tpu.memref_slice %arg2[%dma_wait3A_59, %dma_wait3A_60] : memref<10240x128xf32, #tpu.memory_space<hbm>> -> memref<10240x128xf32, #tpu.memory_space<hbm>>
      tpu.wait_indirect_dma semaphore(%arg15 : memref<!tpu.dma_semaphore, #tpu.memory_space<semaphore_mem>>) src(%dma_wait3A_61 : memref<10240x128xf32, #tpu.memory_space<hbm>>) dst(%arg7 : memref<128x128xf32, #tpu.memory_space<vmem>>)
      %dma_wait3A_62 = arith.constant 0 : i32
      %dma_wait3A_63 = arith.constant 0 : i32
      %dma_wait3A_64 = tpu.memref_slice %arg2[%dma_wait3A_62, %dma_wait3A_63] : memref<10240x128xf32, #tpu.memory_space<hbm>> -> memref<4x128xf32, #tpu.memory_space<hbm>>
      %dma_wait3A_65 = arith.constant 0 : i32
      %dma_wait3A_66 = arith.constant 0 : i32
      %dma_wait3A_67 = tpu.memref_slice %arg2[%dma_wait3A_65, %dma_wait3A_66] : memref<10240x128xf32, #tpu.memory_space<hbm>> -> memref<4x128xf32, #tpu.memory_space<hbm>>
      tpu.wait_dma2 semaphore(%arg19 : memref<!tpu.dma_semaphore, #tpu.memory_space<semaphore_mem>>) src(%dma_wait3A_67 : memref<4x128xf32, #tpu.memory_space<hbm>>) dst(%arg11 : memref<4x128xf32, #tpu.memory_space<vmem>>)
      %scan3A_68 = arith.constant 0 : i32
      %scan3A_69 = arith.constant 0 : i32
      %scan3A_70 = arith.constant 4 : i32
      %scan3A_71 = arith.addi %scan3A_69, %scan3A_70 : i32
      %scan3A_72 = arith.constant 1 : i32
      scf.for %scan3A_162 = %scan3A_69 to %scan3A_71 step %scan3A_72  : i32 {
        %get3A = arith.index_cast %scan3A_162 : i32 to index
        %get3A_163 = arith.constant 0 : index
        %get3A_164 = tpu.vector_load %arg11[%get3A, %get3A_163] {strides = array<i32>} : memref<4x128xf32, #tpu.memory_space<vmem>>, vector<1x16xf32>,
        %get3A_165 = vector.shape_cast %get3A_164 : vector<1x16xf32> to vector<16xf32>
        %get3A_166 = arith.index_cast %scan3A_162 : i32 to index
        %get3A_167 = arith.constant 16 : index
        %get3A_168 = tpu.vector_load %arg11[%get3A_166, %get3A_167] {strides = array<i32>} : memref<4x128xf32, #tpu.memory_space<vmem>>, vector<1x16xf32>,
        %get3A_169 = vector.shape_cast %get3A_168 : vector<1x16xf32> to vector<16xf32>
        %get3A_170 = arith.index_cast %scan3A_162 : i32 to index
        %get3A_171 = arith.constant 32 : index
        %get3A_172 = tpu.vector_load %arg11[%get3A_170, %get3A_171] {strides = array<i32>} : memref<4x128xf32, #tpu.memory_space<vmem>>, vector<1x16xf32>,
        %get3A_173 = vector.shape_cast %get3A_172 : vector<1x16xf32> to vector<16xf32>
        %get3A_174 = arith.index_cast %scan3A_162 : i32 to index
        %get3A_175 = arith.constant 48 : index
        %get3A_176 = tpu.vector_load %arg11[%get3A_174, %get3A_175] {strides = array<i32>} : memref<4x128xf32, #tpu.memory_space<vmem>>, vector<1x16xf32>,
        %get3A_177 = vector.shape_cast %get3A_176 : vector<1x16xf32> to vector<16xf32>
        %get3A_178 = arith.index_cast %scan3A_162 : i32 to index
        %get3A_179 = arith.constant 64 : index
        %get3A_180 = tpu.vector_load %arg11[%get3A_178, %get3A_179] {strides = array<i32>} : memref<4x128xf32, #tpu.memory_space<vmem>>, vector<1x16xf32>,
        %get3A_181 = vector.shape_cast %get3A_180 : vector<1x16xf32> to vector<16xf32>
        %get3A_182 = arith.index_cast %scan3A_162 : i32 to index
        %get3A_183 = arith.constant 80 : index
        %get3A_184 = tpu.vector_load %arg11[%get3A_182, %get3A_183] {strides = array<i32>} : memref<4x128xf32, #tpu.memory_space<vmem>>, vector<1x16xf32>,
        %get3A_185 = vector.shape_cast %get3A_184 : vector<1x16xf32> to vector<16xf32>
        %get3A_186 = arith.index_cast %scan3A_162 : i32 to index
        %get3A_187 = arith.constant 96 : index
        %get3A_188 = tpu.vector_load %arg11[%get3A_186, %get3A_187] {strides = array<i32>} : memref<4x128xf32, #tpu.memory_space<vmem>>, vector<1x16xf32>,
        %get3A_189 = vector.shape_cast %get3A_188 : vector<1x16xf32> to vector<16xf32>
        %get3A_190 = arith.index_cast %scan3A_162 : i32 to index
        %get3A_191 = arith.constant 112 : index
        %get3A_192 = tpu.vector_load %arg11[%get3A_190, %get3A_191] {strides = array<i32>} : memref<4x128xf32, #tpu.memory_space<vmem>>, vector<1x16xf32>,
        %get3A_193 = vector.shape_cast %get3A_192 : vector<1x16xf32> to vector<16xf32>
        %mul3A_194 = arith.constant 4 : i32
        %mul3A_195 = arith.muli %add3A_57, %mul3A_194 : i32
        %add3A_196 = arith.addi %mul3A_195, %scan3A_162 : i32
        %mul3A_197 = arith.constant 0.17407766 : f32
        %mul3A_198 = vector.broadcast %mul3A_197 : f32 to vector<16xf32>
        %mul3A_199 = arith.mulf %get3A_165, %mul3A_198 : vector<16xf32>
        %gt3A = arith.constant 0.000000e+00 : f32
        %gt3A_200 = vector.broadcast %gt3A : f32 to vector<16xf32>
        %gt3A_201 = arith.cmpf ogt, %mul3A_199, %gt3A_200 : vector<16xf32>
        %exp3A = math.exp %mul3A_199 : vector<16xf32>
        %sub3A = arith.constant 1.000000e+00 : f32
        %sub3A_202 = vector.broadcast %sub3A : f32 to vector<16xf32>
        %sub3A_203 = arith.subf %exp3A, %sub3A_202 : vector<16xf32>
        %select_n3A = arith.select %gt3A_201, %mul3A_199, %sub3A_203 : vector<16xi1>, vector<16xf32>
        %swap3A = arith.index_cast %add3A_196 : i32 to index
        %swap3A_204 = arith.constant 0 : index
        %swap3A_205 = tpu.vector_load %arg6[%swap3A, %swap3A_204] {strides = array<i32>} : memref<320x128xf32, #tpu.memory_space<vmem>>, vector<1x16xf32>,
        %swap3A_206 = vector.shape_cast %swap3A_205 : vector<1x16xf32> to vector<16xf32>
        %swap3A_207 = vector.shape_cast %select_n3A : vector<16xf32> to vector<1x16xf32>
        tpu.vector_store %arg6[%swap3A, %swap3A_204], %swap3A_207 {strides = array<i32>} : memref<320x128xf32, #tpu.memory_space<vmem>>, vector<1x16xf32>,
        %mul3A_208 = arith.constant 0.17407766 : f32
        %mul3A_209 = vector.broadcast %mul3A_208 : f32 to vector<16xf32>
        %mul3A_210 = arith.mulf %get3A_169, %mul3A_209 : vector<16xf32>
        %gt3A_211 = arith.constant 0.000000e+00 : f32
        %gt3A_212 = vector.broadcast %gt3A_211 : f32 to vector<16xf32>
        %gt3A_213 = arith.cmpf ogt, %mul3A_210, %gt3A_212 : vector<16xf32>
        %exp3A_214 = math.exp %mul3A_210 : vector<16xf32>
        %sub3A_215 = arith.constant 1.000000e+00 : f32
        %sub3A_216 = vector.broadcast %sub3A_215 : f32 to vector<16xf32>
        %sub3A_217 = arith.subf %exp3A_214, %sub3A_216 : vector<16xf32>
        %select_n3A_218 = arith.select %gt3A_213, %mul3A_210, %sub3A_217 : vector<16xi1>, vector<16xf32>
        %swap3A_219 = arith.index_cast %add3A_196 : i32 to index
        %swap3A_220 = arith.constant 16 : index
        %swap3A_221 = tpu.vector_load %arg6[%swap3A_219, %swap3A_220] {strides = array<i32>} : memref<320x128xf32, #tpu.memory_space<vmem>>, vector<1x16xf32>,
        %swap3A_222 = vector.shape_cast %swap3A_221 : vector<1x16xf32> to vector<16xf32>
        %swap3A_223 = vector.shape_cast %select_n3A_218 : vector<16xf32> to vector<1x16xf32>
        tpu.vector_store %arg6[%swap3A_219, %swap3A_220], %swap3A_223 {strides = array<i32>} : memref<320x128xf32, #tpu.memory_space<vmem>>, vector<1x16xf32>,
        %mul3A_224 = arith.constant 0.17407766 : f32
        %mul3A_225 = vector.broadcast %mul3A_224 : f32 to vector<16xf32>
        %mul3A_226 = arith.mulf %get3A_173, %mul3A_225 : vector<16xf32>
        %gt3A_227 = arith.constant 0.000000e+00 : f32
        %gt3A_228 = vector.broadcast %gt3A_227 : f32 to vector<16xf32>
        %gt3A_229 = arith.cmpf ogt, %mul3A_226, %gt3A_228 : vector<16xf32>
        %exp3A_230 = math.exp %mul3A_226 : vector<16xf32>
        %sub3A_231 = arith.constant 1.000000e+00 : f32
        %sub3A_232 = vector.broadcast %sub3A_231 : f32 to vector<16xf32>
        %sub3A_233 = arith.subf %exp3A_230, %sub3A_232 : vector<16xf32>
        %select_n3A_234 = arith.select %gt3A_229, %mul3A_226, %sub3A_233 : vector<16xi1>, vector<16xf32>
        %swap3A_235 = arith.index_cast %add3A_196 : i32 to index
        %swap3A_236 = arith.constant 32 : index
        %swap3A_237 = tpu.vector_load %arg6[%swap3A_235, %swap3A_236] {strides = array<i32>} : memref<320x128xf32, #tpu.memory_space<vmem>>, vector<1x16xf32>,
        %swap3A_238 = vector.shape_cast %swap3A_237 : vector<1x16xf32> to vector<16xf32>
        %swap3A_239 = vector.shape_cast %select_n3A_234 : vector<16xf32> to vector<1x16xf32>
        tpu.vector_store %arg6[%swap3A_235, %swap3A_236], %swap3A_239 {strides = array<i32>} : memref<320x128xf32, #tpu.memory_space<vmem>>, vector<1x16xf32>,
        %mul3A_240 = arith.constant 0.17407766 : f32
        %mul3A_241 = vector.broadcast %mul3A_240 : f32 to vector<16xf32>
        %mul3A_242 = arith.mulf %get3A_177, %mul3A_241 : vector<16xf32>
        %gt3A_243 = arith.constant 0.000000e+00 : f32
        %gt3A_244 = vector.broadcast %gt3A_243 : f32 to vector<16xf32>
        %gt3A_245 = arith.cmpf ogt, %mul3A_242, %gt3A_244 : vector<16xf32>
        %exp3A_246 = math.exp %mul3A_242 : vector<16xf32>
        %sub3A_247 = arith.constant 1.000000e+00 : f32
        %sub3A_248 = vector.broadcast %sub3A_247 : f32 to vector<16xf32>
        %sub3A_249 = arith.subf %exp3A_246, %sub3A_248 : vector<16xf32>
        %select_n3A_250 = arith.select %gt3A_245, %mul3A_242, %sub3A_249 : vector<16xi1>, vector<16xf32>
        %swap3A_251 = arith.index_cast %add3A_196 : i32 to index
        %swap3A_252 = arith.constant 48 : index
        %swap3A_253 = tpu.vector_load %arg6[%swap3A_251, %swap3A_252] {strides = array<i32>} : memref<320x128xf32, #tpu.memory_space<vmem>>, vector<1x16xf32>,
        %swap3A_254 = vector.shape_cast %swap3A_253 : vector<1x16xf32> to vector<16xf32>
        %swap3A_255 = vector.shape_cast %select_n3A_250 : vector<16xf32> to vector<1x16xf32>
        tpu.vector_store %arg6[%swap3A_251, %swap3A_252], %swap3A_255 {strides = array<i32>} : memref<320x128xf32, #tpu.memory_space<vmem>>, vector<1x16xf32>,
        %mul3A_256 = arith.constant 0.17407766 : f32
        %mul3A_257 = vector.broadcast %mul3A_256 : f32 to vector<16xf32>
        %mul3A_258 = arith.mulf %get3A_181, %mul3A_257 : vector<16xf32>
        %gt3A_259 = arith.constant 0.000000e+00 : f32
        %gt3A_260 = vector.broadcast %gt3A_259 : f32 to vector<16xf32>
        %gt3A_261 = arith.cmpf ogt, %mul3A_258, %gt3A_260 : vector<16xf32>
        %exp3A_262 = math.exp %mul3A_258 : vector<16xf32>
        %sub3A_263 = arith.constant 1.000000e+00 : f32
        %sub3A_264 = vector.broadcast %sub3A_263 : f32 to vector<16xf32>
        %sub3A_265 = arith.subf %exp3A_262, %sub3A_264 : vector<16xf32>
        %select_n3A_266 = arith.select %gt3A_261, %mul3A_258, %sub3A_265 : vector<16xi1>, vector<16xf32>
        %swap3A_267 = arith.index_cast %add3A_196 : i32 to index
        %swap3A_268 = arith.constant 64 : index
        %swap3A_269 = tpu.vector_load %arg6[%swap3A_267, %swap3A_268] {strides = array<i32>} : memref<320x128xf32, #tpu.memory_space<vmem>>, vector<1x16xf32>,
        %swap3A_270 = vector.shape_cast %swap3A_269 : vector<1x16xf32> to vector<16xf32>
        %swap3A_271 = vector.shape_cast %select_n3A_266 : vector<16xf32> to vector<1x16xf32>
        tpu.vector_store %arg6[%swap3A_267, %swap3A_268], %swap3A_271 {strides = array<i32>} : memref<320x128xf32, #tpu.memory_space<vmem>>, vector<1x16xf32>,
        %mul3A_272 = arith.constant 0.17407766 : f32
        %mul3A_273 = vector.broadcast %mul3A_272 : f32 to vector<16xf32>
        %mul3A_274 = arith.mulf %get3A_185, %mul3A_273 : vector<16xf32>
        %gt3A_275 = arith.constant 0.000000e+00 : f32
        %gt3A_276 = vector.broadcast %gt3A_275 : f32 to vector<16xf32>
        %gt3A_277 = arith.cmpf ogt, %mul3A_274, %gt3A_276 : vector<16xf32>
        %exp3A_278 = math.exp %mul3A_274 : vector<16xf32>
        %sub3A_279 = arith.constant 1.000000e+00 : f32
        %sub3A_280 = vector.broadcast %sub3A_279 : f32 to vector<16xf32>
        %sub3A_281 = arith.subf %exp3A_278, %sub3A_280 : vector<16xf32>
        %select_n3A_282 = arith.select %gt3A_277, %mul3A_274, %sub3A_281 : vector<16xi1>, vector<16xf32>
        %swap3A_283 = arith.index_cast %add3A_196 : i32 to index
        %swap3A_284 = arith.constant 80 : index
        %swap3A_285 = tpu.vector_load %arg6[%swap3A_283, %swap3A_284] {strides = array<i32>} : memref<320x128xf32, #tpu.memory_space<vmem>>, vector<1x16xf32>,
        %swap3A_286 = vector.shape_cast %swap3A_285 : vector<1x16xf32> to vector<16xf32>
        %swap3A_287 = vector.shape_cast %select_n3A_282 : vector<16xf32> to vector<1x16xf32>
        tpu.vector_store %arg6[%swap3A_283, %swap3A_284], %swap3A_287 {strides = array<i32>} : memref<320x128xf32, #tpu.memory_space<vmem>>, vector<1x16xf32>,
        %mul3A_288 = arith.constant 0.17407766 : f32
        %mul3A_289 = vector.broadcast %mul3A_288 : f32 to vector<16xf32>
        %mul3A_290 = arith.mulf %get3A_189, %mul3A_289 : vector<16xf32>
        %gt3A_291 = arith.constant 0.000000e+00 : f32
        %gt3A_292 = vector.broadcast %gt3A_291 : f32 to vector<16xf32>
        %gt3A_293 = arith.cmpf ogt, %mul3A_290, %gt3A_292 : vector<16xf32>
        %exp3A_294 = math.exp %mul3A_290 : vector<16xf32>
        %sub3A_295 = arith.constant 1.000000e+00 : f32
        %sub3A_296 = vector.broadcast %sub3A_295 : f32 to vector<16xf32>
        %sub3A_297 = arith.subf %exp3A_294, %sub3A_296 : vector<16xf32>
        %select_n3A_298 = arith.select %gt3A_293, %mul3A_290, %sub3A_297 : vector<16xi1>, vector<16xf32>
        %swap3A_299 = arith.index_cast %add3A_196 : i32 to index
        %swap3A_300 = arith.constant 96 : index
        %swap3A_301 = tpu.vector_load %arg6[%swap3A_299, %swap3A_300] {strides = array<i32>} : memref<320x128xf32, #tpu.memory_space<vmem>>, vector<1x16xf32>,
        %swap3A_302 = vector.shape_cast %swap3A_301 : vector<1x16xf32> to vector<16xf32>
        %swap3A_303 = vector.shape_cast %select_n3A_298 : vector<16xf32> to vector<1x16xf32>
        tpu.vector_store %arg6[%swap3A_299, %swap3A_300], %swap3A_303 {strides = array<i32>} : memref<320x128xf32, #tpu.memory_space<vmem>>, vector<1x16xf32>,
        %mul3A_304 = arith.constant 0.17407766 : f32
        %mul3A_305 = vector.broadcast %mul3A_304 : f32 to vector<16xf32>
        %mul3A_306 = arith.mulf %get3A_193, %mul3A_305 : vector<16xf32>
        %gt3A_307 = arith.constant 0.000000e+00 : f32
        %gt3A_308 = vector.broadcast %gt3A_307 : f32 to vector<16xf32>
        %gt3A_309 = arith.cmpf ogt, %mul3A_306, %gt3A_308 : vector<16xf32>
        %exp3A_310 = math.exp %mul3A_306 : vector<16xf32>
        %sub3A_311 = arith.constant 1.000000e+00 : f32
        %sub3A_312 = vector.broadcast %sub3A_311 : f32 to vector<16xf32>
        %sub3A_313 = arith.subf %exp3A_310, %sub3A_312 : vector<16xf32>
        %select_n3A_314 = arith.select %gt3A_309, %mul3A_306, %sub3A_313 : vector<16xi1>, vector<16xf32>
        %swap3A_315 = arith.index_cast %add3A_196 : i32 to index
        %swap3A_316 = arith.constant 112 : index
        %swap3A_317 = tpu.vector_load %arg6[%swap3A_315, %swap3A_316] {strides = array<i32>} : memref<320x128xf32, #tpu.memory_space<vmem>>, vector<1x16xf32>,
        %swap3A_318 = vector.shape_cast %swap3A_317 : vector<1x16xf32> to vector<16xf32>
        %swap3A_319 = vector.shape_cast %select_n3A_314 : vector<16xf32> to vector<1x16xf32>
        tpu.vector_store %arg6[%swap3A_315, %swap3A_316], %swap3A_319 {strides = array<i32>} : memref<320x128xf32, #tpu.memory_space<vmem>>, vector<1x16xf32>,
      }
      %scan3A_73 = arith.constant 4 : i32
      %add3A_74 = arith.constant 4 : i32
      %add3A_75 = arith.addi %add3A_57, %add3A_74 : i32
      %lt3A = arith.constant 80 : i32
      %lt3A_76 = arith.cmpi slt, %add3A_75, %lt3A : i32
      %convert_element_type3A = arith.extui %lt3A_76 : i1 to i32
      %cond3A = arith.constant 0 : i32
      %cond3A_77 = arith.cmpi ne, %convert_element_type3A, %cond3A : i32
      scf.if %cond3A_77 {
        %mul3A_162 = arith.constant 128 : i32
        %mul3A_163 = arith.muli %add3A_75, %mul3A_162 : i32
        %dma_start3A_164 = tpu.memref_slice %arg5[%mul3A_163] : memref<10240xi32, #tpu.memory_space<vmem>> -> memref<128xi32, #tpu.memory_space<vmem>>
        %dma_start3A_165 = arith.constant 0 : i32
        %dma_start3A_166 = arith.constant 0 : i32
        %dma_start3A_167 = tpu.memref_slice %arg2[%dma_start3A_165, %dma_start3A_166] : memref<10240x128xf32, #tpu.memory_space<hbm>> -> memref<10240x128xf32, #tpu.memory_space<hbm>>
        tpu.enqueue_indirect_dma source(%dma_start3A_167 : memref<10240x128xf32, #tpu.memory_space<hbm>>) target(%arg7 : memref<128x128xf32, #tpu.memory_space<vmem>>) offsets(%dma_start3A_164 : memref<128xi32, #tpu.memory_space<vmem>>) semaphore(%arg15 : memref<!tpu.dma_semaphore, #tpu.memory_space<semaphore_mem>>)
        %mul3A_168 = arith.constant 4 : i32
        %mul3A_169 = arith.muli %add3A_75, %mul3A_168 : i32
        %add3A_170 = arith.addi %mul3A_2, %mul3A_169 : i32
        %dma_start3A_171 = arith.constant 0 : i32
        %dma_start3A_172 = tpu.memref_slice %arg2[%add3A_170, %dma_start3A_171] : memref<10240x128xf32, #tpu.memory_space<hbm>> -> memref<4x128xf32, #tpu.memory_space<hbm>>
        %dma_start3A_173 = arith.constant 0 : i32
        %dma_start3A_174 = tpu.memref_slice %arg2[%add3A_170, %dma_start3A_173] : memref<10240x128xf32, #tpu.memory_space<hbm>> -> memref<4x128xf32, #tpu.memory_space<hbm>>
        tpu.enqueue_dma source(%dma_start3A_174 : memref<4x128xf32, #tpu.memory_space<hbm>>) target(%arg11 : memref<4x128xf32, #tpu.memory_space<vmem>>) target_semaphore(%arg19 : memref<!tpu.dma_semaphore, #tpu.memory_space<semaphore_mem>>)
      } else {
      }
      %mul3A_78 = arith.constant 4 : i32
      %mul3A_79 = arith.muli %scan3A_53, %mul3A_78 : i32
      %add3A_80 = arith.constant 1 : i32
      %add3A_81 = arith.addi %mul3A_79, %add3A_80 : i32
      %dma_wait3A_82 = arith.constant 0 : i32
      %dma_wait3A_83 = tpu.memref_slice %arg5[%dma_wait3A_82] : memref<10240xi32, #tpu.memory_space<vmem>> -> memref<128xi32, #tpu.memory_space<vmem>>
      %dma_wait3A_84 = arith.constant 0 : i32
      %dma_wait3A_85 = arith.constant 0 : i32
      %dma_wait3A_86 = tpu.memref_slice %arg2[%dma_wait3A_84, %dma_wait3A_85] : memref<10240x128xf32, #tpu.memory_space<hbm>> -> memref<10240x128xf32, #tpu.memory_space<hbm>>
      tpu.wait_indirect_dma semaphore(%arg16 : memref<!tpu.dma_semaphore, #tpu.memory_space<semaphore_mem>>) src(%dma_wait3A_86 : memref<10240x128xf32, #tpu.memory_space<hbm>>) dst(%arg8 : memref<128x128xf32, #tpu.memory_space<vmem>>)
      %dma_wait3A_87 = arith.constant 0 : i32
      %dma_wait3A_88 = arith.constant 0 : i32
      %dma_wait3A_89 = tpu.memref_slice %arg2[%dma_wait3A_87, %dma_wait3A_88] : memref<10240x128xf32, #tpu.memory_space<hbm>> -> memref<4x128xf32, #tpu.memory_space<hbm>>
      %dma_wait3A_90 = arith.constant 0 : i32
      %dma_wait3A_91 = arith.constant 0 : i32
      %dma_wait3A_92 = tpu.memref_slice %arg2[%dma_wait3A_90, %dma_wait3A_91] : memref<10240x128xf32, #tpu.memory_space<hbm>> -> memref<4x128xf32, #tpu.memory_space<hbm>>
      tpu.wait_dma2 semaphore(%arg20 : memref<!tpu.dma_semaphore, #tpu.memory_space<semaphore_mem>>) src(%dma_wait3A_92 : memref<4x128xf32, #tpu.memory_space<hbm>>) dst(%arg12 : memref<4x128xf32, #tpu.memory_space<vmem>>)
      %scan3A_93 = arith.constant 0 : i32
      %scan3A_94 = arith.constant 0 : i32
      %scan3A_95 = arith.constant 4 : i32
      %scan3A_96 = arith.addi %scan3A_94, %scan3A_95 : i32
      %scan3A_97 = arith.constant 1 : i32
      scf.for %scan3A_162 = %scan3A_94 to %scan3A_96 step %scan3A_97  : i32 {
        %get3A = arith.index_cast %scan3A_162 : i32 to index
        %get3A_163 = arith.constant 0 : index
        %get3A_164 = tpu.vector_load %arg12[%get3A, %get3A_163] {strides = array<i32>} : memref<4x128xf32, #tpu.memory_space<vmem>>, vector<1x16xf32>,
        %get3A_165 = vector.shape_cast %get3A_164 : vector<1x16xf32> to vector<16xf32>
        %get3A_166 = arith.index_cast %scan3A_162 : i32 to index
        %get3A_167 = arith.constant 16 : index
        %get3A_168 = tpu.vector_load %arg12[%get3A_166, %get3A_167] {strides = array<i32>} : memref<4x128xf32, #tpu.memory_space<vmem>>, vector<1x16xf32>,
        %get3A_169 = vector.shape_cast %get3A_168 : vector<1x16xf32> to vector<16xf32>
        %get3A_170 = arith.index_cast %scan3A_162 : i32 to index
        %get3A_171 = arith.constant 32 : index
        %get3A_172 = tpu.vector_load %arg12[%get3A_170, %get3A_171] {strides = array<i32>} : memref<4x128xf32, #tpu.memory_space<vmem>>, vector<1x16xf32>,
        %get3A_173 = vector.shape_cast %get3A_172 : vector<1x16xf32> to vector<16xf32>
        %get3A_174 = arith.index_cast %scan3A_162 : i32 to index
        %get3A_175 = arith.constant 48 : index
        %get3A_176 = tpu.vector_load %arg12[%get3A_174, %get3A_175] {strides = array<i32>} : memref<4x128xf32, #tpu.memory_space<vmem>>, vector<1x16xf32>,
        %get3A_177 = vector.shape_cast %get3A_176 : vector<1x16xf32> to vector<16xf32>
        %get3A_178 = arith.index_cast %scan3A_162 : i32 to index
        %get3A_179 = arith.constant 64 : index
        %get3A_180 = tpu.vector_load %arg12[%get3A_178, %get3A_179] {strides = array<i32>} : memref<4x128xf32, #tpu.memory_space<vmem>>, vector<1x16xf32>,
        %get3A_181 = vector.shape_cast %get3A_180 : vector<1x16xf32> to vector<16xf32>
        %get3A_182 = arith.index_cast %scan3A_162 : i32 to index
        %get3A_183 = arith.constant 80 : index
        %get3A_184 = tpu.vector_load %arg12[%get3A_182, %get3A_183] {strides = array<i32>} : memref<4x128xf32, #tpu.memory_space<vmem>>, vector<1x16xf32>,
        %get3A_185 = vector.shape_cast %get3A_184 : vector<1x16xf32> to vector<16xf32>
        %get3A_186 = arith.index_cast %scan3A_162 : i32 to index
        %get3A_187 = arith.constant 96 : index
        %get3A_188 = tpu.vector_load %arg12[%get3A_186, %get3A_187] {strides = array<i32>} : memref<4x128xf32, #tpu.memory_space<vmem>>, vector<1x16xf32>,
        %get3A_189 = vector.shape_cast %get3A_188 : vector<1x16xf32> to vector<16xf32>
        %get3A_190 = arith.index_cast %scan3A_162 : i32 to index
        %get3A_191 = arith.constant 112 : index
        %get3A_192 = tpu.vector_load %arg12[%get3A_190, %get3A_191] {strides = array<i32>} : memref<4x128xf32, #tpu.memory_space<vmem>>, vector<1x16xf32>,
        %get3A_193 = vector.shape_cast %get3A_192 : vector<1x16xf32> to vector<16xf32>
        %mul3A_194 = arith.constant 4 : i32
        %mul3A_195 = arith.muli %add3A_81, %mul3A_194 : i32
        %add3A_196 = arith.addi %mul3A_195, %scan3A_162 : i32
        %mul3A_197 = arith.constant 0.17407766 : f32
        %mul3A_198 = vector.broadcast %mul3A_197 : f32 to vector<16xf32>
        %mul3A_199 = arith.mulf %get3A_165, %mul3A_198 : vector<16xf32>
        %gt3A = arith.constant 0.000000e+00 : f32
        %gt3A_200 = vector.broadcast %gt3A : f32 to vector<16xf32>
        %gt3A_201 = arith.cmpf ogt, %mul3A_199, %gt3A_200 : vector<16xf32>
        %exp3A = math.exp %mul3A_199 : vector<16xf32>
        %sub3A = arith.constant 1.000000e+00 : f32
        %sub3A_202 = vector.broadcast %sub3A : f32 to vector<16xf32>
        %sub3A_203 = arith.subf %exp3A, %sub3A_202 : vector<16xf32>
        %select_n3A = arith.select %gt3A_201, %mul3A_199, %sub3A_203 : vector<16xi1>, vector<16xf32>
        %swap3A = arith.index_cast %add3A_196 : i32 to index
        %swap3A_204 = arith.constant 0 : index
        %swap3A_205 = tpu.vector_load %arg6[%swap3A, %swap3A_204] {strides = array<i32>} : memref<320x128xf32, #tpu.memory_space<vmem>>, vector<1x16xf32>,
        %swap3A_206 = vector.shape_cast %swap3A_205 : vector<1x16xf32> to vector<16xf32>
        %swap3A_207 = vector.shape_cast %select_n3A : vector<16xf32> to vector<1x16xf32>
        tpu.vector_store %arg6[%swap3A, %swap3A_204], %swap3A_207 {strides = array<i32>} : memref<320x128xf32, #tpu.memory_space<vmem>>, vector<1x16xf32>,
        %mul3A_208 = arith.constant 0.17407766 : f32
        %mul3A_209 = vector.broadcast %mul3A_208 : f32 to vector<16xf32>
        %mul3A_210 = arith.mulf %get3A_169, %mul3A_209 : vector<16xf32>
        %gt3A_211 = arith.constant 0.000000e+00 : f32
        %gt3A_212 = vector.broadcast %gt3A_211 : f32 to vector<16xf32>
        %gt3A_213 = arith.cmpf ogt, %mul3A_210, %gt3A_212 : vector<16xf32>
        %exp3A_214 = math.exp %mul3A_210 : vector<16xf32>
        %sub3A_215 = arith.constant 1.000000e+00 : f32
        %sub3A_216 = vector.broadcast %sub3A_215 : f32 to vector<16xf32>
        %sub3A_217 = arith.subf %exp3A_214, %sub3A_216 : vector<16xf32>
        %select_n3A_218 = arith.select %gt3A_213, %mul3A_210, %sub3A_217 : vector<16xi1>, vector<16xf32>
        %swap3A_219 = arith.index_cast %add3A_196 : i32 to index
        %swap3A_220 = arith.constant 16 : index
        %swap3A_221 = tpu.vector_load %arg6[%swap3A_219, %swap3A_220] {strides = array<i32>} : memref<320x128xf32, #tpu.memory_space<vmem>>, vector<1x16xf32>,
        %swap3A_222 = vector.shape_cast %swap3A_221 : vector<1x16xf32> to vector<16xf32>
        %swap3A_223 = vector.shape_cast %select_n3A_218 : vector<16xf32> to vector<1x16xf32>
        tpu.vector_store %arg6[%swap3A_219, %swap3A_220], %swap3A_223 {strides = array<i32>} : memref<320x128xf32, #tpu.memory_space<vmem>>, vector<1x16xf32>,
        %mul3A_224 = arith.constant 0.17407766 : f32
        %mul3A_225 = vector.broadcast %mul3A_224 : f32 to vector<16xf32>
        %mul3A_226 = arith.mulf %get3A_173, %mul3A_225 : vector<16xf32>
        %gt3A_227 = arith.constant 0.000000e+00 : f32
        %gt3A_228 = vector.broadcast %gt3A_227 : f32 to vector<16xf32>
        %gt3A_229 = arith.cmpf ogt, %mul3A_226, %gt3A_228 : vector<16xf32>
        %exp3A_230 = math.exp %mul3A_226 : vector<16xf32>
        %sub3A_231 = arith.constant 1.000000e+00 : f32
        %sub3A_232 = vector.broadcast %sub3A_231 : f32 to vector<16xf32>
        %sub3A_233 = arith.subf %exp3A_230, %sub3A_232 : vector<16xf32>
        %select_n3A_234 = arith.select %gt3A_229, %mul3A_226, %sub3A_233 : vector<16xi1>, vector<16xf32>
        %swap3A_235 = arith.index_cast %add3A_196 : i32 to index
        %swap3A_236 = arith.constant 32 : index
        %swap3A_237 = tpu.vector_load %arg6[%swap3A_235, %swap3A_236] {strides = array<i32>} : memref<320x128xf32, #tpu.memory_space<vmem>>, vector<1x16xf32>,
        %swap3A_238 = vector.shape_cast %swap3A_237 : vector<1x16xf32> to vector<16xf32>
        %swap3A_239 = vector.shape_cast %select_n3A_234 : vector<16xf32> to vector<1x16xf32>
        tpu.vector_store %arg6[%swap3A_235, %swap3A_236], %swap3A_239 {strides = array<i32>} : memref<320x128xf32, #tpu.memory_space<vmem>>, vector<1x16xf32>,
        %mul3A_240 = arith.constant 0.17407766 : f32
        %mul3A_241 = vector.broadcast %mul3A_240 : f32 to vector<16xf32>
        %mul3A_242 = arith.mulf %get3A_177, %mul3A_241 : vector<16xf32>
        %gt3A_243 = arith.constant 0.000000e+00 : f32
        %gt3A_244 = vector.broadcast %gt3A_243 : f32 to vector<16xf32>
        %gt3A_245 = arith.cmpf ogt, %mul3A_242, %gt3A_244 : vector<16xf32>
        %exp3A_246 = math.exp %mul3A_242 : vector<16xf32>
        %sub3A_247 = arith.constant 1.000000e+00 : f32
        %sub3A_248 = vector.broadcast %sub3A_247 : f32 to vector<16xf32>
        %sub3A_249 = arith.subf %exp3A_246, %sub3A_248 : vector<16xf32>
        %select_n3A_250 = arith.select %gt3A_245, %mul3A_242, %sub3A_249 : vector<16xi1>, vector<16xf32>
        %swap3A_251 = arith.index_cast %add3A_196 : i32 to index
        %swap3A_252 = arith.constant 48 : index
        %swap3A_253 = tpu.vector_load %arg6[%swap3A_251, %swap3A_252] {strides = array<i32>} : memref<320x128xf32, #tpu.memory_space<vmem>>, vector<1x16xf32>,
        %swap3A_254 = vector.shape_cast %swap3A_253 : vector<1x16xf32> to vector<16xf32>
        %swap3A_255 = vector.shape_cast %select_n3A_250 : vector<16xf32> to vector<1x16xf32>
        tpu.vector_store %arg6[%swap3A_251, %swap3A_252], %swap3A_255 {strides = array<i32>} : memref<320x128xf32, #tpu.memory_space<vmem>>, vector<1x16xf32>,
        %mul3A_256 = arith.constant 0.17407766 : f32
        %mul3A_257 = vector.broadcast %mul3A_256 : f32 to vector<16xf32>
        %mul3A_258 = arith.mulf %get3A_181, %mul3A_257 : vector<16xf32>
        %gt3A_259 = arith.constant 0.000000e+00 : f32
        %gt3A_260 = vector.broadcast %gt3A_259 : f32 to vector<16xf32>
        %gt3A_261 = arith.cmpf ogt, %mul3A_258, %gt3A_260 : vector<16xf32>
        %exp3A_262 = math.exp %mul3A_258 : vector<16xf32>
        %sub3A_263 = arith.constant 1.000000e+00 : f32
        %sub3A_264 = vector.broadcast %sub3A_263 : f32 to vector<16xf32>
        %sub3A_265 = arith.subf %exp3A_262, %sub3A_264 : vector<16xf32>
        %select_n3A_266 = arith.select %gt3A_261, %mul3A_258, %sub3A_265 : vector<16xi1>, vector<16xf32>
        %swap3A_267 = arith.index_cast %add3A_196 : i32 to index
        %swap3A_268 = arith.constant 64 : index
        %swap3A_269 = tpu.vector_load %arg6[%swap3A_267, %swap3A_268] {strides = array<i32>} : memref<320x128xf32, #tpu.memory_space<vmem>>, vector<1x16xf32>,
        %swap3A_270 = vector.shape_cast %swap3A_269 : vector<1x16xf32> to vector<16xf32>
        %swap3A_271 = vector.shape_cast %select_n3A_266 : vector<16xf32> to vector<1x16xf32>
        tpu.vector_store %arg6[%swap3A_267, %swap3A_268], %swap3A_271 {strides = array<i32>} : memref<320x128xf32, #tpu.memory_space<vmem>>, vector<1x16xf32>,
        %mul3A_272 = arith.constant 0.17407766 : f32
        %mul3A_273 = vector.broadcast %mul3A_272 : f32 to vector<16xf32>
        %mul3A_274 = arith.mulf %get3A_185, %mul3A_273 : vector<16xf32>
        %gt3A_275 = arith.constant 0.000000e+00 : f32
        %gt3A_276 = vector.broadcast %gt3A_275 : f32 to vector<16xf32>
        %gt3A_277 = arith.cmpf ogt, %mul3A_274, %gt3A_276 : vector<16xf32>
        %exp3A_278 = math.exp %mul3A_274 : vector<16xf32>
        %sub3A_279 = arith.constant 1.000000e+00 : f32
        %sub3A_280 = vector.broadcast %sub3A_279 : f32 to vector<16xf32>
        %sub3A_281 = arith.subf %exp3A_278, %sub3A_280 : vector<16xf32>
        %select_n3A_282 = arith.select %gt3A_277, %mul3A_274, %sub3A_281 : vector<16xi1>, vector<16xf32>
        %swap3A_283 = arith.index_cast %add3A_196 : i32 to index
        %swap3A_284 = arith.constant 80 : index
        %swap3A_285 = tpu.vector_load %arg6[%swap3A_283, %swap3A_284] {strides = array<i32>} : memref<320x128xf32, #tpu.memory_space<vmem>>, vector<1x16xf32>,
        %swap3A_286 = vector.shape_cast %swap3A_285 : vector<1x16xf32> to vector<16xf32>
        %swap3A_287 = vector.shape_cast %select_n3A_282 : vector<16xf32> to vector<1x16xf32>
        tpu.vector_store %arg6[%swap3A_283, %swap3A_284], %swap3A_287 {strides = array<i32>} : memref<320x128xf32, #tpu.memory_space<vmem>>, vector<1x16xf32>,
        %mul3A_288 = arith.constant 0.17407766 : f32
        %mul3A_289 = vector.broadcast %mul3A_288 : f32 to vector<16xf32>
        %mul3A_290 = arith.mulf %get3A_189, %mul3A_289 : vector<16xf32>
        %gt3A_291 = arith.constant 0.000000e+00 : f32
        %gt3A_292 = vector.broadcast %gt3A_291 : f32 to vector<16xf32>
        %gt3A_293 = arith.cmpf ogt, %mul3A_290, %gt3A_292 : vector<16xf32>
        %exp3A_294 = math.exp %mul3A_290 : vector<16xf32>
        %sub3A_295 = arith.constant 1.000000e+00 : f32
        %sub3A_296 = vector.broadcast %sub3A_295 : f32 to vector<16xf32>
        %sub3A_297 = arith.subf %exp3A_294, %sub3A_296 : vector<16xf32>
        %select_n3A_298 = arith.select %gt3A_293, %mul3A_290, %sub3A_297 : vector<16xi1>, vector<16xf32>
        %swap3A_299 = arith.index_cast %add3A_196 : i32 to index
        %swap3A_300 = arith.constant 96 : index
        %swap3A_301 = tpu.vector_load %arg6[%swap3A_299, %swap3A_300] {strides = array<i32>} : memref<320x128xf32, #tpu.memory_space<vmem>>, vector<1x16xf32>,
        %swap3A_302 = vector.shape_cast %swap3A_301 : vector<1x16xf32> to vector<16xf32>
        %swap3A_303 = vector.shape_cast %select_n3A_298 : vector<16xf32> to vector<1x16xf32>
        tpu.vector_store %arg6[%swap3A_299, %swap3A_300], %swap3A_303 {strides = array<i32>} : memref<320x128xf32, #tpu.memory_space<vmem>>, vector<1x16xf32>,
        %mul3A_304 = arith.constant 0.17407766 : f32
        %mul3A_305 = vector.broadcast %mul3A_304 : f32 to vector<16xf32>
        %mul3A_306 = arith.mulf %get3A_193, %mul3A_305 : vector<16xf32>
        %gt3A_307 = arith.constant 0.000000e+00 : f32
        %gt3A_308 = vector.broadcast %gt3A_307 : f32 to vector<16xf32>
        %gt3A_309 = arith.cmpf ogt, %mul3A_306, %gt3A_308 : vector<16xf32>
        %exp3A_310 = math.exp %mul3A_306 : vector<16xf32>
        %sub3A_311 = arith.constant 1.000000e+00 : f32
        %sub3A_312 = vector.broadcast %sub3A_311 : f32 to vector<16xf32>
        %sub3A_313 = arith.subf %exp3A_310, %sub3A_312 : vector<16xf32>
        %select_n3A_314 = arith.select %gt3A_309, %mul3A_306, %sub3A_313 : vector<16xi1>, vector<16xf32>
        %swap3A_315 = arith.index_cast %add3A_196 : i32 to index
        %swap3A_316 = arith.constant 112 : index
        %swap3A_317 = tpu.vector_load %arg6[%swap3A_315, %swap3A_316] {strides = array<i32>} : memref<320x128xf32, #tpu.memory_space<vmem>>, vector<1x16xf32>,
        %swap3A_318 = vector.shape_cast %swap3A_317 : vector<1x16xf32> to vector<16xf32>
        %swap3A_319 = vector.shape_cast %select_n3A_314 : vector<16xf32> to vector<1x16xf32>
        tpu.vector_store %arg6[%swap3A_315, %swap3A_316], %swap3A_319 {strides = array<i32>} : memref<320x128xf32, #tpu.memory_space<vmem>>, vector<1x16xf32>,
      }
      %scan3A_98 = arith.constant 4 : i32
      %add3A_99 = arith.constant 4 : i32
      %add3A_100 = arith.addi %add3A_81, %add3A_99 : i32
      %lt3A_101 = arith.constant 80 : i32
      %lt3A_102 = arith.cmpi slt, %add3A_100, %lt3A_101 : i32
      %convert_element_type3A_103 = arith.extui %lt3A_102 : i1 to i32
      %cond3A_104 = arith.constant 0 : i32
      %cond3A_105 = arith.cmpi ne, %convert_element_type3A_103, %cond3A_104 : i32
      scf.if %cond3A_105 {
        %mul3A_162 = arith.constant 128 : i32
        %mul3A_163 = arith.muli %add3A_100, %mul3A_162 : i32
        %dma_start3A_164 = tpu.memref_slice %arg5[%mul3A_163] : memref<10240xi32, #tpu.memory_space<vmem>> -> memref<128xi32, #tpu.memory_space<vmem>>
        %dma_start3A_165 = arith.constant 0 : i32
        %dma_start3A_166 = arith.constant 0 : i32
        %dma_start3A_167 = tpu.memref_slice %arg2[%dma_start3A_165, %dma_start3A_166] : memref<10240x128xf32, #tpu.memory_space<hbm>> -> memref<10240x128xf32, #tpu.memory_space<hbm>>
        tpu.enqueue_indirect_dma source(%dma_start3A_167 : memref<10240x128xf32, #tpu.memory_space<hbm>>) target(%arg8 : memref<128x128xf32, #tpu.memory_space<vmem>>) offsets(%dma_start3A_164 : memref<128xi32, #tpu.memory_space<vmem>>) semaphore(%arg16 : memref<!tpu.dma_semaphore, #tpu.memory_space<semaphore_mem>>)
        %mul3A_168 = arith.constant 4 : i32
        %mul3A_169 = arith.muli %add3A_100, %mul3A_168 : i32
        %add3A_170 = arith.addi %mul3A_2, %mul3A_169 : i32
        %dma_start3A_171 = arith.constant 0 : i32
        %dma_start3A_172 = tpu.memref_slice %arg2[%add3A_170, %dma_start3A_171] : memref<10240x128xf32, #tpu.memory_space<hbm>> -> memref<4x128xf32, #tpu.memory_space<hbm>>
        %dma_start3A_173 = arith.constant 0 : i32
        %dma_start3A_174 = tpu.memref_slice %arg2[%add3A_170, %dma_start3A_173] : memref<10240x128xf32, #tpu.memory_space<hbm>> -> memref<4x128xf32, #tpu.memory_space<hbm>>
        tpu.enqueue_dma source(%dma_start3A_174 : memref<4x128xf32, #tpu.memory_space<hbm>>) target(%arg12 : memref<4x128xf32, #tpu.memory_space<vmem>>) target_semaphore(%arg20 : memref<!tpu.dma_semaphore, #tpu.memory_space<semaphore_mem>>)
      } else {
      }
      %mul3A_106 = arith.constant 4 : i32
      %mul3A_107 = arith.muli %scan3A_53, %mul3A_106 : i32
      %add3A_108 = arith.constant 2 : i32
      %add3A_109 = arith.addi %mul3A_107, %add3A_108 : i32
      %dma_wait3A_110 = arith.constant 0 : i32
      %dma_wait3A_111 = tpu.memref_slice %arg5[%dma_wait3A_110] : memref<10240xi32, #tpu.memory_space<vmem>> -> memref<128xi32, #tpu.memory_space<vmem>>
      %dma_wait3A_112 = arith.constant 0 : i32
      %dma_wait3A_113 = arith.constant 0 : i32
      %dma_wait3A_114 = tpu.memref_slice %arg2[%dma_wait3A_112, %dma_wait3A_113] : memref<10240x128xf32, #tpu.memory_space<hbm>> -> memref<10240x128xf32, #tpu.memory_space<hbm>>
      tpu.wait_indirect_dma semaphore(%arg17 : memref<!tpu.dma_semaphore, #tpu.memory_space<semaphore_mem>>) src(%dma_wait3A_114 : memref<10240x128xf32, #tpu.memory_space<hbm>>) dst(%arg9 : memref<128x128xf32, #tpu.memory_space<vmem>>)
      %dma_wait3A_115 = arith.constant 0 : i32
      %dma_wait3A_116 = arith.constant 0 : i32
      %dma_wait3A_117 = tpu.memref_slice %arg2[%dma_wait3A_115, %dma_wait3A_116] : memref<10240x128xf32, #tpu.memory_space<hbm>> -> memref<4x128xf32, #tpu.memory_space<hbm>>
      %dma_wait3A_118 = arith.constant 0 : i32
      %dma_wait3A_119 = arith.constant 0 : i32
      %dma_wait3A_120 = tpu.memref_slice %arg2[%dma_wait3A_118, %dma_wait3A_119] : memref<10240x128xf32, #tpu.memory_space<hbm>> -> memref<4x128xf32, #tpu.memory_space<hbm>>
      tpu.wait_dma2 semaphore(%arg21 : memref<!tpu.dma_semaphore, #tpu.memory_space<semaphore_mem>>) src(%dma_wait3A_120 : memref<4x128xf32, #tpu.memory_space<hbm>>) dst(%arg13 : memref<4x128xf32, #tpu.memory_space<vmem>>)
      %scan3A_121 = arith.constant 0 : i32
      %scan3A_122 = arith.constant 0 : i32
      %scan3A_123 = arith.constant 4 : i32
      %scan3A_124 = arith.addi %scan3A_122, %scan3A_123 : i32
      %scan3A_125 = arith.constant 1 : i32
      scf.for %scan3A_162 = %scan3A_122 to %scan3A_124 step %scan3A_125  : i32 {
        %get3A = arith.index_cast %scan3A_162 : i32 to index
        %get3A_163 = arith.constant 0 : index
        %get3A_164 = tpu.vector_load %arg13[%get3A, %get3A_163] {strides = array<i32>} : memref<4x128xf32, #tpu.memory_space<vmem>>, vector<1x16xf32>,
        %get3A_165 = vector.shape_cast %get3A_164 : vector<1x16xf32> to vector<16xf32>
        %get3A_166 = arith.index_cast %scan3A_162 : i32 to index
        %get3A_167 = arith.constant 16 : index
        %get3A_168 = tpu.vector_load %arg13[%get3A_166, %get3A_167] {strides = array<i32>} : memref<4x128xf32, #tpu.memory_space<vmem>>, vector<1x16xf32>,
        %get3A_169 = vector.shape_cast %get3A_168 : vector<1x16xf32> to vector<16xf32>
        %get3A_170 = arith.index_cast %scan3A_162 : i32 to index
        %get3A_171 = arith.constant 32 : index
        %get3A_172 = tpu.vector_load %arg13[%get3A_170, %get3A_171] {strides = array<i32>} : memref<4x128xf32, #tpu.memory_space<vmem>>, vector<1x16xf32>,
        %get3A_173 = vector.shape_cast %get3A_172 : vector<1x16xf32> to vector<16xf32>
        %get3A_174 = arith.index_cast %scan3A_162 : i32 to index
        %get3A_175 = arith.constant 48 : index
        %get3A_176 = tpu.vector_load %arg13[%get3A_174, %get3A_175] {strides = array<i32>} : memref<4x128xf32, #tpu.memory_space<vmem>>, vector<1x16xf32>,
        %get3A_177 = vector.shape_cast %get3A_176 : vector<1x16xf32> to vector<16xf32>
        %get3A_178 = arith.index_cast %scan3A_162 : i32 to index
        %get3A_179 = arith.constant 64 : index
        %get3A_180 = tpu.vector_load %arg13[%get3A_178, %get3A_179] {strides = array<i32>} : memref<4x128xf32, #tpu.memory_space<vmem>>, vector<1x16xf32>,
        %get3A_181 = vector.shape_cast %get3A_180 : vector<1x16xf32> to vector<16xf32>
        %get3A_182 = arith.index_cast %scan3A_162 : i32 to index
        %get3A_183 = arith.constant 80 : index
        %get3A_184 = tpu.vector_load %arg13[%get3A_182, %get3A_183] {strides = array<i32>} : memref<4x128xf32, #tpu.memory_space<vmem>>, vector<1x16xf32>,
        %get3A_185 = vector.shape_cast %get3A_184 : vector<1x16xf32> to vector<16xf32>
        %get3A_186 = arith.index_cast %scan3A_162 : i32 to index
        %get3A_187 = arith.constant 96 : index
        %get3A_188 = tpu.vector_load %arg13[%get3A_186, %get3A_187] {strides = array<i32>} : memref<4x128xf32, #tpu.memory_space<vmem>>, vector<1x16xf32>,
        %get3A_189 = vector.shape_cast %get3A_188 : vector<1x16xf32> to vector<16xf32>
        %get3A_190 = arith.index_cast %scan3A_162 : i32 to index
        %get3A_191 = arith.constant 112 : index
        %get3A_192 = tpu.vector_load %arg13[%get3A_190, %get3A_191] {strides = array<i32>} : memref<4x128xf32, #tpu.memory_space<vmem>>, vector<1x16xf32>,
        %get3A_193 = vector.shape_cast %get3A_192 : vector<1x16xf32> to vector<16xf32>
        %mul3A_194 = arith.constant 4 : i32
        %mul3A_195 = arith.muli %add3A_109, %mul3A_194 : i32
        %add3A_196 = arith.addi %mul3A_195, %scan3A_162 : i32
        %mul3A_197 = arith.constant 0.17407766 : f32
        %mul3A_198 = vector.broadcast %mul3A_197 : f32 to vector<16xf32>
        %mul3A_199 = arith.mulf %get3A_165, %mul3A_198 : vector<16xf32>
        %gt3A = arith.constant 0.000000e+00 : f32
        %gt3A_200 = vector.broadcast %gt3A : f32 to vector<16xf32>
        %gt3A_201 = arith.cmpf ogt, %mul3A_199, %gt3A_200 : vector<16xf32>
        %exp3A = math.exp %mul3A_199 : vector<16xf32>
        %sub3A = arith.constant 1.000000e+00 : f32
        %sub3A_202 = vector.broadcast %sub3A : f32 to vector<16xf32>
        %sub3A_203 = arith.subf %exp3A, %sub3A_202 : vector<16xf32>
        %select_n3A = arith.select %gt3A_201, %mul3A_199, %sub3A_203 : vector<16xi1>, vector<16xf32>
        %swap3A = arith.index_cast %add3A_196 : i32 to index
        %swap3A_204 = arith.constant 0 : index
        %swap3A_205 = tpu.vector_load %arg6[%swap3A, %swap3A_204] {strides = array<i32>} : memref<320x128xf32, #tpu.memory_space<vmem>>, vector<1x16xf32>,
        %swap3A_206 = vector.shape_cast %swap3A_205 : vector<1x16xf32> to vector<16xf32>
        %swap3A_207 = vector.shape_cast %select_n3A : vector<16xf32> to vector<1x16xf32>
        tpu.vector_store %arg6[%swap3A, %swap3A_204], %swap3A_207 {strides = array<i32>} : memref<320x128xf32, #tpu.memory_space<vmem>>, vector<1x16xf32>,
        %mul3A_208 = arith.constant 0.17407766 : f32
        %mul3A_209 = vector.broadcast %mul3A_208 : f32 to vector<16xf32>
        %mul3A_210 = arith.mulf %get3A_169, %mul3A_209 : vector<16xf32>
        %gt3A_211 = arith.constant 0.000000e+00 : f32
        %gt3A_212 = vector.broadcast %gt3A_211 : f32 to vector<16xf32>
        %gt3A_213 = arith.cmpf ogt, %mul3A_210, %gt3A_212 : vector<16xf32>
        %exp3A_214 = math.exp %mul3A_210 : vector<16xf32>
        %sub3A_215 = arith.constant 1.000000e+00 : f32
        %sub3A_216 = vector.broadcast %sub3A_215 : f32 to vector<16xf32>
        %sub3A_217 = arith.subf %exp3A_214, %sub3A_216 : vector<16xf32>
        %select_n3A_218 = arith.select %gt3A_213, %mul3A_210, %sub3A_217 : vector<16xi1>, vector<16xf32>
        %swap3A_219 = arith.index_cast %add3A_196 : i32 to index
        %swap3A_220 = arith.constant 16 : index
        %swap3A_221 = tpu.vector_load %arg6[%swap3A_219, %swap3A_220] {strides = array<i32>} : memref<320x128xf32, #tpu.memory_space<vmem>>, vector<1x16xf32>,
        %swap3A_222 = vector.shape_cast %swap3A_221 : vector<1x16xf32> to vector<16xf32>
        %swap3A_223 = vector.shape_cast %select_n3A_218 : vector<16xf32> to vector<1x16xf32>
        tpu.vector_store %arg6[%swap3A_219, %swap3A_220], %swap3A_223 {strides = array<i32>} : memref<320x128xf32, #tpu.memory_space<vmem>>, vector<1x16xf32>,
        %mul3A_224 = arith.constant 0.17407766 : f32
        %mul3A_225 = vector.broadcast %mul3A_224 : f32 to vector<16xf32>
        %mul3A_226 = arith.mulf %get3A_173, %mul3A_225 : vector<16xf32>
        %gt3A_227 = arith.constant 0.000000e+00 : f32
        %gt3A_228 = vector.broadcast %gt3A_227 : f32 to vector<16xf32>
        %gt3A_229 = arith.cmpf ogt, %mul3A_226, %gt3A_228 : vector<16xf32>
        %exp3A_230 = math.exp %mul3A_226 : vector<16xf32>
        %sub3A_231 = arith.constant 1.000000e+00 : f32
        %sub3A_232 = vector.broadcast %sub3A_231 : f32 to vector<16xf32>
        %sub3A_233 = arith.subf %exp3A_230, %sub3A_232 : vector<16xf32>
        %select_n3A_234 = arith.select %gt3A_229, %mul3A_226, %sub3A_233 : vector<16xi1>, vector<16xf32>
        %swap3A_235 = arith.index_cast %add3A_196 : i32 to index
        %swap3A_236 = arith.constant 32 : index
        %swap3A_237 = tpu.vector_load %arg6[%swap3A_235, %swap3A_236] {strides = array<i32>} : memref<320x128xf32, #tpu.memory_space<vmem>>, vector<1x16xf32>,
        %swap3A_238 = vector.shape_cast %swap3A_237 : vector<1x16xf32> to vector<16xf32>
        %swap3A_239 = vector.shape_cast %select_n3A_234 : vector<16xf32> to vector<1x16xf32>
        tpu.vector_store %arg6[%swap3A_235, %swap3A_236], %swap3A_239 {strides = array<i32>} : memref<320x128xf32, #tpu.memory_space<vmem>>, vector<1x16xf32>,
        %mul3A_240 = arith.constant 0.17407766 : f32
        %mul3A_241 = vector.broadcast %mul3A_240 : f32 to vector<16xf32>
        %mul3A_242 = arith.mulf %get3A_177, %mul3A_241 : vector<16xf32>
        %gt3A_243 = arith.constant 0.000000e+00 : f32
        %gt3A_244 = vector.broadcast %gt3A_243 : f32 to vector<16xf32>
        %gt3A_245 = arith.cmpf ogt, %mul3A_242, %gt3A_244 : vector<16xf32>
        %exp3A_246 = math.exp %mul3A_242 : vector<16xf32>
        %sub3A_247 = arith.constant 1.000000e+00 : f32
        %sub3A_248 = vector.broadcast %sub3A_247 : f32 to vector<16xf32>
        %sub3A_249 = arith.subf %exp3A_246, %sub3A_248 : vector<16xf32>
        %select_n3A_250 = arith.select %gt3A_245, %mul3A_242, %sub3A_249 : vector<16xi1>, vector<16xf32>
        %swap3A_251 = arith.index_cast %add3A_196 : i32 to index
        %swap3A_252 = arith.constant 48 : index
        %swap3A_253 = tpu.vector_load %arg6[%swap3A_251, %swap3A_252] {strides = array<i32>} : memref<320x128xf32, #tpu.memory_space<vmem>>, vector<1x16xf32>,
        %swap3A_254 = vector.shape_cast %swap3A_253 : vector<1x16xf32> to vector<16xf32>
        %swap3A_255 = vector.shape_cast %select_n3A_250 : vector<16xf32> to vector<1x16xf32>
        tpu.vector_store %arg6[%swap3A_251, %swap3A_252], %swap3A_255 {strides = array<i32>} : memref<320x128xf32, #tpu.memory_space<vmem>>, vector<1x16xf32>,
        %mul3A_256 = arith.constant 0.17407766 : f32
        %mul3A_257 = vector.broadcast %mul3A_256 : f32 to vector<16xf32>
        %mul3A_258 = arith.mulf %get3A_181, %mul3A_257 : vector<16xf32>
        %gt3A_259 = arith.constant 0.000000e+00 : f32
        %gt3A_260 = vector.broadcast %gt3A_259 : f32 to vector<16xf32>
        %gt3A_261 = arith.cmpf ogt, %mul3A_258, %gt3A_260 : vector<16xf32>
        %exp3A_262 = math.exp %mul3A_258 : vector<16xf32>
        %sub3A_263 = arith.constant 1.000000e+00 : f32
        %sub3A_264 = vector.broadcast %sub3A_263 : f32 to vector<16xf32>
        %sub3A_265 = arith.subf %exp3A_262, %sub3A_264 : vector<16xf32>
        %select_n3A_266 = arith.select %gt3A_261, %mul3A_258, %sub3A_265 : vector<16xi1>, vector<16xf32>
        %swap3A_267 = arith.index_cast %add3A_196 : i32 to index
        %swap3A_268 = arith.constant 64 : index
        %swap3A_269 = tpu.vector_load %arg6[%swap3A_267, %swap3A_268] {strides = array<i32>} : memref<320x128xf32, #tpu.memory_space<vmem>>, vector<1x16xf32>,
        %swap3A_270 = vector.shape_cast %swap3A_269 : vector<1x16xf32> to vector<16xf32>
        %swap3A_271 = vector.shape_cast %select_n3A_266 : vector<16xf32> to vector<1x16xf32>
        tpu.vector_store %arg6[%swap3A_267, %swap3A_268], %swap3A_271 {strides = array<i32>} : memref<320x128xf32, #tpu.memory_space<vmem>>, vector<1x16xf32>,
        %mul3A_272 = arith.constant 0.17407766 : f32
        %mul3A_273 = vector.broadcast %mul3A_272 : f32 to vector<16xf32>
        %mul3A_274 = arith.mulf %get3A_185, %mul3A_273 : vector<16xf32>
        %gt3A_275 = arith.constant 0.000000e+00 : f32
        %gt3A_276 = vector.broadcast %gt3A_275 : f32 to vector<16xf32>
        %gt3A_277 = arith.cmpf ogt, %mul3A_274, %gt3A_276 : vector<16xf32>
        %exp3A_278 = math.exp %mul3A_274 : vector<16xf32>
        %sub3A_279 = arith.constant 1.000000e+00 : f32
        %sub3A_280 = vector.broadcast %sub3A_279 : f32 to vector<16xf32>
        %sub3A_281 = arith.subf %exp3A_278, %sub3A_280 : vector<16xf32>
        %select_n3A_282 = arith.select %gt3A_277, %mul3A_274, %sub3A_281 : vector<16xi1>, vector<16xf32>
        %swap3A_283 = arith.index_cast %add3A_196 : i32 to index
        %swap3A_284 = arith.constant 80 : index
        %swap3A_285 = tpu.vector_load %arg6[%swap3A_283, %swap3A_284] {strides = array<i32>} : memref<320x128xf32, #tpu.memory_space<vmem>>, vector<1x16xf32>,
        %swap3A_286 = vector.shape_cast %swap3A_285 : vector<1x16xf32> to vector<16xf32>
        %swap3A_287 = vector.shape_cast %select_n3A_282 : vector<16xf32> to vector<1x16xf32>
        tpu.vector_store %arg6[%swap3A_283, %swap3A_284], %swap3A_287 {strides = array<i32>} : memref<320x128xf32, #tpu.memory_space<vmem>>, vector<1x16xf32>,
        %mul3A_288 = arith.constant 0.17407766 : f32
        %mul3A_289 = vector.broadcast %mul3A_288 : f32 to vector<16xf32>
        %mul3A_290 = arith.mulf %get3A_189, %mul3A_289 : vector<16xf32>
        %gt3A_291 = arith.constant 0.000000e+00 : f32
        %gt3A_292 = vector.broadcast %gt3A_291 : f32 to vector<16xf32>
        %gt3A_293 = arith.cmpf ogt, %mul3A_290, %gt3A_292 : vector<16xf32>
        %exp3A_294 = math.exp %mul3A_290 : vector<16xf32>
        %sub3A_295 = arith.constant 1.000000e+00 : f32
        %sub3A_296 = vector.broadcast %sub3A_295 : f32 to vector<16xf32>
        %sub3A_297 = arith.subf %exp3A_294, %sub3A_296 : vector<16xf32>
        %select_n3A_298 = arith.select %gt3A_293, %mul3A_290, %sub3A_297 : vector<16xi1>, vector<16xf32>
        %swap3A_299 = arith.index_cast %add3A_196 : i32 to index
        %swap3A_300 = arith.constant 96 : index
        %swap3A_301 = tpu.vector_load %arg6[%swap3A_299, %swap3A_300] {strides = array<i32>} : memref<320x128xf32, #tpu.memory_space<vmem>>, vector<1x16xf32>,
        %swap3A_302 = vector.shape_cast %swap3A_301 : vector<1x16xf32> to vector<16xf32>
        %swap3A_303 = vector.shape_cast %select_n3A_298 : vector<16xf32> to vector<1x16xf32>
        tpu.vector_store %arg6[%swap3A_299, %swap3A_300], %swap3A_303 {strides = array<i32>} : memref<320x128xf32, #tpu.memory_space<vmem>>, vector<1x16xf32>,
        %mul3A_304 = arith.constant 0.17407766 : f32
        %mul3A_305 = vector.broadcast %mul3A_304 : f32 to vector<16xf32>
        %mul3A_306 = arith.mulf %get3A_193, %mul3A_305 : vector<16xf32>
        %gt3A_307 = arith.constant 0.000000e+00 : f32
        %gt3A_308 = vector.broadcast %gt3A_307 : f32 to vector<16xf32>
        %gt3A_309 = arith.cmpf ogt, %mul3A_306, %gt3A_308 : vector<16xf32>
        %exp3A_310 = math.exp %mul3A_306 : vector<16xf32>
        %sub3A_311 = arith.constant 1.000000e+00 : f32
        %sub3A_312 = vector.broadcast %sub3A_311 : f32 to vector<16xf32>
        %sub3A_313 = arith.subf %exp3A_310, %sub3A_312 : vector<16xf32>
        %select_n3A_314 = arith.select %gt3A_309, %mul3A_306, %sub3A_313 : vector<16xi1>, vector<16xf32>
        %swap3A_315 = arith.index_cast %add3A_196 : i32 to index
        %swap3A_316 = arith.constant 112 : index
        %swap3A_317 = tpu.vector_load %arg6[%swap3A_315, %swap3A_316] {strides = array<i32>} : memref<320x128xf32, #tpu.memory_space<vmem>>, vector<1x16xf32>,
        %swap3A_318 = vector.shape_cast %swap3A_317 : vector<1x16xf32> to vector<16xf32>
        %swap3A_319 = vector.shape_cast %select_n3A_314 : vector<16xf32> to vector<1x16xf32>
        tpu.vector_store %arg6[%swap3A_315, %swap3A_316], %swap3A_319 {strides = array<i32>} : memref<320x128xf32, #tpu.memory_space<vmem>>, vector<1x16xf32>,
      }
      %scan3A_126 = arith.constant 4 : i32
      %add3A_127 = arith.constant 4 : i32
      %add3A_128 = arith.addi %add3A_109, %add3A_127 : i32
      %lt3A_129 = arith.constant 80 : i32
      %lt3A_130 = arith.cmpi slt, %add3A_128, %lt3A_129 : i32
      %convert_element_type3A_131 = arith.extui %lt3A_130 : i1 to i32
      %cond3A_132 = arith.constant 0 : i32
      %cond3A_133 = arith.cmpi ne, %convert_element_type3A_131, %cond3A_132 : i32
      scf.if %cond3A_133 {
        %mul3A_162 = arith.constant 128 : i32
        %mul3A_163 = arith.muli %add3A_128, %mul3A_162 : i32
        %dma_start3A_164 = tpu.memref_slice %arg5[%mul3A_163] : memref<10240xi32, #tpu.memory_space<vmem>> -> memref<128xi32, #tpu.memory_space<vmem>>
        %dma_start3A_165 = arith.constant 0 : i32
        %dma_start3A_166 = arith.constant 0 : i32
        %dma_start3A_167 = tpu.memref_slice %arg2[%dma_start3A_165, %dma_start3A_166] : memref<10240x128xf32, #tpu.memory_space<hbm>> -> memref<10240x128xf32, #tpu.memory_space<hbm>>
        tpu.enqueue_indirect_dma source(%dma_start3A_167 : memref<10240x128xf32, #tpu.memory_space<hbm>>) target(%arg9 : memref<128x128xf32, #tpu.memory_space<vmem>>) offsets(%dma_start3A_164 : memref<128xi32, #tpu.memory_space<vmem>>) semaphore(%arg17 : memref<!tpu.dma_semaphore, #tpu.memory_space<semaphore_mem>>)
        %mul3A_168 = arith.constant 4 : i32
        %mul3A_169 = arith.muli %add3A_128, %mul3A_168 : i32
        %add3A_170 = arith.addi %mul3A_2, %mul3A_169 : i32
        %dma_start3A_171 = arith.constant 0 : i32
        %dma_start3A_172 = tpu.memref_slice %arg2[%add3A_170, %dma_start3A_171] : memref<10240x128xf32, #tpu.memory_space<hbm>> -> memref<4x128xf32, #tpu.memory_space<hbm>>
        %dma_start3A_173 = arith.constant 0 : i32
        %dma_start3A_174 = tpu.memref_slice %arg2[%add3A_170, %dma_start3A_173] : memref<10240x128xf32, #tpu.memory_space<hbm>> -> memref<4x128xf32, #tpu.memory_space<hbm>>
        tpu.enqueue_dma source(%dma_start3A_174 : memref<4x128xf32, #tpu.memory_space<hbm>>) target(%arg13 : memref<4x128xf32, #tpu.memory_space<vmem>>) target_semaphore(%arg21 : memref<!tpu.dma_semaphore, #tpu.memory_space<semaphore_mem>>)
      } else {
      }
      %mul3A_134 = arith.constant 4 : i32
      %mul3A_135 = arith.muli %scan3A_53, %mul3A_134 : i32
      %add3A_136 = arith.constant 3 : i32
      %add3A_137 = arith.addi %mul3A_135, %add3A_136 : i32
      %dma_wait3A_138 = arith.constant 0 : i32
      %dma_wait3A_139 = tpu.memref_slice %arg5[%dma_wait3A_138] : memref<10240xi32, #tpu.memory_space<vmem>> -> memref<128xi32, #tpu.memory_space<vmem>>
      %dma_wait3A_140 = arith.constant 0 : i32
      %dma_wait3A_141 = arith.constant 0 : i32
      %dma_wait3A_142 = tpu.memref_slice %arg2[%dma_wait3A_140, %dma_wait3A_141] : memref<10240x128xf32, #tpu.memory_space<hbm>> -> memref<10240x128xf32, #tpu.memory_space<hbm>>
      tpu.wait_indirect_dma semaphore(%arg18 : memref<!tpu.dma_semaphore, #tpu.memory_space<semaphore_mem>>) src(%dma_wait3A_142 : memref<10240x128xf32, #tpu.memory_space<hbm>>) dst(%arg10 : memref<128x128xf32, #tpu.memory_space<vmem>>)
      %dma_wait3A_143 = arith.constant 0 : i32
      %dma_wait3A_144 = arith.constant 0 : i32
      %dma_wait3A_145 = tpu.memref_slice %arg2[%dma_wait3A_143, %dma_wait3A_144] : memref<10240x128xf32, #tpu.memory_space<hbm>> -> memref<4x128xf32, #tpu.memory_space<hbm>>
      %dma_wait3A_146 = arith.constant 0 : i32
      %dma_wait3A_147 = arith.constant 0 : i32
      %dma_wait3A_148 = tpu.memref_slice %arg2[%dma_wait3A_146, %dma_wait3A_147] : memref<10240x128xf32, #tpu.memory_space<hbm>> -> memref<4x128xf32, #tpu.memory_space<hbm>>
      tpu.wait_dma2 semaphore(%arg22 : memref<!tpu.dma_semaphore, #tpu.memory_space<semaphore_mem>>) src(%dma_wait3A_148 : memref<4x128xf32, #tpu.memory_space<hbm>>) dst(%arg14 : memref<4x128xf32, #tpu.memory_space<vmem>>)
      %scan3A_149 = arith.constant 0 : i32
      %scan3A_150 = arith.constant 0 : i32
      %scan3A_151 = arith.constant 4 : i32
      %scan3A_152 = arith.addi %scan3A_150, %scan3A_151 : i32
      %scan3A_153 = arith.constant 1 : i32
      scf.for %scan3A_162 = %scan3A_150 to %scan3A_152 step %scan3A_153  : i32 {
        %get3A = arith.index_cast %scan3A_162 : i32 to index
        %get3A_163 = arith.constant 0 : index
        %get3A_164 = tpu.vector_load %arg14[%get3A, %get3A_163] {strides = array<i32>} : memref<4x128xf32, #tpu.memory_space<vmem>>, vector<1x16xf32>,
        %get3A_165 = vector.shape_cast %get3A_164 : vector<1x16xf32> to vector<16xf32>
        %get3A_166 = arith.index_cast %scan3A_162 : i32 to index
        %get3A_167 = arith.constant 16 : index
        %get3A_168 = tpu.vector_load %arg14[%get3A_166, %get3A_167] {strides = array<i32>} : memref<4x128xf32, #tpu.memory_space<vmem>>, vector<1x16xf32>,
        %get3A_169 = vector.shape_cast %get3A_168 : vector<1x16xf32> to vector<16xf32>
        %get3A_170 = arith.index_cast %scan3A_162 : i32 to index
        %get3A_171 = arith.constant 32 : index
        %get3A_172 = tpu.vector_load %arg14[%get3A_170, %get3A_171] {strides = array<i32>} : memref<4x128xf32, #tpu.memory_space<vmem>>, vector<1x16xf32>,
        %get3A_173 = vector.shape_cast %get3A_172 : vector<1x16xf32> to vector<16xf32>
        %get3A_174 = arith.index_cast %scan3A_162 : i32 to index
        %get3A_175 = arith.constant 48 : index
        %get3A_176 = tpu.vector_load %arg14[%get3A_174, %get3A_175] {strides = array<i32>} : memref<4x128xf32, #tpu.memory_space<vmem>>, vector<1x16xf32>,
        %get3A_177 = vector.shape_cast %get3A_176 : vector<1x16xf32> to vector<16xf32>
        %get3A_178 = arith.index_cast %scan3A_162 : i32 to index
        %get3A_179 = arith.constant 64 : index
        %get3A_180 = tpu.vector_load %arg14[%get3A_178, %get3A_179] {strides = array<i32>} : memref<4x128xf32, #tpu.memory_space<vmem>>, vector<1x16xf32>,
        %get3A_181 = vector.shape_cast %get3A_180 : vector<1x16xf32> to vector<16xf32>
        %get3A_182 = arith.index_cast %scan3A_162 : i32 to index
        %get3A_183 = arith.constant 80 : index
        %get3A_184 = tpu.vector_load %arg14[%get3A_182, %get3A_183] {strides = array<i32>} : memref<4x128xf32, #tpu.memory_space<vmem>>, vector<1x16xf32>,
        %get3A_185 = vector.shape_cast %get3A_184 : vector<1x16xf32> to vector<16xf32>
        %get3A_186 = arith.index_cast %scan3A_162 : i32 to index
        %get3A_187 = arith.constant 96 : index
        %get3A_188 = tpu.vector_load %arg14[%get3A_186, %get3A_187] {strides = array<i32>} : memref<4x128xf32, #tpu.memory_space<vmem>>, vector<1x16xf32>,
        %get3A_189 = vector.shape_cast %get3A_188 : vector<1x16xf32> to vector<16xf32>
        %get3A_190 = arith.index_cast %scan3A_162 : i32 to index
        %get3A_191 = arith.constant 112 : index
        %get3A_192 = tpu.vector_load %arg14[%get3A_190, %get3A_191] {strides = array<i32>} : memref<4x128xf32, #tpu.memory_space<vmem>>, vector<1x16xf32>,
        %get3A_193 = vector.shape_cast %get3A_192 : vector<1x16xf32> to vector<16xf32>
        %mul3A_194 = arith.constant 4 : i32
        %mul3A_195 = arith.muli %add3A_137, %mul3A_194 : i32
        %add3A_196 = arith.addi %mul3A_195, %scan3A_162 : i32
        %mul3A_197 = arith.constant 0.17407766 : f32
        %mul3A_198 = vector.broadcast %mul3A_197 : f32 to vector<16xf32>
        %mul3A_199 = arith.mulf %get3A_165, %mul3A_198 : vector<16xf32>
        %gt3A = arith.constant 0.000000e+00 : f32
        %gt3A_200 = vector.broadcast %gt3A : f32 to vector<16xf32>
        %gt3A_201 = arith.cmpf ogt, %mul3A_199, %gt3A_200 : vector<16xf32>
        %exp3A = math.exp %mul3A_199 : vector<16xf32>
        %sub3A = arith.constant 1.000000e+00 : f32
        %sub3A_202 = vector.broadcast %sub3A : f32 to vector<16xf32>
        %sub3A_203 = arith.subf %exp3A, %sub3A_202 : vector<16xf32>
        %select_n3A = arith.select %gt3A_201, %mul3A_199, %sub3A_203 : vector<16xi1>, vector<16xf32>
        %swap3A = arith.index_cast %add3A_196 : i32 to index
        %swap3A_204 = arith.constant 0 : index
        %swap3A_205 = tpu.vector_load %arg6[%swap3A, %swap3A_204] {strides = array<i32>} : memref<320x128xf32, #tpu.memory_space<vmem>>, vector<1x16xf32>,
        %swap3A_206 = vector.shape_cast %swap3A_205 : vector<1x16xf32> to vector<16xf32>
        %swap3A_207 = vector.shape_cast %select_n3A : vector<16xf32> to vector<1x16xf32>
        tpu.vector_store %arg6[%swap3A, %swap3A_204], %swap3A_207 {strides = array<i32>} : memref<320x128xf32, #tpu.memory_space<vmem>>, vector<1x16xf32>,
        %mul3A_208 = arith.constant 0.17407766 : f32
        %mul3A_209 = vector.broadcast %mul3A_208 : f32 to vector<16xf32>
        %mul3A_210 = arith.mulf %get3A_169, %mul3A_209 : vector<16xf32>
        %gt3A_211 = arith.constant 0.000000e+00 : f32
        %gt3A_212 = vector.broadcast %gt3A_211 : f32 to vector<16xf32>
        %gt3A_213 = arith.cmpf ogt, %mul3A_210, %gt3A_212 : vector<16xf32>
        %exp3A_214 = math.exp %mul3A_210 : vector<16xf32>
        %sub3A_215 = arith.constant 1.000000e+00 : f32
        %sub3A_216 = vector.broadcast %sub3A_215 : f32 to vector<16xf32>
        %sub3A_217 = arith.subf %exp3A_214, %sub3A_216 : vector<16xf32>
        %select_n3A_218 = arith.select %gt3A_213, %mul3A_210, %sub3A_217 : vector<16xi1>, vector<16xf32>
        %swap3A_219 = arith.index_cast %add3A_196 : i32 to index
        %swap3A_220 = arith.constant 16 : index
        %swap3A_221 = tpu.vector_load %arg6[%swap3A_219, %swap3A_220] {strides = array<i32>} : memref<320x128xf32, #tpu.memory_space<vmem>>, vector<1x16xf32>,
        %swap3A_222 = vector.shape_cast %swap3A_221 : vector<1x16xf32> to vector<16xf32>
        %swap3A_223 = vector.shape_cast %select_n3A_218 : vector<16xf32> to vector<1x16xf32>
        tpu.vector_store %arg6[%swap3A_219, %swap3A_220], %swap3A_223 {strides = array<i32>} : memref<320x128xf32, #tpu.memory_space<vmem>>, vector<1x16xf32>,
        %mul3A_224 = arith.constant 0.17407766 : f32
        %mul3A_225 = vector.broadcast %mul3A_224 : f32 to vector<16xf32>
        %mul3A_226 = arith.mulf %get3A_173, %mul3A_225 : vector<16xf32>
        %gt3A_227 = arith.constant 0.000000e+00 : f32
        %gt3A_228 = vector.broadcast %gt3A_227 : f32 to vector<16xf32>
        %gt3A_229 = arith.cmpf ogt, %mul3A_226, %gt3A_228 : vector<16xf32>
        %exp3A_230 = math.exp %mul3A_226 : vector<16xf32>
        %sub3A_231 = arith.constant 1.000000e+00 : f32
        %sub3A_232 = vector.broadcast %sub3A_231 : f32 to vector<16xf32>
        %sub3A_233 = arith.subf %exp3A_230, %sub3A_232 : vector<16xf32>
        %select_n3A_234 = arith.select %gt3A_229, %mul3A_226, %sub3A_233 : vector<16xi1>, vector<16xf32>
        %swap3A_235 = arith.index_cast %add3A_196 : i32 to index
        %swap3A_236 = arith.constant 32 : index
        %swap3A_237 = tpu.vector_load %arg6[%swap3A_235, %swap3A_236] {strides = array<i32>} : memref<320x128xf32, #tpu.memory_space<vmem>>, vector<1x16xf32>,
        %swap3A_238 = vector.shape_cast %swap3A_237 : vector<1x16xf32> to vector<16xf32>
        %swap3A_239 = vector.shape_cast %select_n3A_234 : vector<16xf32> to vector<1x16xf32>
        tpu.vector_store %arg6[%swap3A_235, %swap3A_236], %swap3A_239 {strides = array<i32>} : memref<320x128xf32, #tpu.memory_space<vmem>>, vector<1x16xf32>,
        %mul3A_240 = arith.constant 0.17407766 : f32
        %mul3A_241 = vector.broadcast %mul3A_240 : f32 to vector<16xf32>
        %mul3A_242 = arith.mulf %get3A_177, %mul3A_241 : vector<16xf32>
        %gt3A_243 = arith.constant 0.000000e+00 : f32
        %gt3A_244 = vector.broadcast %gt3A_243 : f32 to vector<16xf32>
        %gt3A_245 = arith.cmpf ogt, %mul3A_242, %gt3A_244 : vector<16xf32>
        %exp3A_246 = math.exp %mul3A_242 : vector<16xf32>
        %sub3A_247 = arith.constant 1.000000e+00 : f32
        %sub3A_248 = vector.broadcast %sub3A_247 : f32 to vector<16xf32>
        %sub3A_249 = arith.subf %exp3A_246, %sub3A_248 : vector<16xf32>
        %select_n3A_250 = arith.select %gt3A_245, %mul3A_242, %sub3A_249 : vector<16xi1>, vector<16xf32>
        %swap3A_251 = arith.index_cast %add3A_196 : i32 to index
        %swap3A_252 = arith.constant 48 : index
        %swap3A_253 = tpu.vector_load %arg6[%swap3A_251, %swap3A_252] {strides = array<i32>} : memref<320x128xf32, #tpu.memory_space<vmem>>, vector<1x16xf32>,
        %swap3A_254 = vector.shape_cast %swap3A_253 : vector<1x16xf32> to vector<16xf32>
        %swap3A_255 = vector.shape_cast %select_n3A_250 : vector<16xf32> to vector<1x16xf32>
        tpu.vector_store %arg6[%swap3A_251, %swap3A_252], %swap3A_255 {strides = array<i32>} : memref<320x128xf32, #tpu.memory_space<vmem>>, vector<1x16xf32>,
        %mul3A_256 = arith.constant 0.17407766 : f32
        %mul3A_257 = vector.broadcast %mul3A_256 : f32 to vector<16xf32>
        %mul3A_258 = arith.mulf %get3A_181, %mul3A_257 : vector<16xf32>
        %gt3A_259 = arith.constant 0.000000e+00 : f32
        %gt3A_260 = vector.broadcast %gt3A_259 : f32 to vector<16xf32>
        %gt3A_261 = arith.cmpf ogt, %mul3A_258, %gt3A_260 : vector<16xf32>
        %exp3A_262 = math.exp %mul3A_258 : vector<16xf32>
        %sub3A_263 = arith.constant 1.000000e+00 : f32
        %sub3A_264 = vector.broadcast %sub3A_263 : f32 to vector<16xf32>
        %sub3A_265 = arith.subf %exp3A_262, %sub3A_264 : vector<16xf32>
        %select_n3A_266 = arith.select %gt3A_261, %mul3A_258, %sub3A_265 : vector<16xi1>, vector<16xf32>
        %swap3A_267 = arith.index_cast %add3A_196 : i32 to index
        %swap3A_268 = arith.constant 64 : index
        %swap3A_269 = tpu.vector_load %arg6[%swap3A_267, %swap3A_268] {strides = array<i32>} : memref<320x128xf32, #tpu.memory_space<vmem>>, vector<1x16xf32>,
        %swap3A_270 = vector.shape_cast %swap3A_269 : vector<1x16xf32> to vector<16xf32>
        %swap3A_271 = vector.shape_cast %select_n3A_266 : vector<16xf32> to vector<1x16xf32>
        tpu.vector_store %arg6[%swap3A_267, %swap3A_268], %swap3A_271 {strides = array<i32>} : memref<320x128xf32, #tpu.memory_space<vmem>>, vector<1x16xf32>,
        %mul3A_272 = arith.constant 0.17407766 : f32
        %mul3A_273 = vector.broadcast %mul3A_272 : f32 to vector<16xf32>
        %mul3A_274 = arith.mulf %get3A_185, %mul3A_273 : vector<16xf32>
        %gt3A_275 = arith.constant 0.000000e+00 : f32
        %gt3A_276 = vector.broadcast %gt3A_275 : f32 to vector<16xf32>
        %gt3A_277 = arith.cmpf ogt, %mul3A_274, %gt3A_276 : vector<16xf32>
        %exp3A_278 = math.exp %mul3A_274 : vector<16xf32>
        %sub3A_279 = arith.constant 1.000000e+00 : f32
        %sub3A_280 = vector.broadcast %sub3A_279 : f32 to vector<16xf32>
        %sub3A_281 = arith.subf %exp3A_278, %sub3A_280 : vector<16xf32>
        %select_n3A_282 = arith.select %gt3A_277, %mul3A_274, %sub3A_281 : vector<16xi1>, vector<16xf32>
        %swap3A_283 = arith.index_cast %add3A_196 : i32 to index
        %swap3A_284 = arith.constant 80 : index
        %swap3A_285 = tpu.vector_load %arg6[%swap3A_283, %swap3A_284] {strides = array<i32>} : memref<320x128xf32, #tpu.memory_space<vmem>>, vector<1x16xf32>,
        %swap3A_286 = vector.shape_cast %swap3A_285 : vector<1x16xf32> to vector<16xf32>
        %swap3A_287 = vector.shape_cast %select_n3A_282 : vector<16xf32> to vector<1x16xf32>
        tpu.vector_store %arg6[%swap3A_283, %swap3A_284], %swap3A_287 {strides = array<i32>} : memref<320x128xf32, #tpu.memory_space<vmem>>, vector<1x16xf32>,
        %mul3A_288 = arith.constant 0.17407766 : f32
        %mul3A_289 = vector.broadcast %mul3A_288 : f32 to vector<16xf32>
        %mul3A_290 = arith.mulf %get3A_189, %mul3A_289 : vector<16xf32>
        %gt3A_291 = arith.constant 0.000000e+00 : f32
        %gt3A_292 = vector.broadcast %gt3A_291 : f32 to vector<16xf32>
        %gt3A_293 = arith.cmpf ogt, %mul3A_290, %gt3A_292 : vector<16xf32>
        %exp3A_294 = math.exp %mul3A_290 : vector<16xf32>
        %sub3A_295 = arith.constant 1.000000e+00 : f32
        %sub3A_296 = vector.broadcast %sub3A_295 : f32 to vector<16xf32>
        %sub3A_297 = arith.subf %exp3A_294, %sub3A_296 : vector<16xf32>
        %select_n3A_298 = arith.select %gt3A_293, %mul3A_290, %sub3A_297 : vector<16xi1>, vector<16xf32>
        %swap3A_299 = arith.index_cast %add3A_196 : i32 to index
        %swap3A_300 = arith.constant 96 : index
        %swap3A_301 = tpu.vector_load %arg6[%swap3A_299, %swap3A_300] {strides = array<i32>} : memref<320x128xf32, #tpu.memory_space<vmem>>, vector<1x16xf32>,
        %swap3A_302 = vector.shape_cast %swap3A_301 : vector<1x16xf32> to vector<16xf32>
        %swap3A_303 = vector.shape_cast %select_n3A_298 : vector<16xf32> to vector<1x16xf32>
        tpu.vector_store %arg6[%swap3A_299, %swap3A_300], %swap3A_303 {strides = array<i32>} : memref<320x128xf32, #tpu.memory_space<vmem>>, vector<1x16xf32>,
        %mul3A_304 = arith.constant 0.17407766 : f32
        %mul3A_305 = vector.broadcast %mul3A_304 : f32 to vector<16xf32>
        %mul3A_306 = arith.mulf %get3A_193, %mul3A_305 : vector<16xf32>
        %gt3A_307 = arith.constant 0.000000e+00 : f32
        %gt3A_308 = vector.broadcast %gt3A_307 : f32 to vector<16xf32>
        %gt3A_309 = arith.cmpf ogt, %mul3A_306, %gt3A_308 : vector<16xf32>
        %exp3A_310 = math.exp %mul3A_306 : vector<16xf32>
        %sub3A_311 = arith.constant 1.000000e+00 : f32
        %sub3A_312 = vector.broadcast %sub3A_311 : f32 to vector<16xf32>
        %sub3A_313 = arith.subf %exp3A_310, %sub3A_312 : vector<16xf32>
        %select_n3A_314 = arith.select %gt3A_309, %mul3A_306, %sub3A_313 : vector<16xi1>, vector<16xf32>
        %swap3A_315 = arith.index_cast %add3A_196 : i32 to index
        %swap3A_316 = arith.constant 112 : index
        %swap3A_317 = tpu.vector_load %arg6[%swap3A_315, %swap3A_316] {strides = array<i32>} : memref<320x128xf32, #tpu.memory_space<vmem>>, vector<1x16xf32>,
        %swap3A_318 = vector.shape_cast %swap3A_317 : vector<1x16xf32> to vector<16xf32>
        %swap3A_319 = vector.shape_cast %select_n3A_314 : vector<16xf32> to vector<1x16xf32>
        tpu.vector_store %arg6[%swap3A_315, %swap3A_316], %swap3A_319 {strides = array<i32>} : memref<320x128xf32, #tpu.memory_space<vmem>>, vector<1x16xf32>,
      }
      %scan3A_154 = arith.constant 4 : i32
      %add3A_155 = arith.constant 4 : i32
      %add3A_156 = arith.addi %add3A_137, %add3A_155 : i32
      %lt3A_157 = arith.constant 80 : i32
      %lt3A_158 = arith.cmpi slt, %add3A_156, %lt3A_157 : i32
      %convert_element_type3A_159 = arith.extui %lt3A_158 : i1 to i32
      %cond3A_160 = arith.constant 0 : i32
      %cond3A_161 = arith.cmpi ne, %convert_element_type3A_159, %cond3A_160 : i32
      scf.if %cond3A_161 {
        %mul3A_162 = arith.constant 128 : i32
        %mul3A_163 = arith.muli %add3A_156, %mul3A_162 : i32
        %dma_start3A_164 = tpu.memref_slice %arg5[%mul3A_163] : memref<10240xi32, #tpu.memory_space<vmem>> -> memref<128xi32, #tpu.memory_space<vmem>>
        %dma_start3A_165 = arith.constant 0 : i32
        %dma_start3A_166 = arith.constant 0 : i32
        %dma_start3A_167 = tpu.memref_slice %arg2[%dma_start3A_165, %dma_start3A_166] : memref<10240x128xf32, #tpu.memory_space<hbm>> -> memref<10240x128xf32, #tpu.memory_space<hbm>>
        tpu.enqueue_indirect_dma source(%dma_start3A_167 : memref<10240x128xf32, #tpu.memory_space<hbm>>) target(%arg10 : memref<128x128xf32, #tpu.memory_space<vmem>>) offsets(%dma_start3A_164 : memref<128xi32, #tpu.memory_space<vmem>>) semaphore(%arg18 : memref<!tpu.dma_semaphore, #tpu.memory_space<semaphore_mem>>)
        %mul3A_168 = arith.constant 4 : i32
        %mul3A_169 = arith.muli %add3A_156, %mul3A_168 : i32
        %add3A_170 = arith.addi %mul3A_2, %mul3A_169 : i32
        %dma_start3A_171 = arith.constant 0 : i32
        %dma_start3A_172 = tpu.memref_slice %arg2[%add3A_170, %dma_start3A_171] : memref<10240x128xf32, #tpu.memory_space<hbm>> -> memref<4x128xf32, #tpu.memory_space<hbm>>
        %dma_start3A_173 = arith.constant 0 : i32
        %dma_start3A_174 = tpu.memref_slice %arg2[%add3A_170, %dma_start3A_173] : memref<10240x128xf32, #tpu.memory_space<hbm>> -> memref<4x128xf32, #tpu.memory_space<hbm>>
        tpu.enqueue_dma source(%dma_start3A_174 : memref<4x128xf32, #tpu.memory_space<hbm>>) target(%arg14 : memref<4x128xf32, #tpu.memory_space<vmem>>) target_semaphore(%arg22 : memref<!tpu.dma_semaphore, #tpu.memory_space<semaphore_mem>>)
      } else {
      }
    }
    %scan3A_52 = arith.constant 20 : i32
    "tpu.region"() ({
      %run_scoped3A = tpu.sem_alloc : memref<!tpu.dma_semaphore, #tpu.memory_space<semaphore_mem>>
      %dma_start3A_53 = arith.constant 0 : i32
      %dma_start3A_54 = tpu.memref_slice %arg4[%mul3A_2, %dma_start3A_53] : memref<10240x128xf32, #tpu.memory_space<hbm>> -> memref<320x128xf32, #tpu.memory_space<hbm>>
      %dma_start3A_55 = arith.constant 0 : i32
      %dma_start3A_56 = tpu.memref_slice %arg4[%mul3A_2, %dma_start3A_55] : memref<10240x128xf32, #tpu.memory_space<hbm>> -> memref<320x128xf32, #tpu.memory_space<hbm>>
      tpu.enqueue_dma source(%arg6 : memref<320x128xf32, #tpu.memory_space<vmem>>) target(%dma_start3A_56 : memref<320x128xf32, #tpu.memory_space<hbm>>) target_semaphore(%run_scoped3A : memref<!tpu.dma_semaphore, #tpu.memory_space<semaphore_mem>>)
      %dma_wait3A = arith.constant 0 : i32
      %dma_wait3A_57 = tpu.memref_slice %arg4[%mul3A_2, %dma_wait3A] : memref<10240x128xf32, #tpu.memory_space<hbm>> -> memref<320x128xf32, #tpu.memory_space<hbm>>
      %dma_wait3A_58 = arith.constant 0 : i32
      %dma_wait3A_59 = tpu.memref_slice %arg4[%mul3A_2, %dma_wait3A_58] : memref<10240x128xf32, #tpu.memory_space<hbm>> -> memref<320x128xf32, #tpu.memory_space<hbm>>
      tpu.wait_dma2 semaphore(%run_scoped3A : memref<!tpu.dma_semaphore, #tpu.memory_space<semaphore_mem>>) src(%arg6 : memref<320x128xf32, #tpu.memory_space<vmem>>) dst(%dma_wait3A_59 : memref<320x128xf32, #tpu.memory_space<hbm>>)
      tpu.yield
    }) : () -> ()
    return
  }
}

#map = affine_map<(d0, d1) -> (0, 0)>
#map1 = affine_map<(d0, d1) -> (0)>
module attributes {stable_mosaic.version = 14 : i64} {
  func.func @_sc_gather(%arg0: i32, %arg1: i32, %arg2: memref<10240x128xf32, #tpu.memory_space<hbm>>, %arg3: memref<327680xi32, #tpu.memory_space<hbm>>, %arg4: memref<10240x128xf32, #tpu.memory_space<hbm>>, %arg5: memref<10240xi32, #tpu.memory_space<vmem>>, %arg6: memref<320x128xf32, #tpu.memory_space<vmem>>, %arg7: memref<128x128xf32, #tpu.memory_space<vmem>>, %arg8: memref<128x128xf32, #tpu.memory_space<vmem>>, %arg9: memref<128x128xf32, #tpu.memory_space<vmem>>, %arg10: memref<128x128xf32, #tpu.memory_space<vmem>>, %arg11: memref<4x128xf32, #tpu.memory_space<vmem>>, %arg12: memref<4x128xf32, #tpu.memory_space<vmem>>, %arg13: memref<4x128xf32, #tpu.memory_space<vmem>>, %arg14: memref<4x128xf32, #tpu.memory_space<vmem>>, %arg15: memref<!tpu.dma_semaphore, #tpu.memory_space<semaphore_mem>>, %arg16: memref<!tpu.dma_semaphore, #tpu.memory_space<semaphore_mem>>, %arg17: memref<!tpu.dma_semaphore, #tpu.memory_space<semaphore_mem>>, %arg18: memref<!tpu.dma_semaphore, #tpu.memory_space<semaphore_mem>>, %arg19: memref<!tpu.dma_semaphore, #tpu.memory_space<semaphore_mem>>, %arg20: memref<!tpu.dma_semaphore, #tpu.memory_space<semaphore_mem>>, %arg21: memref<!tpu.dma_semaphore, #tpu.memory_space<semaphore_mem>>, %arg22: memref<!tpu.dma_semaphore, #tpu.memory_space<semaphore_mem>>) attributes {dimension_semantics = [#tpu.dimension_semantics<core_parallel>, #tpu.dimension_semantics<subcore_parallel>], iteration_bounds = array<i64: 2, 16>, scalar_prefetch = 0 : i64, scratch_operands = 18 : i64, tpu.core_type = #tpu.core_type<sc_vector_subcore>, window_params = [{transform_indices = #map}, {transform_indices = #map1}, {transform_indices = #map}]} {
    %mul3A = arith.constant 2 : i32
    %mul3A_0 = arith.muli %arg1, %mul3A : i32
    %add3A = arith.addi %mul3A_0, %arg0 : i32
    %mul3A_1 = arith.constant 320 : i32
    %mul3A_2 = arith.muli %add3A, %mul3A_1 : i32
    %mul3A_3 = arith.constant 32 : i32
    %mul3A_4 = arith.muli %mul3A_2, %mul3A_3 : i32
    "tpu.region"() ({
      %run_scoped3A = tpu.sem_alloc : memref<!tpu.dma_semaphore, #tpu.memory_space<semaphore_mem>>
      %dma_start3A_53 = tpu.memref_slice %arg3[%mul3A_4] : memref<327680xi32, #tpu.memory_space<hbm>> -> memref<10240xi32, #tpu.memory_space<hbm>>
      %dma_start3A_54 = tpu.memref_slice %arg3[%mul3A_4] : memref<327680xi32, #tpu.memory_space<hbm>> -> memref<10240xi32, #tpu.memory_space<hbm>>
      tpu.enqueue_dma source(%dma_start3A_54 : memref<10240xi32, #tpu.memory_space<hbm>>) target(%arg5 : memref<10240xi32, #tpu.memory_space<vmem>>) target_semaphore(%run_scoped3A : memref<!tpu.dma_semaphore, #tpu.memory_space<semaphore_mem>>)
      %dma_wait3A = tpu.memref_slice %arg3[%mul3A_4] : memref<327680xi32, #tpu.memory_space<hbm>> -> memref<10240xi32, #tpu.memory_space<hbm>>
      %dma_wait3A_55 = tpu.memref_slice %arg3[%mul3A_4] : memref<327680xi32, #tpu.memory_space<hbm>> -> memref<10240xi32, #tpu.memory_space<hbm>>
      tpu.wait_dma2 semaphore(%run_scoped3A : memref<!tpu.dma_semaphore, #tpu.memory_space<semaphore_mem>>) src(%dma_wait3A_55 : memref<10240xi32, #tpu.memory_space<hbm>>) dst(%arg5 : memref<10240xi32, #tpu.memory_space<vmem>>)
      tpu.yield
    }) : () -> ()
    %dma_start3A = arith.constant 0 : i32
    %dma_start3A_5 = tpu.memref_slice %arg5[%dma_start3A] : memref<10240xi32, #tpu.memory_space<vmem>> -> memref<128xi32, #tpu.memory_space<vmem>>
    %dma_start3A_6 = arith.constant 0 : i32
    %dma_start3A_7 = arith.constant 0 : i32
    %dma_start3A_8 = tpu.memref_slice %arg2[%dma_start3A_6, %dma_start3A_7] : memref<10240x128xf32, #tpu.memory_space<hbm>> -> memref<10240x128xf32, #tpu.memory_space<hbm>>
    tpu.enqueue_indirect_dma source(%dma_start3A_8 : memref<10240x128xf32, #tpu.memory_space<hbm>>) target(%arg7 : memref<128x128xf32, #tpu.memory_space<vmem>>) offsets(%dma_start3A_5 : memref<128xi32, #tpu.memory_space<vmem>>) semaphore(%arg15 : memref<!tpu.dma_semaphore, #tpu.memory_space<semaphore_mem>>)
    %add3A_9 = arith.constant 0 : i32
    %add3A_10 = arith.addi %mul3A_2, %add3A_9 : i32
    %dma_start3A_11 = arith.constant 0 : i32
    %dma_start3A_12 = tpu.memref_slice %arg2[%add3A_10, %dma_start3A_11] : memref<10240x128xf32, #tpu.memory_space<hbm>> -> memref<4x128xf32, #tpu.memory_space<hbm>>
    %dma_start3A_13 = arith.constant 0 : i32
    %dma_start3A_14 = tpu.memref_slice %arg2[%add3A_10, %dma_start3A_13] : memref<10240x128xf32, #tpu.memory_space<hbm>> -> memref<4x128xf32, #tpu.memory_space<hbm>>
    tpu.enqueue_dma source(%dma_start3A_14 : memref<4x128xf32, #tpu.memory_space<hbm>>) target(%arg11 : memref<4x128xf32, #tpu.memory_space<vmem>>) target_semaphore(%arg19 : memref<!tpu.dma_semaphore, #tpu.memory_space<semaphore_mem>>)
    %dma_start3A_15 = arith.constant 128 : i32
    %dma_start3A_16 = tpu.memref_slice %arg5[%dma_start3A_15] : memref<10240xi32, #tpu.memory_space<vmem>> -> memref<128xi32, #tpu.memory_space<vmem>>
    %dma_start3A_17 = arith.constant 0 : i32
    %dma_start3A_18 = arith.constant 0 : i32
    %dma_start3A_19 = tpu.memref_slice %arg2[%dma_start3A_17, %dma_start3A_18] : memref<10240x128xf32, #tpu.memory_space<hbm>> -> memref<10240x128xf32, #tpu.memory_space<hbm>>
    tpu.enqueue_indirect_dma source(%dma_start3A_19 : memref<10240x128xf32, #tpu.memory_space<hbm>>) target(%arg8 : memref<128x128xf32, #tpu.memory_space<vmem>>) offsets(%dma_start3A_16 : memref<128xi32, #tpu.memory_space<vmem>>) semaphore(%arg16 : memref<!tpu.dma_semaphore, #tpu.memory_space<semaphore_mem>>)
    %add3A_20 = arith.constant 4 : i32
    %add3A_21 = arith.addi %mul3A_2, %add3A_20 : i32
    %dma_start3A_22 = arith.constant 0 : i32
    %dma_start3A_23 = tpu.memref_slice %arg2[%add3A_21, %dma_start3A_22] : memref<10240x128xf32, #tpu.memory_space<hbm>> -> memref<4x128xf32, #tpu.memory_space<hbm>>
    %dma_start3A_24 = arith.constant 0 : i32
    %dma_start3A_25 = tpu.memref_slice %arg2[%add3A_21, %dma_start3A_24] : memref<10240x128xf32, #tpu.memory_space<hbm>> -> memref<4x128xf32, #tpu.memory_space<hbm>>
    tpu.enqueue_dma source(%dma_start3A_25 : memref<4x128xf32, #tpu.memory_space<hbm>>) target(%arg12 : memref<4x128xf32, #tpu.memory_space<vmem>>) target_semaphore(%arg20 : memref<!tpu.dma_semaphore, #tpu.memory_space<semaphore_mem>>)
    %dma_start3A_26 = arith.constant 256 : i32
    %dma_start3A_27 = tpu.memref_slice %arg5[%dma_start3A_26] : memref<10240xi32, #tpu.memory_space<vmem>> -> memref<128xi32, #tpu.memory_space<vmem>>
    %dma_start3A_28 = arith.constant 0 : i32
    %dma_start3A_29 = arith.constant 0 : i32
    %dma_start3A_30 = tpu.memref_slice %arg2[%dma_start3A_28, %dma_start3A_29] : memref<10240x128xf32, #tpu.memory_space<hbm>> -> memref<10240x128xf32, #tpu.memory_space<hbm>>
    tpu.enqueue_indirect_dma source(%dma_start3A_30 : memref<10240x128xf32, #tpu.memory_space<hbm>>) target(%arg9 : memref<128x128xf32, #tpu.memory_space<vmem>>) offsets(%dma_start3A_27 : memref<128xi32, #tpu.memory_space<vmem>>) semaphore(%arg17 : memref<!tpu.dma_semaphore, #tpu.memory_space<semaphore_mem>>)
    %add3A_31 = arith.constant 8 : i32
    %add3A_32 = arith.addi %mul3A_2, %add3A_31 : i32
    %dma_start3A_33 = arith.constant 0 : i32
    %dma_start3A_34 = tpu.memref_slice %arg2[%add3A_32, %dma_start3A_33] : memref<10240x128xf32, #tpu.memory_space<hbm>> -> memref<4x128xf32, #tpu.memory_space<hbm>>
    %dma_start3A_35 = arith.constant 0 : i32
    %dma_start3A_36 = tpu.memref_slice %arg2[%add3A_32, %dma_start3A_35] : memref<10240x128xf32, #tpu.memory_space<hbm>> -> memref<4x128xf32, #tpu.memory_space<hbm>>
    tpu.enqueue_dma source(%dma_start3A_36 : memref<4x128xf32, #tpu.memory_space<hbm>>) target(%arg13 : memref<4x128xf32, #tpu.memory_space<vmem>>) target_semaphore(%arg21 : memref<!tpu.dma_semaphore, #tpu.memory_space<semaphore_mem>>)
    %dma_start3A_37 = arith.constant 384 : i32
    %dma_start3A_38 = tpu.memref_slice %arg5[%dma_start3A_37] : memref<10240xi32, #tpu.memory_space<vmem>> -> memref<128xi32, #tpu.memory_space<vmem>>
    %dma_start3A_39 = arith.constant 0 : i32
    %dma_start3A_40 = arith.constant 0 : i32
    %dma_start3A_41 = tpu.memref_slice %arg2[%dma_start3A_39, %dma_start3A_40] : memref<10240x128xf32, #tpu.memory_space<hbm>> -> memref<10240x128xf32, #tpu.memory_space<hbm>>
    tpu.enqueue_indirect_dma source(%dma_start3A_41 : memref<10240x128xf32, #tpu.memory_space<hbm>>) target(%arg10 : memref<128x128xf32, #tpu.memory_space<vmem>>) offsets(%dma_start3A_38 : memref<128xi32, #tpu.memory_space<vmem>>) semaphore(%arg18 : memref<!tpu.dma_semaphore, #tpu.memory_space<semaphore_mem>>)
    %add3A_42 = arith.constant 12 : i32
    %add3A_43 = arith.addi %mul3A_2, %add3A_42 : i32
    %dma_start3A_44 = arith.constant 0 : i32
    %dma_start3A_45 = tpu.memref_slice %arg2[%add3A_43, %dma_start3A_44] : memref<10240x128xf32, #tpu.memory_space<hbm>> -> memref<4x128xf32, #tpu.memory_space<hbm>>
    %dma_start3A_46 = arith.constant 0 : i32
    %dma_start3A_47 = tpu.memref_slice %arg2[%add3A_43, %dma_start3A_46] : memref<10240x128xf32, #tpu.memory_space<hbm>> -> memref<4x128xf32, #tpu.memory_space<hbm>>
    tpu.enqueue_dma source(%dma_start3A_47 : memref<4x128xf32, #tpu.memory_space<hbm>>) target(%arg14 : memref<4x128xf32, #tpu.memory_space<vmem>>) target_semaphore(%arg22 : memref<!tpu.dma_semaphore, #tpu.memory_space<semaphore_mem>>)
    %scan3A = arith.constant 0 : i32
    %scan3A_48 = arith.constant 0 : i32
    %scan3A_49 = arith.constant 20 : i32
    %scan3A_50 = arith.addi %scan3A_48, %scan3A_49 : i32
    %scan3A_51 = arith.constant 1 : i32
    scf.for %scan3A_53 = %scan3A_48 to %scan3A_50 step %scan3A_51  : i32 {
      %mul3A_54 = arith.constant 4 : i32
      %mul3A_55 = arith.muli %scan3A_53, %mul3A_54 : i32
      %add3A_56 = arith.constant 0 : i32
      %add3A_57 = arith.addi %mul3A_55, %add3A_56 : i32
      %dma_wait3A = arith.constant 0 : i32
      %dma_wait3A_58 = tpu.memref_slice %arg5[%dma_wait3A] : memref<10240xi32, #tpu.memory_space<vmem>> -> memref<128xi32, #tpu.memory_space<vmem>>
      %dma_wait3A_59 = arith.constant 0 : i32
      %dma_wait3A_60 = arith.constant 0 : i32
      %dma_wait3A_61 = tpu.memref_slice %arg2[%dma_wait3A_59, %dma_wait3A_60] : memref<10240x128xf32, #tpu.memory_space<hbm>> -> memref<10240x128xf32, #tpu.memory_space<hbm>>
      tpu.wait_indirect_dma semaphore(%arg15 : memref<!tpu.dma_semaphore, #tpu.memory_space<semaphore_mem>>) src(%dma_wait3A_61 : memref<10240x128xf32, #tpu.memory_space<hbm>>) dst(%arg7 : memref<128x128xf32, #tpu.memory_space<vmem>>)
      %dma_wait3A_62 = arith.constant 0 : i32
      %dma_wait3A_63 = arith.constant 0 : i32
      %dma_wait3A_64 = tpu.memref_slice %arg2[%dma_wait3A_62, %dma_wait3A_63] : memref<10240x128xf32, #tpu.memory_space<hbm>> -> memref<4x128xf32, #tpu.memory_space<hbm>>
      %dma_wait3A_65 = arith.constant 0 : i32
      %dma_wait3A_66 = arith.constant 0 : i32
      %dma_wait3A_67 = tpu.memref_slice %arg2[%dma_wait3A_65, %dma_wait3A_66] : memref<10240x128xf32, #tpu.memory_space<hbm>> -> memref<4x128xf32, #tpu.memory_space<hbm>>
      tpu.wait_dma2 semaphore(%arg19 : memref<!tpu.dma_semaphore, #tpu.memory_space<semaphore_mem>>) src(%dma_wait3A_67 : memref<4x128xf32, #tpu.memory_space<hbm>>) dst(%arg11 : memref<4x128xf32, #tpu.memory_space<vmem>>)
      %scan3A_68 = arith.constant 0 : i32
      %scan3A_69 = arith.constant 0 : i32
      %scan3A_70 = arith.constant 4 : i32
      %scan3A_71 = arith.addi %scan3A_69, %scan3A_70 : i32
      %scan3A_72 = arith.constant 1 : i32
      scf.for %scan3A_162 = %scan3A_69 to %scan3A_71 step %scan3A_72  : i32 {
        %get3A = arith.index_cast %scan3A_162 : i32 to index
        %get3A_163 = arith.constant 0 : index
        %get3A_164 = tpu.vector_load %arg11[%get3A, %get3A_163] {strides = array<i32>} : memref<4x128xf32, #tpu.memory_space<vmem>>, vector<1x16xf32>,
        %get3A_165 = vector.shape_cast %get3A_164 : vector<1x16xf32> to vector<16xf32>
        %get3A_166 = arith.index_cast %scan3A_162 : i32 to index
        %get3A_167 = arith.constant 16 : index
        %get3A_168 = tpu.vector_load %arg11[%get3A_166, %get3A_167] {strides = array<i32>} : memref<4x128xf32, #tpu.memory_space<vmem>>, vector<1x16xf32>,
        %get3A_169 = vector.shape_cast %get3A_168 : vector<1x16xf32> to vector<16xf32>
        %get3A_170 = arith.index_cast %scan3A_162 : i32 to index
        %get3A_171 = arith.constant 32 : index
        %get3A_172 = tpu.vector_load %arg11[%get3A_170, %get3A_171] {strides = array<i32>} : memref<4x128xf32, #tpu.memory_space<vmem>>, vector<1x16xf32>,
        %get3A_173 = vector.shape_cast %get3A_172 : vector<1x16xf32> to vector<16xf32>
        %get3A_174 = arith.index_cast %scan3A_162 : i32 to index
        %get3A_175 = arith.constant 48 : index
        %get3A_176 = tpu.vector_load %arg11[%get3A_174, %get3A_175] {strides = array<i32>} : memref<4x128xf32, #tpu.memory_space<vmem>>, vector<1x16xf32>,
        %get3A_177 = vector.shape_cast %get3A_176 : vector<1x16xf32> to vector<16xf32>
        %get3A_178 = arith.index_cast %scan3A_162 : i32 to index
        %get3A_179 = arith.constant 64 : index
        %get3A_180 = tpu.vector_load %arg11[%get3A_178, %get3A_179] {strides = array<i32>} : memref<4x128xf32, #tpu.memory_space<vmem>>, vector<1x16xf32>,
        %get3A_181 = vector.shape_cast %get3A_180 : vector<1x16xf32> to vector<16xf32>
        %get3A_182 = arith.index_cast %scan3A_162 : i32 to index
        %get3A_183 = arith.constant 80 : index
        %get3A_184 = tpu.vector_load %arg11[%get3A_182, %get3A_183] {strides = array<i32>} : memref<4x128xf32, #tpu.memory_space<vmem>>, vector<1x16xf32>,
        %get3A_185 = vector.shape_cast %get3A_184 : vector<1x16xf32> to vector<16xf32>
        %get3A_186 = arith.index_cast %scan3A_162 : i32 to index
        %get3A_187 = arith.constant 96 : index
        %get3A_188 = tpu.vector_load %arg11[%get3A_186, %get3A_187] {strides = array<i32>} : memref<4x128xf32, #tpu.memory_space<vmem>>, vector<1x16xf32>,
        %get3A_189 = vector.shape_cast %get3A_188 : vector<1x16xf32> to vector<16xf32>
        %get3A_190 = arith.index_cast %scan3A_162 : i32 to index
        %get3A_191 = arith.constant 112 : index
        %get3A_192 = tpu.vector_load %arg11[%get3A_190, %get3A_191] {strides = array<i32>} : memref<4x128xf32, #tpu.memory_space<vmem>>, vector<1x16xf32>,
        %get3A_193 = vector.shape_cast %get3A_192 : vector<1x16xf32> to vector<16xf32>
        %mul3A_194 = arith.constant 4 : i32
        %mul3A_195 = arith.muli %add3A_57, %mul3A_194 : i32
        %add3A_196 = arith.addi %mul3A_195, %scan3A_162 : i32
        %mul3A_197 = arith.constant 0.17407766 : f32
        %mul3A_198 = vector.broadcast %mul3A_197 : f32 to vector<16xf32>
        %mul3A_199 = arith.mulf %get3A_165, %mul3A_198 : vector<16xf32>
        %gt3A = arith.constant 0.000000e+00 : f32
        %gt3A_200 = vector.broadcast %gt3A : f32 to vector<16xf32>
        %gt3A_201 = arith.cmpf ogt, %mul3A_199, %gt3A_200 : vector<16xf32>
        %exp3A = math.exp %mul3A_199 : vector<16xf32>
        %sub3A = arith.constant 1.000000e+00 : f32
        %sub3A_202 = vector.broadcast %sub3A : f32 to vector<16xf32>
        %sub3A_203 = arith.subf %exp3A, %sub3A_202 : vector<16xf32>
        %select_n3A = arith.select %gt3A_201, %mul3A_199, %sub3A_203 : vector<16xi1>, vector<16xf32>
        %swap3A = arith.index_cast %add3A_196 : i32 to index
        %swap3A_204 = arith.constant 0 : index
        %swap3A_205 = tpu.vector_load %arg6[%swap3A, %swap3A_204] {strides = array<i32>} : memref<320x128xf32, #tpu.memory_space<vmem>>, vector<1x16xf32>,
        %swap3A_206 = vector.shape_cast %swap3A_205 : vector<1x16xf32> to vector<16xf32>
        %swap3A_207 = vector.shape_cast %select_n3A : vector<16xf32> to vector<1x16xf32>
        tpu.vector_store %arg6[%swap3A, %swap3A_204], %swap3A_207 {strides = array<i32>} : memref<320x128xf32, #tpu.memory_space<vmem>>, vector<1x16xf32>,
        %mul3A_208 = arith.constant 0.17407766 : f32
        %mul3A_209 = vector.broadcast %mul3A_208 : f32 to vector<16xf32>
        %mul3A_210 = arith.mulf %get3A_169, %mul3A_209 : vector<16xf32>
        %gt3A_211 = arith.constant 0.000000e+00 : f32
        %gt3A_212 = vector.broadcast %gt3A_211 : f32 to vector<16xf32>
        %gt3A_213 = arith.cmpf ogt, %mul3A_210, %gt3A_212 : vector<16xf32>
        %exp3A_214 = math.exp %mul3A_210 : vector<16xf32>
        %sub3A_215 = arith.constant 1.000000e+00 : f32
        %sub3A_216 = vector.broadcast %sub3A_215 : f32 to vector<16xf32>
        %sub3A_217 = arith.subf %exp3A_214, %sub3A_216 : vector<16xf32>
        %select_n3A_218 = arith.select %gt3A_213, %mul3A_210, %sub3A_217 : vector<16xi1>, vector<16xf32>
        %swap3A_219 = arith.index_cast %add3A_196 : i32 to index
        %swap3A_220 = arith.constant 16 : index
        %swap3A_221 = tpu.vector_load %arg6[%swap3A_219, %swap3A_220] {strides = array<i32>} : memref<320x128xf32, #tpu.memory_space<vmem>>, vector<1x16xf32>,
        %swap3A_222 = vector.shape_cast %swap3A_221 : vector<1x16xf32> to vector<16xf32>
        %swap3A_223 = vector.shape_cast %select_n3A_218 : vector<16xf32> to vector<1x16xf32>
        tpu.vector_store %arg6[%swap3A_219, %swap3A_220], %swap3A_223 {strides = array<i32>} : memref<320x128xf32, #tpu.memory_space<vmem>>, vector<1x16xf32>,
        %mul3A_224 = arith.constant 0.17407766 : f32
        %mul3A_225 = vector.broadcast %mul3A_224 : f32 to vector<16xf32>
        %mul3A_226 = arith.mulf %get3A_173, %mul3A_225 : vector<16xf32>
        %gt3A_227 = arith.constant 0.000000e+00 : f32
        %gt3A_228 = vector.broadcast %gt3A_227 : f32 to vector<16xf32>
        %gt3A_229 = arith.cmpf ogt, %mul3A_226, %gt3A_228 : vector<16xf32>
        %exp3A_230 = math.exp %mul3A_226 : vector<16xf32>
        %sub3A_231 = arith.constant 1.000000e+00 : f32
        %sub3A_232 = vector.broadcast %sub3A_231 : f32 to vector<16xf32>
        %sub3A_233 = arith.subf %exp3A_230, %sub3A_232 : vector<16xf32>
        %select_n3A_234 = arith.select %gt3A_229, %mul3A_226, %sub3A_233 : vector<16xi1>, vector<16xf32>
        %swap3A_235 = arith.index_cast %add3A_196 : i32 to index
        %swap3A_236 = arith.constant 32 : index
        %swap3A_237 = tpu.vector_load %arg6[%swap3A_235, %swap3A_236] {strides = array<i32>} : memref<320x128xf32, #tpu.memory_space<vmem>>, vector<1x16xf32>,
        %swap3A_238 = vector.shape_cast %swap3A_237 : vector<1x16xf32> to vector<16xf32>
        %swap3A_239 = vector.shape_cast %select_n3A_234 : vector<16xf32> to vector<1x16xf32>
        tpu.vector_store %arg6[%swap3A_235, %swap3A_236], %swap3A_239 {strides = array<i32>} : memref<320x128xf32, #tpu.memory_space<vmem>>, vector<1x16xf32>,
        %mul3A_240 = arith.constant 0.17407766 : f32
        %mul3A_241 = vector.broadcast %mul3A_240 : f32 to vector<16xf32>
        %mul3A_242 = arith.mulf %get3A_177, %mul3A_241 : vector<16xf32>
        %gt3A_243 = arith.constant 0.000000e+00 : f32
        %gt3A_244 = vector.broadcast %gt3A_243 : f32 to vector<16xf32>
        %gt3A_245 = arith.cmpf ogt, %mul3A_242, %gt3A_244 : vector<16xf32>
        %exp3A_246 = math.exp %mul3A_242 : vector<16xf32>
        %sub3A_247 = arith.constant 1.000000e+00 : f32
        %sub3A_248 = vector.broadcast %sub3A_247 : f32 to vector<16xf32>
        %sub3A_249 = arith.subf %exp3A_246, %sub3A_248 : vector<16xf32>
        %select_n3A_250 = arith.select %gt3A_245, %mul3A_242, %sub3A_249 : vector<16xi1>, vector<16xf32>
        %swap3A_251 = arith.index_cast %add3A_196 : i32 to index
        %swap3A_252 = arith.constant 48 : index
        %swap3A_253 = tpu.vector_load %arg6[%swap3A_251, %swap3A_252] {strides = array<i32>} : memref<320x128xf32, #tpu.memory_space<vmem>>, vector<1x16xf32>,
        %swap3A_254 = vector.shape_cast %swap3A_253 : vector<1x16xf32> to vector<16xf32>
        %swap3A_255 = vector.shape_cast %select_n3A_250 : vector<16xf32> to vector<1x16xf32>
        tpu.vector_store %arg6[%swap3A_251, %swap3A_252], %swap3A_255 {strides = array<i32>} : memref<320x128xf32, #tpu.memory_space<vmem>>, vector<1x16xf32>,
        %mul3A_256 = arith.constant 0.17407766 : f32
        %mul3A_257 = vector.broadcast %mul3A_256 : f32 to vector<16xf32>
        %mul3A_258 = arith.mulf %get3A_181, %mul3A_257 : vector<16xf32>
        %gt3A_259 = arith.constant 0.000000e+00 : f32
        %gt3A_260 = vector.broadcast %gt3A_259 : f32 to vector<16xf32>
        %gt3A_261 = arith.cmpf ogt, %mul3A_258, %gt3A_260 : vector<16xf32>
        %exp3A_262 = math.exp %mul3A_258 : vector<16xf32>
        %sub3A_263 = arith.constant 1.000000e+00 : f32
        %sub3A_264 = vector.broadcast %sub3A_263 : f32 to vector<16xf32>
        %sub3A_265 = arith.subf %exp3A_262, %sub3A_264 : vector<16xf32>
        %select_n3A_266 = arith.select %gt3A_261, %mul3A_258, %sub3A_265 : vector<16xi1>, vector<16xf32>
        %swap3A_267 = arith.index_cast %add3A_196 : i32 to index
        %swap3A_268 = arith.constant 64 : index
        %swap3A_269 = tpu.vector_load %arg6[%swap3A_267, %swap3A_268] {strides = array<i32>} : memref<320x128xf32, #tpu.memory_space<vmem>>, vector<1x16xf32>,
        %swap3A_270 = vector.shape_cast %swap3A_269 : vector<1x16xf32> to vector<16xf32>
        %swap3A_271 = vector.shape_cast %select_n3A_266 : vector<16xf32> to vector<1x16xf32>
        tpu.vector_store %arg6[%swap3A_267, %swap3A_268], %swap3A_271 {strides = array<i32>} : memref<320x128xf32, #tpu.memory_space<vmem>>, vector<1x16xf32>,
        %mul3A_272 = arith.constant 0.17407766 : f32
        %mul3A_273 = vector.broadcast %mul3A_272 : f32 to vector<16xf32>
        %mul3A_274 = arith.mulf %get3A_185, %mul3A_273 : vector<16xf32>
        %gt3A_275 = arith.constant 0.000000e+00 : f32
        %gt3A_276 = vector.broadcast %gt3A_275 : f32 to vector<16xf32>
        %gt3A_277 = arith.cmpf ogt, %mul3A_274, %gt3A_276 : vector<16xf32>
        %exp3A_278 = math.exp %mul3A_274 : vector<16xf32>
        %sub3A_279 = arith.constant 1.000000e+00 : f32
        %sub3A_280 = vector.broadcast %sub3A_279 : f32 to vector<16xf32>
        %sub3A_281 = arith.subf %exp3A_278, %sub3A_280 : vector<16xf32>
        %select_n3A_282 = arith.select %gt3A_277, %mul3A_274, %sub3A_281 : vector<16xi1>, vector<16xf32>
        %swap3A_283 = arith.index_cast %add3A_196 : i32 to index
        %swap3A_284 = arith.constant 80 : index
        %swap3A_285 = tpu.vector_load %arg6[%swap3A_283, %swap3A_284] {strides = array<i32>} : memref<320x128xf32, #tpu.memory_space<vmem>>, vector<1x16xf32>,
        %swap3A_286 = vector.shape_cast %swap3A_285 : vector<1x16xf32> to vector<16xf32>
        %swap3A_287 = vector.shape_cast %select_n3A_282 : vector<16xf32> to vector<1x16xf32>
        tpu.vector_store %arg6[%swap3A_283, %swap3A_284], %swap3A_287 {strides = array<i32>} : memref<320x128xf32, #tpu.memory_space<vmem>>, vector<1x16xf32>,
        %mul3A_288 = arith.constant 0.17407766 : f32
        %mul3A_289 = vector.broadcast %mul3A_288 : f32 to vector<16xf32>
        %mul3A_290 = arith.mulf %get3A_189, %mul3A_289 : vector<16xf32>
        %gt3A_291 = arith.constant 0.000000e+00 : f32
        %gt3A_292 = vector.broadcast %gt3A_291 : f32 to vector<16xf32>
        %gt3A_293 = arith.cmpf ogt, %mul3A_290, %gt3A_292 : vector<16xf32>
        %exp3A_294 = math.exp %mul3A_290 : vector<16xf32>
        %sub3A_295 = arith.constant 1.000000e+00 : f32
        %sub3A_296 = vector.broadcast %sub3A_295 : f32 to vector<16xf32>
        %sub3A_297 = arith.subf %exp3A_294, %sub3A_296 : vector<16xf32>
        %select_n3A_298 = arith.select %gt3A_293, %mul3A_290, %sub3A_297 : vector<16xi1>, vector<16xf32>
        %swap3A_299 = arith.index_cast %add3A_196 : i32 to index
        %swap3A_300 = arith.constant 96 : index
        %swap3A_301 = tpu.vector_load %arg6[%swap3A_299, %swap3A_300] {strides = array<i32>} : memref<320x128xf32, #tpu.memory_space<vmem>>, vector<1x16xf32>,
        %swap3A_302 = vector.shape_cast %swap3A_301 : vector<1x16xf32> to vector<16xf32>
        %swap3A_303 = vector.shape_cast %select_n3A_298 : vector<16xf32> to vector<1x16xf32>
        tpu.vector_store %arg6[%swap3A_299, %swap3A_300], %swap3A_303 {strides = array<i32>} : memref<320x128xf32, #tpu.memory_space<vmem>>, vector<1x16xf32>,
        %mul3A_304 = arith.constant 0.17407766 : f32
        %mul3A_305 = vector.broadcast %mul3A_304 : f32 to vector<16xf32>
        %mul3A_306 = arith.mulf %get3A_193, %mul3A_305 : vector<16xf32>
        %gt3A_307 = arith.constant 0.000000e+00 : f32
        %gt3A_308 = vector.broadcast %gt3A_307 : f32 to vector<16xf32>
        %gt3A_309 = arith.cmpf ogt, %mul3A_306, %gt3A_308 : vector<16xf32>
        %exp3A_310 = math.exp %mul3A_306 : vector<16xf32>
        %sub3A_311 = arith.constant 1.000000e+00 : f32
        %sub3A_312 = vector.broadcast %sub3A_311 : f32 to vector<16xf32>
        %sub3A_313 = arith.subf %exp3A_310, %sub3A_312 : vector<16xf32>
        %select_n3A_314 = arith.select %gt3A_309, %mul3A_306, %sub3A_313 : vector<16xi1>, vector<16xf32>
        %swap3A_315 = arith.index_cast %add3A_196 : i32 to index
        %swap3A_316 = arith.constant 112 : index
        %swap3A_317 = tpu.vector_load %arg6[%swap3A_315, %swap3A_316] {strides = array<i32>} : memref<320x128xf32, #tpu.memory_space<vmem>>, vector<1x16xf32>,
        %swap3A_318 = vector.shape_cast %swap3A_317 : vector<1x16xf32> to vector<16xf32>
        %swap3A_319 = vector.shape_cast %select_n3A_314 : vector<16xf32> to vector<1x16xf32>
        tpu.vector_store %arg6[%swap3A_315, %swap3A_316], %swap3A_319 {strides = array<i32>} : memref<320x128xf32, #tpu.memory_space<vmem>>, vector<1x16xf32>,
      }
      %scan3A_73 = arith.constant 4 : i32
      %add3A_74 = arith.constant 4 : i32
      %add3A_75 = arith.addi %add3A_57, %add3A_74 : i32
      %lt3A = arith.constant 80 : i32
      %lt3A_76 = arith.cmpi slt, %add3A_75, %lt3A : i32
      %convert_element_type3A = arith.extui %lt3A_76 : i1 to i32
      %cond3A = arith.constant 0 : i32
      %cond3A_77 = arith.cmpi ne, %convert_element_type3A, %cond3A : i32
      scf.if %cond3A_77 {
        %mul3A_162 = arith.constant 128 : i32
        %mul3A_163 = arith.muli %add3A_75, %mul3A_162 : i32
        %dma_start3A_164 = tpu.memref_slice %arg5[%mul3A_163] : memref<10240xi32, #tpu.memory_space<vmem>> -> memref<128xi32, #tpu.memory_space<vmem>>
        %dma_start3A_165 = arith.constant 0 : i32
        %dma_start3A_166 = arith.constant 0 : i32
        %dma_start3A_167 = tpu.memref_slice %arg2[%dma_start3A_165, %dma_start3A_166] : memref<10240x128xf32, #tpu.memory_space<hbm>> -> memref<10240x128xf32, #tpu.memory_space<hbm>>
        tpu.enqueue_indirect_dma source(%dma_start3A_167 : memref<10240x128xf32, #tpu.memory_space<hbm>>) target(%arg7 : memref<128x128xf32, #tpu.memory_space<vmem>>) offsets(%dma_start3A_164 : memref<128xi32, #tpu.memory_space<vmem>>) semaphore(%arg15 : memref<!tpu.dma_semaphore, #tpu.memory_space<semaphore_mem>>)
        %mul3A_168 = arith.constant 4 : i32
        %mul3A_169 = arith.muli %add3A_75, %mul3A_168 : i32
        %add3A_170 = arith.addi %mul3A_2, %mul3A_169 : i32
        %dma_start3A_171 = arith.constant 0 : i32
        %dma_start3A_172 = tpu.memref_slice %arg2[%add3A_170, %dma_start3A_171] : memref<10240x128xf32, #tpu.memory_space<hbm>> -> memref<4x128xf32, #tpu.memory_space<hbm>>
        %dma_start3A_173 = arith.constant 0 : i32
        %dma_start3A_174 = tpu.memref_slice %arg2[%add3A_170, %dma_start3A_173] : memref<10240x128xf32, #tpu.memory_space<hbm>> -> memref<4x128xf32, #tpu.memory_space<hbm>>
        tpu.enqueue_dma source(%dma_start3A_174 : memref<4x128xf32, #tpu.memory_space<hbm>>) target(%arg11 : memref<4x128xf32, #tpu.memory_space<vmem>>) target_semaphore(%arg19 : memref<!tpu.dma_semaphore, #tpu.memory_space<semaphore_mem>>)
      } else {
      }
      %mul3A_78 = arith.constant 4 : i32
      %mul3A_79 = arith.muli %scan3A_53, %mul3A_78 : i32
      %add3A_80 = arith.constant 1 : i32
      %add3A_81 = arith.addi %mul3A_79, %add3A_80 : i32
      %dma_wait3A_82 = arith.constant 0 : i32
      %dma_wait3A_83 = tpu.memref_slice %arg5[%dma_wait3A_82] : memref<10240xi32, #tpu.memory_space<vmem>> -> memref<128xi32, #tpu.memory_space<vmem>>
      %dma_wait3A_84 = arith.constant 0 : i32
      %dma_wait3A_85 = arith.constant 0 : i32
      %dma_wait3A_86 = tpu.memref_slice %arg2[%dma_wait3A_84, %dma_wait3A_85] : memref<10240x128xf32, #tpu.memory_space<hbm>> -> memref<10240x128xf32, #tpu.memory_space<hbm>>
      tpu.wait_indirect_dma semaphore(%arg16 : memref<!tpu.dma_semaphore, #tpu.memory_space<semaphore_mem>>) src(%dma_wait3A_86 : memref<10240x128xf32, #tpu.memory_space<hbm>>) dst(%arg8 : memref<128x128xf32, #tpu.memory_space<vmem>>)
      %dma_wait3A_87 = arith.constant 0 : i32
      %dma_wait3A_88 = arith.constant 0 : i32
      %dma_wait3A_89 = tpu.memref_slice %arg2[%dma_wait3A_87, %dma_wait3A_88] : memref<10240x128xf32, #tpu.memory_space<hbm>> -> memref<4x128xf32, #tpu.memory_space<hbm>>
      %dma_wait3A_90 = arith.constant 0 : i32
      %dma_wait3A_91 = arith.constant 0 : i32
      %dma_wait3A_92 = tpu.memref_slice %arg2[%dma_wait3A_90, %dma_wait3A_91] : memref<10240x128xf32, #tpu.memory_space<hbm>> -> memref<4x128xf32, #tpu.memory_space<hbm>>
      tpu.wait_dma2 semaphore(%arg20 : memref<!tpu.dma_semaphore, #tpu.memory_space<semaphore_mem>>) src(%dma_wait3A_92 : memref<4x128xf32, #tpu.memory_space<hbm>>) dst(%arg12 : memref<4x128xf32, #tpu.memory_space<vmem>>)
      %scan3A_93 = arith.constant 0 : i32
      %scan3A_94 = arith.constant 0 : i32
      %scan3A_95 = arith.constant 4 : i32
      %scan3A_96 = arith.addi %scan3A_94, %scan3A_95 : i32
      %scan3A_97 = arith.constant 1 : i32
      scf.for %scan3A_162 = %scan3A_94 to %scan3A_96 step %scan3A_97  : i32 {
        %get3A = arith.index_cast %scan3A_162 : i32 to index
        %get3A_163 = arith.constant 0 : index
        %get3A_164 = tpu.vector_load %arg12[%get3A, %get3A_163] {strides = array<i32>} : memref<4x128xf32, #tpu.memory_space<vmem>>, vector<1x16xf32>,
        %get3A_165 = vector.shape_cast %get3A_164 : vector<1x16xf32> to vector<16xf32>
        %get3A_166 = arith.index_cast %scan3A_162 : i32 to index
        %get3A_167 = arith.constant 16 : index
        %get3A_168 = tpu.vector_load %arg12[%get3A_166, %get3A_167] {strides = array<i32>} : memref<4x128xf32, #tpu.memory_space<vmem>>, vector<1x16xf32>,
        %get3A_169 = vector.shape_cast %get3A_168 : vector<1x16xf32> to vector<16xf32>
        %get3A_170 = arith.index_cast %scan3A_162 : i32 to index
        %get3A_171 = arith.constant 32 : index
        %get3A_172 = tpu.vector_load %arg12[%get3A_170, %get3A_171] {strides = array<i32>} : memref<4x128xf32, #tpu.memory_space<vmem>>, vector<1x16xf32>,
        %get3A_173 = vector.shape_cast %get3A_172 : vector<1x16xf32> to vector<16xf32>
        %get3A_174 = arith.index_cast %scan3A_162 : i32 to index
        %get3A_175 = arith.constant 48 : index
        %get3A_176 = tpu.vector_load %arg12[%get3A_174, %get3A_175] {strides = array<i32>} : memref<4x128xf32, #tpu.memory_space<vmem>>, vector<1x16xf32>,
        %get3A_177 = vector.shape_cast %get3A_176 : vector<1x16xf32> to vector<16xf32>
        %get3A_178 = arith.index_cast %scan3A_162 : i32 to index
        %get3A_179 = arith.constant 64 : index
        %get3A_180 = tpu.vector_load %arg12[%get3A_178, %get3A_179] {strides = array<i32>} : memref<4x128xf32, #tpu.memory_space<vmem>>, vector<1x16xf32>,
        %get3A_181 = vector.shape_cast %get3A_180 : vector<1x16xf32> to vector<16xf32>
        %get3A_182 = arith.index_cast %scan3A_162 : i32 to index
        %get3A_183 = arith.constant 80 : index
        %get3A_184 = tpu.vector_load %arg12[%get3A_182, %get3A_183] {strides = array<i32>} : memref<4x128xf32, #tpu.memory_space<vmem>>, vector<1x16xf32>,
        %get3A_185 = vector.shape_cast %get3A_184 : vector<1x16xf32> to vector<16xf32>
        %get3A_186 = arith.index_cast %scan3A_162 : i32 to index
        %get3A_187 = arith.constant 96 : index
        %get3A_188 = tpu.vector_load %arg12[%get3A_186, %get3A_187] {strides = array<i32>} : memref<4x128xf32, #tpu.memory_space<vmem>>, vector<1x16xf32>,
        %get3A_189 = vector.shape_cast %get3A_188 : vector<1x16xf32> to vector<16xf32>
        %get3A_190 = arith.index_cast %scan3A_162 : i32 to index
        %get3A_191 = arith.constant 112 : index
        %get3A_192 = tpu.vector_load %arg12[%get3A_190, %get3A_191] {strides = array<i32>} : memref<4x128xf32, #tpu.memory_space<vmem>>, vector<1x16xf32>,
        %get3A_193 = vector.shape_cast %get3A_192 : vector<1x16xf32> to vector<16xf32>
        %mul3A_194 = arith.constant 4 : i32
        %mul3A_195 = arith.muli %add3A_81, %mul3A_194 : i32
        %add3A_196 = arith.addi %mul3A_195, %scan3A_162 : i32
        %mul3A_197 = arith.constant 0.17407766 : f32
        %mul3A_198 = vector.broadcast %mul3A_197 : f32 to vector<16xf32>
        %mul3A_199 = arith.mulf %get3A_165, %mul3A_198 : vector<16xf32>
        %gt3A = arith.constant 0.000000e+00 : f32
        %gt3A_200 = vector.broadcast %gt3A : f32 to vector<16xf32>
        %gt3A_201 = arith.cmpf ogt, %mul3A_199, %gt3A_200 : vector<16xf32>
        %exp3A = math.exp %mul3A_199 : vector<16xf32>
        %sub3A = arith.constant 1.000000e+00 : f32
        %sub3A_202 = vector.broadcast %sub3A : f32 to vector<16xf32>
        %sub3A_203 = arith.subf %exp3A, %sub3A_202 : vector<16xf32>
        %select_n3A = arith.select %gt3A_201, %mul3A_199, %sub3A_203 : vector<16xi1>, vector<16xf32>
        %swap3A = arith.index_cast %add3A_196 : i32 to index
        %swap3A_204 = arith.constant 0 : index
        %swap3A_205 = tpu.vector_load %arg6[%swap3A, %swap3A_204] {strides = array<i32>} : memref<320x128xf32, #tpu.memory_space<vmem>>, vector<1x16xf32>,
        %swap3A_206 = vector.shape_cast %swap3A_205 : vector<1x16xf32> to vector<16xf32>
        %swap3A_207 = vector.shape_cast %select_n3A : vector<16xf32> to vector<1x16xf32>
        tpu.vector_store %arg6[%swap3A, %swap3A_204], %swap3A_207 {strides = array<i32>} : memref<320x128xf32, #tpu.memory_space<vmem>>, vector<1x16xf32>,
        %mul3A_208 = arith.constant 0.17407766 : f32
        %mul3A_209 = vector.broadcast %mul3A_208 : f32 to vector<16xf32>
        %mul3A_210 = arith.mulf %get3A_169, %mul3A_209 : vector<16xf32>
        %gt3A_211 = arith.constant 0.000000e+00 : f32
        %gt3A_212 = vector.broadcast %gt3A_211 : f32 to vector<16xf32>
        %gt3A_213 = arith.cmpf ogt, %mul3A_210, %gt3A_212 : vector<16xf32>
        %exp3A_214 = math.exp %mul3A_210 : vector<16xf32>
        %sub3A_215 = arith.constant 1.000000e+00 : f32
        %sub3A_216 = vector.broadcast %sub3A_215 : f32 to vector<16xf32>
        %sub3A_217 = arith.subf %exp3A_214, %sub3A_216 : vector<16xf32>
        %select_n3A_218 = arith.select %gt3A_213, %mul3A_210, %sub3A_217 : vector<16xi1>, vector<16xf32>
        %swap3A_219 = arith.index_cast %add3A_196 : i32 to index
        %swap3A_220 = arith.constant 16 : index
        %swap3A_221 = tpu.vector_load %arg6[%swap3A_219, %swap3A_220] {strides = array<i32>} : memref<320x128xf32, #tpu.memory_space<vmem>>, vector<1x16xf32>,
        %swap3A_222 = vector.shape_cast %swap3A_221 : vector<1x16xf32> to vector<16xf32>
        %swap3A_223 = vector.shape_cast %select_n3A_218 : vector<16xf32> to vector<1x16xf32>
        tpu.vector_store %arg6[%swap3A_219, %swap3A_220], %swap3A_223 {strides = array<i32>} : memref<320x128xf32, #tpu.memory_space<vmem>>, vector<1x16xf32>,
        %mul3A_224 = arith.constant 0.17407766 : f32
        %mul3A_225 = vector.broadcast %mul3A_224 : f32 to vector<16xf32>
        %mul3A_226 = arith.mulf %get3A_173, %mul3A_225 : vector<16xf32>
        %gt3A_227 = arith.constant 0.000000e+00 : f32
        %gt3A_228 = vector.broadcast %gt3A_227 : f32 to vector<16xf32>
        %gt3A_229 = arith.cmpf ogt, %mul3A_226, %gt3A_228 : vector<16xf32>
        %exp3A_230 = math.exp %mul3A_226 : vector<16xf32>
        %sub3A_231 = arith.constant 1.000000e+00 : f32
        %sub3A_232 = vector.broadcast %sub3A_231 : f32 to vector<16xf32>
        %sub3A_233 = arith.subf %exp3A_230, %sub3A_232 : vector<16xf32>
        %select_n3A_234 = arith.select %gt3A_229, %mul3A_226, %sub3A_233 : vector<16xi1>, vector<16xf32>
        %swap3A_235 = arith.index_cast %add3A_196 : i32 to index
        %swap3A_236 = arith.constant 32 : index
        %swap3A_237 = tpu.vector_load %arg6[%swap3A_235, %swap3A_236] {strides = array<i32>} : memref<320x128xf32, #tpu.memory_space<vmem>>, vector<1x16xf32>,
        %swap3A_238 = vector.shape_cast %swap3A_237 : vector<1x16xf32> to vector<16xf32>
        %swap3A_239 = vector.shape_cast %select_n3A_234 : vector<16xf32> to vector<1x16xf32>
        tpu.vector_store %arg6[%swap3A_235, %swap3A_236], %swap3A_239 {strides = array<i32>} : memref<320x128xf32, #tpu.memory_space<vmem>>, vector<1x16xf32>,
        %mul3A_240 = arith.constant 0.17407766 : f32
        %mul3A_241 = vector.broadcast %mul3A_240 : f32 to vector<16xf32>
        %mul3A_242 = arith.mulf %get3A_177, %mul3A_241 : vector<16xf32>
        %gt3A_243 = arith.constant 0.000000e+00 : f32
        %gt3A_244 = vector.broadcast %gt3A_243 : f32 to vector<16xf32>
        %gt3A_245 = arith.cmpf ogt, %mul3A_242, %gt3A_244 : vector<16xf32>
        %exp3A_246 = math.exp %mul3A_242 : vector<16xf32>
        %sub3A_247 = arith.constant 1.000000e+00 : f32
        %sub3A_248 = vector.broadcast %sub3A_247 : f32 to vector<16xf32>
        %sub3A_249 = arith.subf %exp3A_246, %sub3A_248 : vector<16xf32>
        %select_n3A_250 = arith.select %gt3A_245, %mul3A_242, %sub3A_249 : vector<16xi1>, vector<16xf32>
        %swap3A_251 = arith.index_cast %add3A_196 : i32 to index
        %swap3A_252 = arith.constant 48 : index
        %swap3A_253 = tpu.vector_load %arg6[%swap3A_251, %swap3A_252] {strides = array<i32>} : memref<320x128xf32, #tpu.memory_space<vmem>>, vector<1x16xf32>,
        %swap3A_254 = vector.shape_cast %swap3A_253 : vector<1x16xf32> to vector<16xf32>
        %swap3A_255 = vector.shape_cast %select_n3A_250 : vector<16xf32> to vector<1x16xf32>
        tpu.vector_store %arg6[%swap3A_251, %swap3A_252], %swap3A_255 {strides = array<i32>} : memref<320x128xf32, #tpu.memory_space<vmem>>, vector<1x16xf32>,
        %mul3A_256 = arith.constant 0.17407766 : f32
        %mul3A_257 = vector.broadcast %mul3A_256 : f32 to vector<16xf32>
        %mul3A_258 = arith.mulf %get3A_181, %mul3A_257 : vector<16xf32>
        %gt3A_259 = arith.constant 0.000000e+00 : f32
        %gt3A_260 = vector.broadcast %gt3A_259 : f32 to vector<16xf32>
        %gt3A_261 = arith.cmpf ogt, %mul3A_258, %gt3A_260 : vector<16xf32>
        %exp3A_262 = math.exp %mul3A_258 : vector<16xf32>
        %sub3A_263 = arith.constant 1.000000e+00 : f32
        %sub3A_264 = vector.broadcast %sub3A_263 : f32 to vector<16xf32>
        %sub3A_265 = arith.subf %exp3A_262, %sub3A_264 : vector<16xf32>
        %select_n3A_266 = arith.select %gt3A_261, %mul3A_258, %sub3A_265 : vector<16xi1>, vector<16xf32>
        %swap3A_267 = arith.index_cast %add3A_196 : i32 to index
        %swap3A_268 = arith.constant 64 : index
        %swap3A_269 = tpu.vector_load %arg6[%swap3A_267, %swap3A_268] {strides = array<i32>} : memref<320x128xf32, #tpu.memory_space<vmem>>, vector<1x16xf32>,
        %swap3A_270 = vector.shape_cast %swap3A_269 : vector<1x16xf32> to vector<16xf32>
        %swap3A_271 = vector.shape_cast %select_n3A_266 : vector<16xf32> to vector<1x16xf32>
        tpu.vector_store %arg6[%swap3A_267, %swap3A_268], %swap3A_271 {strides = array<i32>} : memref<320x128xf32, #tpu.memory_space<vmem>>, vector<1x16xf32>,
        %mul3A_272 = arith.constant 0.17407766 : f32
        %mul3A_273 = vector.broadcast %mul3A_272 : f32 to vector<16xf32>
        %mul3A_274 = arith.mulf %get3A_185, %mul3A_273 : vector<16xf32>
        %gt3A_275 = arith.constant 0.000000e+00 : f32
        %gt3A_276 = vector.broadcast %gt3A_275 : f32 to vector<16xf32>
        %gt3A_277 = arith.cmpf ogt, %mul3A_274, %gt3A_276 : vector<16xf32>
        %exp3A_278 = math.exp %mul3A_274 : vector<16xf32>
        %sub3A_279 = arith.constant 1.000000e+00 : f32
        %sub3A_280 = vector.broadcast %sub3A_279 : f32 to vector<16xf32>
        %sub3A_281 = arith.subf %exp3A_278, %sub3A_280 : vector<16xf32>
        %select_n3A_282 = arith.select %gt3A_277, %mul3A_274, %sub3A_281 : vector<16xi1>, vector<16xf32>
        %swap3A_283 = arith.index_cast %add3A_196 : i32 to index
        %swap3A_284 = arith.constant 80 : index
        %swap3A_285 = tpu.vector_load %arg6[%swap3A_283, %swap3A_284] {strides = array<i32>} : memref<320x128xf32, #tpu.memory_space<vmem>>, vector<1x16xf32>,
        %swap3A_286 = vector.shape_cast %swap3A_285 : vector<1x16xf32> to vector<16xf32>
        %swap3A_287 = vector.shape_cast %select_n3A_282 : vector<16xf32> to vector<1x16xf32>
        tpu.vector_store %arg6[%swap3A_283, %swap3A_284], %swap3A_287 {strides = array<i32>} : memref<320x128xf32, #tpu.memory_space<vmem>>, vector<1x16xf32>,
        %mul3A_288 = arith.constant 0.17407766 : f32
        %mul3A_289 = vector.broadcast %mul3A_288 : f32 to vector<16xf32>
        %mul3A_290 = arith.mulf %get3A_189, %mul3A_289 : vector<16xf32>
        %gt3A_291 = arith.constant 0.000000e+00 : f32
        %gt3A_292 = vector.broadcast %gt3A_291 : f32 to vector<16xf32>
        %gt3A_293 = arith.cmpf ogt, %mul3A_290, %gt3A_292 : vector<16xf32>
        %exp3A_294 = math.exp %mul3A_290 : vector<16xf32>
        %sub3A_295 = arith.constant 1.000000e+00 : f32
        %sub3A_296 = vector.broadcast %sub3A_295 : f32 to vector<16xf32>
        %sub3A_297 = arith.subf %exp3A_294, %sub3A_296 : vector<16xf32>
        %select_n3A_298 = arith.select %gt3A_293, %mul3A_290, %sub3A_297 : vector<16xi1>, vector<16xf32>
        %swap3A_299 = arith.index_cast %add3A_196 : i32 to index
        %swap3A_300 = arith.constant 96 : index
        %swap3A_301 = tpu.vector_load %arg6[%swap3A_299, %swap3A_300] {strides = array<i32>} : memref<320x128xf32, #tpu.memory_space<vmem>>, vector<1x16xf32>,
        %swap3A_302 = vector.shape_cast %swap3A_301 : vector<1x16xf32> to vector<16xf32>
        %swap3A_303 = vector.shape_cast %select_n3A_298 : vector<16xf32> to vector<1x16xf32>
        tpu.vector_store %arg6[%swap3A_299, %swap3A_300], %swap3A_303 {strides = array<i32>} : memref<320x128xf32, #tpu.memory_space<vmem>>, vector<1x16xf32>,
        %mul3A_304 = arith.constant 0.17407766 : f32
        %mul3A_305 = vector.broadcast %mul3A_304 : f32 to vector<16xf32>
        %mul3A_306 = arith.mulf %get3A_193, %mul3A_305 : vector<16xf32>
        %gt3A_307 = arith.constant 0.000000e+00 : f32
        %gt3A_308 = vector.broadcast %gt3A_307 : f32 to vector<16xf32>
        %gt3A_309 = arith.cmpf ogt, %mul3A_306, %gt3A_308 : vector<16xf32>
        %exp3A_310 = math.exp %mul3A_306 : vector<16xf32>
        %sub3A_311 = arith.constant 1.000000e+00 : f32
        %sub3A_312 = vector.broadcast %sub3A_311 : f32 to vector<16xf32>
        %sub3A_313 = arith.subf %exp3A_310, %sub3A_312 : vector<16xf32>
        %select_n3A_314 = arith.select %gt3A_309, %mul3A_306, %sub3A_313 : vector<16xi1>, vector<16xf32>
        %swap3A_315 = arith.index_cast %add3A_196 : i32 to index
        %swap3A_316 = arith.constant 112 : index
        %swap3A_317 = tpu.vector_load %arg6[%swap3A_315, %swap3A_316] {strides = array<i32>} : memref<320x128xf32, #tpu.memory_space<vmem>>, vector<1x16xf32>,
        %swap3A_318 = vector.shape_cast %swap3A_317 : vector<1x16xf32> to vector<16xf32>
        %swap3A_319 = vector.shape_cast %select_n3A_314 : vector<16xf32> to vector<1x16xf32>
        tpu.vector_store %arg6[%swap3A_315, %swap3A_316], %swap3A_319 {strides = array<i32>} : memref<320x128xf32, #tpu.memory_space<vmem>>, vector<1x16xf32>,
      }
      %scan3A_98 = arith.constant 4 : i32
      %add3A_99 = arith.constant 4 : i32
      %add3A_100 = arith.addi %add3A_81, %add3A_99 : i32
      %lt3A_101 = arith.constant 80 : i32
      %lt3A_102 = arith.cmpi slt, %add3A_100, %lt3A_101 : i32
      %convert_element_type3A_103 = arith.extui %lt3A_102 : i1 to i32
      %cond3A_104 = arith.constant 0 : i32
      %cond3A_105 = arith.cmpi ne, %convert_element_type3A_103, %cond3A_104 : i32
      scf.if %cond3A_105 {
        %mul3A_162 = arith.constant 128 : i32
        %mul3A_163 = arith.muli %add3A_100, %mul3A_162 : i32
        %dma_start3A_164 = tpu.memref_slice %arg5[%mul3A_163] : memref<10240xi32, #tpu.memory_space<vmem>> -> memref<128xi32, #tpu.memory_space<vmem>>
        %dma_start3A_165 = arith.constant 0 : i32
        %dma_start3A_166 = arith.constant 0 : i32
        %dma_start3A_167 = tpu.memref_slice %arg2[%dma_start3A_165, %dma_start3A_166] : memref<10240x128xf32, #tpu.memory_space<hbm>> -> memref<10240x128xf32, #tpu.memory_space<hbm>>
        tpu.enqueue_indirect_dma source(%dma_start3A_167 : memref<10240x128xf32, #tpu.memory_space<hbm>>) target(%arg8 : memref<128x128xf32, #tpu.memory_space<vmem>>) offsets(%dma_start3A_164 : memref<128xi32, #tpu.memory_space<vmem>>) semaphore(%arg16 : memref<!tpu.dma_semaphore, #tpu.memory_space<semaphore_mem>>)
        %mul3A_168 = arith.constant 4 : i32
        %mul3A_169 = arith.muli %add3A_100, %mul3A_168 : i32
        %add3A_170 = arith.addi %mul3A_2, %mul3A_169 : i32
        %dma_start3A_171 = arith.constant 0 : i32
        %dma_start3A_172 = tpu.memref_slice %arg2[%add3A_170, %dma_start3A_171] : memref<10240x128xf32, #tpu.memory_space<hbm>> -> memref<4x128xf32, #tpu.memory_space<hbm>>
        %dma_start3A_173 = arith.constant 0 : i32
        %dma_start3A_174 = tpu.memref_slice %arg2[%add3A_170, %dma_start3A_173] : memref<10240x128xf32, #tpu.memory_space<hbm>> -> memref<4x128xf32, #tpu.memory_space<hbm>>
        tpu.enqueue_dma source(%dma_start3A_174 : memref<4x128xf32, #tpu.memory_space<hbm>>) target(%arg12 : memref<4x128xf32, #tpu.memory_space<vmem>>) target_semaphore(%arg20 : memref<!tpu.dma_semaphore, #tpu.memory_space<semaphore_mem>>)
      } else {
      }
      %mul3A_106 = arith.constant 4 : i32
      %mul3A_107 = arith.muli %scan3A_53, %mul3A_106 : i32
      %add3A_108 = arith.constant 2 : i32
      %add3A_109 = arith.addi %mul3A_107, %add3A_108 : i32
      %dma_wait3A_110 = arith.constant 0 : i32
      %dma_wait3A_111 = tpu.memref_slice %arg5[%dma_wait3A_110] : memref<10240xi32, #tpu.memory_space<vmem>> -> memref<128xi32, #tpu.memory_space<vmem>>
      %dma_wait3A_112 = arith.constant 0 : i32
      %dma_wait3A_113 = arith.constant 0 : i32
      %dma_wait3A_114 = tpu.memref_slice %arg2[%dma_wait3A_112, %dma_wait3A_113] : memref<10240x128xf32, #tpu.memory_space<hbm>> -> memref<10240x128xf32, #tpu.memory_space<hbm>>
      tpu.wait_indirect_dma semaphore(%arg17 : memref<!tpu.dma_semaphore, #tpu.memory_space<semaphore_mem>>) src(%dma_wait3A_114 : memref<10240x128xf32, #tpu.memory_space<hbm>>) dst(%arg9 : memref<128x128xf32, #tpu.memory_space<vmem>>)
      %dma_wait3A_115 = arith.constant 0 : i32
      %dma_wait3A_116 = arith.constant 0 : i32
      %dma_wait3A_117 = tpu.memref_slice %arg2[%dma_wait3A_115, %dma_wait3A_116] : memref<10240x128xf32, #tpu.memory_space<hbm>> -> memref<4x128xf32, #tpu.memory_space<hbm>>
      %dma_wait3A_118 = arith.constant 0 : i32
      %dma_wait3A_119 = arith.constant 0 : i32
      %dma_wait3A_120 = tpu.memref_slice %arg2[%dma_wait3A_118, %dma_wait3A_119] : memref<10240x128xf32, #tpu.memory_space<hbm>> -> memref<4x128xf32, #tpu.memory_space<hbm>>
      tpu.wait_dma2 semaphore(%arg21 : memref<!tpu.dma_semaphore, #tpu.memory_space<semaphore_mem>>) src(%dma_wait3A_120 : memref<4x128xf32, #tpu.memory_space<hbm>>) dst(%arg13 : memref<4x128xf32, #tpu.memory_space<vmem>>)
      %scan3A_121 = arith.constant 0 : i32
      %scan3A_122 = arith.constant 0 : i32
      %scan3A_123 = arith.constant 4 : i32
      %scan3A_124 = arith.addi %scan3A_122, %scan3A_123 : i32
      %scan3A_125 = arith.constant 1 : i32
      scf.for %scan3A_162 = %scan3A_122 to %scan3A_124 step %scan3A_125  : i32 {
        %get3A = arith.index_cast %scan3A_162 : i32 to index
        %get3A_163 = arith.constant 0 : index
        %get3A_164 = tpu.vector_load %arg13[%get3A, %get3A_163] {strides = array<i32>} : memref<4x128xf32, #tpu.memory_space<vmem>>, vector<1x16xf32>,
        %get3A_165 = vector.shape_cast %get3A_164 : vector<1x16xf32> to vector<16xf32>
        %get3A_166 = arith.index_cast %scan3A_162 : i32 to index
        %get3A_167 = arith.constant 16 : index
        %get3A_168 = tpu.vector_load %arg13[%get3A_166, %get3A_167] {strides = array<i32>} : memref<4x128xf32, #tpu.memory_space<vmem>>, vector<1x16xf32>,
        %get3A_169 = vector.shape_cast %get3A_168 : vector<1x16xf32> to vector<16xf32>
        %get3A_170 = arith.index_cast %scan3A_162 : i32 to index
        %get3A_171 = arith.constant 32 : index
        %get3A_172 = tpu.vector_load %arg13[%get3A_170, %get3A_171] {strides = array<i32>} : memref<4x128xf32, #tpu.memory_space<vmem>>, vector<1x16xf32>,
        %get3A_173 = vector.shape_cast %get3A_172 : vector<1x16xf32> to vector<16xf32>
        %get3A_174 = arith.index_cast %scan3A_162 : i32 to index
        %get3A_175 = arith.constant 48 : index
        %get3A_176 = tpu.vector_load %arg13[%get3A_174, %get3A_175] {strides = array<i32>} : memref<4x128xf32, #tpu.memory_space<vmem>>, vector<1x16xf32>,
        %get3A_177 = vector.shape_cast %get3A_176 : vector<1x16xf32> to vector<16xf32>
        %get3A_178 = arith.index_cast %scan3A_162 : i32 to index
        %get3A_179 = arith.constant 64 : index
        %get3A_180 = tpu.vector_load %arg13[%get3A_178, %get3A_179] {strides = array<i32>} : memref<4x128xf32, #tpu.memory_space<vmem>>, vector<1x16xf32>,
        %get3A_181 = vector.shape_cast %get3A_180 : vector<1x16xf32> to vector<16xf32>
        %get3A_182 = arith.index_cast %scan3A_162 : i32 to index
        %get3A_183 = arith.constant 80 : index
        %get3A_184 = tpu.vector_load %arg13[%get3A_182, %get3A_183] {strides = array<i32>} : memref<4x128xf32, #tpu.memory_space<vmem>>, vector<1x16xf32>,
        %get3A_185 = vector.shape_cast %get3A_184 : vector<1x16xf32> to vector<16xf32>
        %get3A_186 = arith.index_cast %scan3A_162 : i32 to index
        %get3A_187 = arith.constant 96 : index
        %get3A_188 = tpu.vector_load %arg13[%get3A_186, %get3A_187] {strides = array<i32>} : memref<4x128xf32, #tpu.memory_space<vmem>>, vector<1x16xf32>,
        %get3A_189 = vector.shape_cast %get3A_188 : vector<1x16xf32> to vector<16xf32>
        %get3A_190 = arith.index_cast %scan3A_162 : i32 to index
        %get3A_191 = arith.constant 112 : index
        %get3A_192 = tpu.vector_load %arg13[%get3A_190, %get3A_191] {strides = array<i32>} : memref<4x128xf32, #tpu.memory_space<vmem>>, vector<1x16xf32>,
        %get3A_193 = vector.shape_cast %get3A_192 : vector<1x16xf32> to vector<16xf32>
        %mul3A_194 = arith.constant 4 : i32
        %mul3A_195 = arith.muli %add3A_109, %mul3A_194 : i32
        %add3A_196 = arith.addi %mul3A_195, %scan3A_162 : i32
        %mul3A_197 = arith.constant 0.17407766 : f32
        %mul3A_198 = vector.broadcast %mul3A_197 : f32 to vector<16xf32>
        %mul3A_199 = arith.mulf %get3A_165, %mul3A_198 : vector<16xf32>
        %gt3A = arith.constant 0.000000e+00 : f32
        %gt3A_200 = vector.broadcast %gt3A : f32 to vector<16xf32>
        %gt3A_201 = arith.cmpf ogt, %mul3A_199, %gt3A_200 : vector<16xf32>
        %exp3A = math.exp %mul3A_199 : vector<16xf32>
        %sub3A = arith.constant 1.000000e+00 : f32
        %sub3A_202 = vector.broadcast %sub3A : f32 to vector<16xf32>
        %sub3A_203 = arith.subf %exp3A, %sub3A_202 : vector<16xf32>
        %select_n3A = arith.select %gt3A_201, %mul3A_199, %sub3A_203 : vector<16xi1>, vector<16xf32>
        %swap3A = arith.index_cast %add3A_196 : i32 to index
        %swap3A_204 = arith.constant 0 : index
        %swap3A_205 = tpu.vector_load %arg6[%swap3A, %swap3A_204] {strides = array<i32>} : memref<320x128xf32, #tpu.memory_space<vmem>>, vector<1x16xf32>,
        %swap3A_206 = vector.shape_cast %swap3A_205 : vector<1x16xf32> to vector<16xf32>
        %swap3A_207 = vector.shape_cast %select_n3A : vector<16xf32> to vector<1x16xf32>
        tpu.vector_store %arg6[%swap3A, %swap3A_204], %swap3A_207 {strides = array<i32>} : memref<320x128xf32, #tpu.memory_space<vmem>>, vector<1x16xf32>,
        %mul3A_208 = arith.constant 0.17407766 : f32
        %mul3A_209 = vector.broadcast %mul3A_208 : f32 to vector<16xf32>
        %mul3A_210 = arith.mulf %get3A_169, %mul3A_209 : vector<16xf32>
        %gt3A_211 = arith.constant 0.000000e+00 : f32
        %gt3A_212 = vector.broadcast %gt3A_211 : f32 to vector<16xf32>
        %gt3A_213 = arith.cmpf ogt, %mul3A_210, %gt3A_212 : vector<16xf32>
        %exp3A_214 = math.exp %mul3A_210 : vector<16xf32>
        %sub3A_215 = arith.constant 1.000000e+00 : f32
        %sub3A_216 = vector.broadcast %sub3A_215 : f32 to vector<16xf32>
        %sub3A_217 = arith.subf %exp3A_214, %sub3A_216 : vector<16xf32>
        %select_n3A_218 = arith.select %gt3A_213, %mul3A_210, %sub3A_217 : vector<16xi1>, vector<16xf32>
        %swap3A_219 = arith.index_cast %add3A_196 : i32 to index
        %swap3A_220 = arith.constant 16 : index
        %swap3A_221 = tpu.vector_load %arg6[%swap3A_219, %swap3A_220] {strides = array<i32>} : memref<320x128xf32, #tpu.memory_space<vmem>>, vector<1x16xf32>,
        %swap3A_222 = vector.shape_cast %swap3A_221 : vector<1x16xf32> to vector<16xf32>
        %swap3A_223 = vector.shape_cast %select_n3A_218 : vector<16xf32> to vector<1x16xf32>
        tpu.vector_store %arg6[%swap3A_219, %swap3A_220], %swap3A_223 {strides = array<i32>} : memref<320x128xf32, #tpu.memory_space<vmem>>, vector<1x16xf32>,
        %mul3A_224 = arith.constant 0.17407766 : f32
        %mul3A_225 = vector.broadcast %mul3A_224 : f32 to vector<16xf32>
        %mul3A_226 = arith.mulf %get3A_173, %mul3A_225 : vector<16xf32>
        %gt3A_227 = arith.constant 0.000000e+00 : f32
        %gt3A_228 = vector.broadcast %gt3A_227 : f32 to vector<16xf32>
        %gt3A_229 = arith.cmpf ogt, %mul3A_226, %gt3A_228 : vector<16xf32>
        %exp3A_230 = math.exp %mul3A_226 : vector<16xf32>
        %sub3A_231 = arith.constant 1.000000e+00 : f32
        %sub3A_232 = vector.broadcast %sub3A_231 : f32 to vector<16xf32>
        %sub3A_233 = arith.subf %exp3A_230, %sub3A_232 : vector<16xf32>
        %select_n3A_234 = arith.select %gt3A_229, %mul3A_226, %sub3A_233 : vector<16xi1>, vector<16xf32>
        %swap3A_235 = arith.index_cast %add3A_196 : i32 to index
        %swap3A_236 = arith.constant 32 : index
        %swap3A_237 = tpu.vector_load %arg6[%swap3A_235, %swap3A_236] {strides = array<i32>} : memref<320x128xf32, #tpu.memory_space<vmem>>, vector<1x16xf32>,
        %swap3A_238 = vector.shape_cast %swap3A_237 : vector<1x16xf32> to vector<16xf32>
        %swap3A_239 = vector.shape_cast %select_n3A_234 : vector<16xf32> to vector<1x16xf32>
        tpu.vector_store %arg6[%swap3A_235, %swap3A_236], %swap3A_239 {strides = array<i32>} : memref<320x128xf32, #tpu.memory_space<vmem>>, vector<1x16xf32>,
        %mul3A_240 = arith.constant 0.17407766 : f32
        %mul3A_241 = vector.broadcast %mul3A_240 : f32 to vector<16xf32>
        %mul3A_242 = arith.mulf %get3A_177, %mul3A_241 : vector<16xf32>
        %gt3A_243 = arith.constant 0.000000e+00 : f32
        %gt3A_244 = vector.broadcast %gt3A_243 : f32 to vector<16xf32>
        %gt3A_245 = arith.cmpf ogt, %mul3A_242, %gt3A_244 : vector<16xf32>
        %exp3A_246 = math.exp %mul3A_242 : vector<16xf32>
        %sub3A_247 = arith.constant 1.000000e+00 : f32
        %sub3A_248 = vector.broadcast %sub3A_247 : f32 to vector<16xf32>
        %sub3A_249 = arith.subf %exp3A_246, %sub3A_248 : vector<16xf32>
        %select_n3A_250 = arith.select %gt3A_245, %mul3A_242, %sub3A_249 : vector<16xi1>, vector<16xf32>
        %swap3A_251 = arith.index_cast %add3A_196 : i32 to index
        %swap3A_252 = arith.constant 48 : index
        %swap3A_253 = tpu.vector_load %arg6[%swap3A_251, %swap3A_252] {strides = array<i32>} : memref<320x128xf32, #tpu.memory_space<vmem>>, vector<1x16xf32>,
        %swap3A_254 = vector.shape_cast %swap3A_253 : vector<1x16xf32> to vector<16xf32>
        %swap3A_255 = vector.shape_cast %select_n3A_250 : vector<16xf32> to vector<1x16xf32>
        tpu.vector_store %arg6[%swap3A_251, %swap3A_252], %swap3A_255 {strides = array<i32>} : memref<320x128xf32, #tpu.memory_space<vmem>>, vector<1x16xf32>,
        %mul3A_256 = arith.constant 0.17407766 : f32
        %mul3A_257 = vector.broadcast %mul3A_256 : f32 to vector<16xf32>
        %mul3A_258 = arith.mulf %get3A_181, %mul3A_257 : vector<16xf32>
        %gt3A_259 = arith.constant 0.000000e+00 : f32
        %gt3A_260 = vector.broadcast %gt3A_259 : f32 to vector<16xf32>
        %gt3A_261 = arith.cmpf ogt, %mul3A_258, %gt3A_260 : vector<16xf32>
        %exp3A_262 = math.exp %mul3A_258 : vector<16xf32>
        %sub3A_263 = arith.constant 1.000000e+00 : f32
        %sub3A_264 = vector.broadcast %sub3A_263 : f32 to vector<16xf32>
        %sub3A_265 = arith.subf %exp3A_262, %sub3A_264 : vector<16xf32>
        %select_n3A_266 = arith.select %gt3A_261, %mul3A_258, %sub3A_265 : vector<16xi1>, vector<16xf32>
        %swap3A_267 = arith.index_cast %add3A_196 : i32 to index
        %swap3A_268 = arith.constant 64 : index
        %swap3A_269 = tpu.vector_load %arg6[%swap3A_267, %swap3A_268] {strides = array<i32>} : memref<320x128xf32, #tpu.memory_space<vmem>>, vector<1x16xf32>,
        %swap3A_270 = vector.shape_cast %swap3A_269 : vector<1x16xf32> to vector<16xf32>
        %swap3A_271 = vector.shape_cast %select_n3A_266 : vector<16xf32> to vector<1x16xf32>
        tpu.vector_store %arg6[%swap3A_267, %swap3A_268], %swap3A_271 {strides = array<i32>} : memref<320x128xf32, #tpu.memory_space<vmem>>, vector<1x16xf32>,
        %mul3A_272 = arith.constant 0.17407766 : f32
        %mul3A_273 = vector.broadcast %mul3A_272 : f32 to vector<16xf32>
        %mul3A_274 = arith.mulf %get3A_185, %mul3A_273 : vector<16xf32>
        %gt3A_275 = arith.constant 0.000000e+00 : f32
        %gt3A_276 = vector.broadcast %gt3A_275 : f32 to vector<16xf32>
        %gt3A_277 = arith.cmpf ogt, %mul3A_274, %gt3A_276 : vector<16xf32>
        %exp3A_278 = math.exp %mul3A_274 : vector<16xf32>
        %sub3A_279 = arith.constant 1.000000e+00 : f32
        %sub3A_280 = vector.broadcast %sub3A_279 : f32 to vector<16xf32>
        %sub3A_281 = arith.subf %exp3A_278, %sub3A_280 : vector<16xf32>
        %select_n3A_282 = arith.select %gt3A_277, %mul3A_274, %sub3A_281 : vector<16xi1>, vector<16xf32>
        %swap3A_283 = arith.index_cast %add3A_196 : i32 to index
        %swap3A_284 = arith.constant 80 : index
        %swap3A_285 = tpu.vector_load %arg6[%swap3A_283, %swap3A_284] {strides = array<i32>} : memref<320x128xf32, #tpu.memory_space<vmem>>, vector<1x16xf32>,
        %swap3A_286 = vector.shape_cast %swap3A_285 : vector<1x16xf32> to vector<16xf32>
        %swap3A_287 = vector.shape_cast %select_n3A_282 : vector<16xf32> to vector<1x16xf32>
        tpu.vector_store %arg6[%swap3A_283, %swap3A_284], %swap3A_287 {strides = array<i32>} : memref<320x128xf32, #tpu.memory_space<vmem>>, vector<1x16xf32>,
        %mul3A_288 = arith.constant 0.17407766 : f32
        %mul3A_289 = vector.broadcast %mul3A_288 : f32 to vector<16xf32>
        %mul3A_290 = arith.mulf %get3A_189, %mul3A_289 : vector<16xf32>
        %gt3A_291 = arith.constant 0.000000e+00 : f32
        %gt3A_292 = vector.broadcast %gt3A_291 : f32 to vector<16xf32>
        %gt3A_293 = arith.cmpf ogt, %mul3A_290, %gt3A_292 : vector<16xf32>
        %exp3A_294 = math.exp %mul3A_290 : vector<16xf32>
        %sub3A_295 = arith.constant 1.000000e+00 : f32
        %sub3A_296 = vector.broadcast %sub3A_295 : f32 to vector<16xf32>
        %sub3A_297 = arith.subf %exp3A_294, %sub3A_296 : vector<16xf32>
        %select_n3A_298 = arith.select %gt3A_293, %mul3A_290, %sub3A_297 : vector<16xi1>, vector<16xf32>
        %swap3A_299 = arith.index_cast %add3A_196 : i32 to index
        %swap3A_300 = arith.constant 96 : index
        %swap3A_301 = tpu.vector_load %arg6[%swap3A_299, %swap3A_300] {strides = array<i32>} : memref<320x128xf32, #tpu.memory_space<vmem>>, vector<1x16xf32>,
        %swap3A_302 = vector.shape_cast %swap3A_301 : vector<1x16xf32> to vector<16xf32>
        %swap3A_303 = vector.shape_cast %select_n3A_298 : vector<16xf32> to vector<1x16xf32>
        tpu.vector_store %arg6[%swap3A_299, %swap3A_300], %swap3A_303 {strides = array<i32>} : memref<320x128xf32, #tpu.memory_space<vmem>>, vector<1x16xf32>,
        %mul3A_304 = arith.constant 0.17407766 : f32
        %mul3A_305 = vector.broadcast %mul3A_304 : f32 to vector<16xf32>
        %mul3A_306 = arith.mulf %get3A_193, %mul3A_305 : vector<16xf32>
        %gt3A_307 = arith.constant 0.000000e+00 : f32
        %gt3A_308 = vector.broadcast %gt3A_307 : f32 to vector<16xf32>
        %gt3A_309 = arith.cmpf ogt, %mul3A_306, %gt3A_308 : vector<16xf32>
        %exp3A_310 = math.exp %mul3A_306 : vector<16xf32>
        %sub3A_311 = arith.constant 1.000000e+00 : f32
        %sub3A_312 = vector.broadcast %sub3A_311 : f32 to vector<16xf32>
        %sub3A_313 = arith.subf %exp3A_310, %sub3A_312 : vector<16xf32>
        %select_n3A_314 = arith.select %gt3A_309, %mul3A_306, %sub3A_313 : vector<16xi1>, vector<16xf32>
        %swap3A_315 = arith.index_cast %add3A_196 : i32 to index
        %swap3A_316 = arith.constant 112 : index
        %swap3A_317 = tpu.vector_load %arg6[%swap3A_315, %swap3A_316] {strides = array<i32>} : memref<320x128xf32, #tpu.memory_space<vmem>>, vector<1x16xf32>,
        %swap3A_318 = vector.shape_cast %swap3A_317 : vector<1x16xf32> to vector<16xf32>
        %swap3A_319 = vector.shape_cast %select_n3A_314 : vector<16xf32> to vector<1x16xf32>
        tpu.vector_store %arg6[%swap3A_315, %swap3A_316], %swap3A_319 {strides = array<i32>} : memref<320x128xf32, #tpu.memory_space<vmem>>, vector<1x16xf32>,
      }
      %scan3A_126 = arith.constant 4 : i32
      %add3A_127 = arith.constant 4 : i32
      %add3A_128 = arith.addi %add3A_109, %add3A_127 : i32
      %lt3A_129 = arith.constant 80 : i32
      %lt3A_130 = arith.cmpi slt, %add3A_128, %lt3A_129 : i32
      %convert_element_type3A_131 = arith.extui %lt3A_130 : i1 to i32
      %cond3A_132 = arith.constant 0 : i32
      %cond3A_133 = arith.cmpi ne, %convert_element_type3A_131, %cond3A_132 : i32
      scf.if %cond3A_133 {
        %mul3A_162 = arith.constant 128 : i32
        %mul3A_163 = arith.muli %add3A_128, %mul3A_162 : i32
        %dma_start3A_164 = tpu.memref_slice %arg5[%mul3A_163] : memref<10240xi32, #tpu.memory_space<vmem>> -> memref<128xi32, #tpu.memory_space<vmem>>
        %dma_start3A_165 = arith.constant 0 : i32
        %dma_start3A_166 = arith.constant 0 : i32
        %dma_start3A_167 = tpu.memref_slice %arg2[%dma_start3A_165, %dma_start3A_166] : memref<10240x128xf32, #tpu.memory_space<hbm>> -> memref<10240x128xf32, #tpu.memory_space<hbm>>
        tpu.enqueue_indirect_dma source(%dma_start3A_167 : memref<10240x128xf32, #tpu.memory_space<hbm>>) target(%arg9 : memref<128x128xf32, #tpu.memory_space<vmem>>) offsets(%dma_start3A_164 : memref<128xi32, #tpu.memory_space<vmem>>) semaphore(%arg17 : memref<!tpu.dma_semaphore, #tpu.memory_space<semaphore_mem>>)
        %mul3A_168 = arith.constant 4 : i32
        %mul3A_169 = arith.muli %add3A_128, %mul3A_168 : i32
        %add3A_170 = arith.addi %mul3A_2, %mul3A_169 : i32
        %dma_start3A_171 = arith.constant 0 : i32
        %dma_start3A_172 = tpu.memref_slice %arg2[%add3A_170, %dma_start3A_171] : memref<10240x128xf32, #tpu.memory_space<hbm>> -> memref<4x128xf32, #tpu.memory_space<hbm>>
        %dma_start3A_173 = arith.constant 0 : i32
        %dma_start3A_174 = tpu.memref_slice %arg2[%add3A_170, %dma_start3A_173] : memref<10240x128xf32, #tpu.memory_space<hbm>> -> memref<4x128xf32, #tpu.memory_space<hbm>>
        tpu.enqueue_dma source(%dma_start3A_174 : memref<4x128xf32, #tpu.memory_space<hbm>>) target(%arg13 : memref<4x128xf32, #tpu.memory_space<vmem>>) target_semaphore(%arg21 : memref<!tpu.dma_semaphore, #tpu.memory_space<semaphore_mem>>)
      } else {
      }
      %mul3A_134 = arith.constant 4 : i32
      %mul3A_135 = arith.muli %scan3A_53, %mul3A_134 : i32
      %add3A_136 = arith.constant 3 : i32
      %add3A_137 = arith.addi %mul3A_135, %add3A_136 : i32
      %dma_wait3A_138 = arith.constant 0 : i32
      %dma_wait3A_139 = tpu.memref_slice %arg5[%dma_wait3A_138] : memref<10240xi32, #tpu.memory_space<vmem>> -> memref<128xi32, #tpu.memory_space<vmem>>
      %dma_wait3A_140 = arith.constant 0 : i32
      %dma_wait3A_141 = arith.constant 0 : i32
      %dma_wait3A_142 = tpu.memref_slice %arg2[%dma_wait3A_140, %dma_wait3A_141] : memref<10240x128xf32, #tpu.memory_space<hbm>> -> memref<10240x128xf32, #tpu.memory_space<hbm>>
      tpu.wait_indirect_dma semaphore(%arg18 : memref<!tpu.dma_semaphore, #tpu.memory_space<semaphore_mem>>) src(%dma_wait3A_142 : memref<10240x128xf32, #tpu.memory_space<hbm>>) dst(%arg10 : memref<128x128xf32, #tpu.memory_space<vmem>>)
      %dma_wait3A_143 = arith.constant 0 : i32
      %dma_wait3A_144 = arith.constant 0 : i32
      %dma_wait3A_145 = tpu.memref_slice %arg2[%dma_wait3A_143, %dma_wait3A_144] : memref<10240x128xf32, #tpu.memory_space<hbm>> -> memref<4x128xf32, #tpu.memory_space<hbm>>
      %dma_wait3A_146 = arith.constant 0 : i32
      %dma_wait3A_147 = arith.constant 0 : i32
      %dma_wait3A_148 = tpu.memref_slice %arg2[%dma_wait3A_146, %dma_wait3A_147] : memref<10240x128xf32, #tpu.memory_space<hbm>> -> memref<4x128xf32, #tpu.memory_space<hbm>>
      tpu.wait_dma2 semaphore(%arg22 : memref<!tpu.dma_semaphore, #tpu.memory_space<semaphore_mem>>) src(%dma_wait3A_148 : memref<4x128xf32, #tpu.memory_space<hbm>>) dst(%arg14 : memref<4x128xf32, #tpu.memory_space<vmem>>)
      %scan3A_149 = arith.constant 0 : i32
      %scan3A_150 = arith.constant 0 : i32
      %scan3A_151 = arith.constant 4 : i32
      %scan3A_152 = arith.addi %scan3A_150, %scan3A_151 : i32
      %scan3A_153 = arith.constant 1 : i32
      scf.for %scan3A_162 = %scan3A_150 to %scan3A_152 step %scan3A_153  : i32 {
        %get3A = arith.index_cast %scan3A_162 : i32 to index
        %get3A_163 = arith.constant 0 : index
        %get3A_164 = tpu.vector_load %arg14[%get3A, %get3A_163] {strides = array<i32>} : memref<4x128xf32, #tpu.memory_space<vmem>>, vector<1x16xf32>,
        %get3A_165 = vector.shape_cast %get3A_164 : vector<1x16xf32> to vector<16xf32>
        %get3A_166 = arith.index_cast %scan3A_162 : i32 to index
        %get3A_167 = arith.constant 16 : index
        %get3A_168 = tpu.vector_load %arg14[%get3A_166, %get3A_167] {strides = array<i32>} : memref<4x128xf32, #tpu.memory_space<vmem>>, vector<1x16xf32>,
        %get3A_169 = vector.shape_cast %get3A_168 : vector<1x16xf32> to vector<16xf32>
        %get3A_170 = arith.index_cast %scan3A_162 : i32 to index
        %get3A_171 = arith.constant 32 : index
        %get3A_172 = tpu.vector_load %arg14[%get3A_170, %get3A_171] {strides = array<i32>} : memref<4x128xf32, #tpu.memory_space<vmem>>, vector<1x16xf32>,
        %get3A_173 = vector.shape_cast %get3A_172 : vector<1x16xf32> to vector<16xf32>
        %get3A_174 = arith.index_cast %scan3A_162 : i32 to index
        %get3A_175 = arith.constant 48 : index
        %get3A_176 = tpu.vector_load %arg14[%get3A_174, %get3A_175] {strides = array<i32>} : memref<4x128xf32, #tpu.memory_space<vmem>>, vector<1x16xf32>,
        %get3A_177 = vector.shape_cast %get3A_176 : vector<1x16xf32> to vector<16xf32>
        %get3A_178 = arith.index_cast %scan3A_162 : i32 to index
        %get3A_179 = arith.constant 64 : index
        %get3A_180 = tpu.vector_load %arg14[%get3A_178, %get3A_179] {strides = array<i32>} : memref<4x128xf32, #tpu.memory_space<vmem>>, vector<1x16xf32>,
        %get3A_181 = vector.shape_cast %get3A_180 : vector<1x16xf32> to vector<16xf32>
        %get3A_182 = arith.index_cast %scan3A_162 : i32 to index
        %get3A_183 = arith.constant 80 : index
        %get3A_184 = tpu.vector_load %arg14[%get3A_182, %get3A_183] {strides = array<i32>} : memref<4x128xf32, #tpu.memory_space<vmem>>, vector<1x16xf32>,
        %get3A_185 = vector.shape_cast %get3A_184 : vector<1x16xf32> to vector<16xf32>
        %get3A_186 = arith.index_cast %scan3A_162 : i32 to index
        %get3A_187 = arith.constant 96 : index
        %get3A_188 = tpu.vector_load %arg14[%get3A_186, %get3A_187] {strides = array<i32>} : memref<4x128xf32, #tpu.memory_space<vmem>>, vector<1x16xf32>,
        %get3A_189 = vector.shape_cast %get3A_188 : vector<1x16xf32> to vector<16xf32>
        %get3A_190 = arith.index_cast %scan3A_162 : i32 to index
        %get3A_191 = arith.constant 112 : index
        %get3A_192 = tpu.vector_load %arg14[%get3A_190, %get3A_191] {strides = array<i32>} : memref<4x128xf32, #tpu.memory_space<vmem>>, vector<1x16xf32>,
        %get3A_193 = vector.shape_cast %get3A_192 : vector<1x16xf32> to vector<16xf32>
        %mul3A_194 = arith.constant 4 : i32
        %mul3A_195 = arith.muli %add3A_137, %mul3A_194 : i32
        %add3A_196 = arith.addi %mul3A_195, %scan3A_162 : i32
        %mul3A_197 = arith.constant 0.17407766 : f32
        %mul3A_198 = vector.broadcast %mul3A_197 : f32 to vector<16xf32>
        %mul3A_199 = arith.mulf %get3A_165, %mul3A_198 : vector<16xf32>
        %gt3A = arith.constant 0.000000e+00 : f32
        %gt3A_200 = vector.broadcast %gt3A : f32 to vector<16xf32>
        %gt3A_201 = arith.cmpf ogt, %mul3A_199, %gt3A_200 : vector<16xf32>
        %exp3A = math.exp %mul3A_199 : vector<16xf32>
        %sub3A = arith.constant 1.000000e+00 : f32
        %sub3A_202 = vector.broadcast %sub3A : f32 to vector<16xf32>
        %sub3A_203 = arith.subf %exp3A, %sub3A_202 : vector<16xf32>
        %select_n3A = arith.select %gt3A_201, %mul3A_199, %sub3A_203 : vector<16xi1>, vector<16xf32>
        %swap3A = arith.index_cast %add3A_196 : i32 to index
        %swap3A_204 = arith.constant 0 : index
        %swap3A_205 = tpu.vector_load %arg6[%swap3A, %swap3A_204] {strides = array<i32>} : memref<320x128xf32, #tpu.memory_space<vmem>>, vector<1x16xf32>,
        %swap3A_206 = vector.shape_cast %swap3A_205 : vector<1x16xf32> to vector<16xf32>
        %swap3A_207 = vector.shape_cast %select_n3A : vector<16xf32> to vector<1x16xf32>
        tpu.vector_store %arg6[%swap3A, %swap3A_204], %swap3A_207 {strides = array<i32>} : memref<320x128xf32, #tpu.memory_space<vmem>>, vector<1x16xf32>,
        %mul3A_208 = arith.constant 0.17407766 : f32
        %mul3A_209 = vector.broadcast %mul3A_208 : f32 to vector<16xf32>
        %mul3A_210 = arith.mulf %get3A_169, %mul3A_209 : vector<16xf32>
        %gt3A_211 = arith.constant 0.000000e+00 : f32
        %gt3A_212 = vector.broadcast %gt3A_211 : f32 to vector<16xf32>
        %gt3A_213 = arith.cmpf ogt, %mul3A_210, %gt3A_212 : vector<16xf32>
        %exp3A_214 = math.exp %mul3A_210 : vector<16xf32>
        %sub3A_215 = arith.constant 1.000000e+00 : f32
        %sub3A_216 = vector.broadcast %sub3A_215 : f32 to vector<16xf32>
        %sub3A_217 = arith.subf %exp3A_214, %sub3A_216 : vector<16xf32>
        %select_n3A_218 = arith.select %gt3A_213, %mul3A_210, %sub3A_217 : vector<16xi1>, vector<16xf32>
        %swap3A_219 = arith.index_cast %add3A_196 : i32 to index
        %swap3A_220 = arith.constant 16 : index
        %swap3A_221 = tpu.vector_load %arg6[%swap3A_219, %swap3A_220] {strides = array<i32>} : memref<320x128xf32, #tpu.memory_space<vmem>>, vector<1x16xf32>,
        %swap3A_222 = vector.shape_cast %swap3A_221 : vector<1x16xf32> to vector<16xf32>
        %swap3A_223 = vector.shape_cast %select_n3A_218 : vector<16xf32> to vector<1x16xf32>
        tpu.vector_store %arg6[%swap3A_219, %swap3A_220], %swap3A_223 {strides = array<i32>} : memref<320x128xf32, #tpu.memory_space<vmem>>, vector<1x16xf32>,
        %mul3A_224 = arith.constant 0.17407766 : f32
        %mul3A_225 = vector.broadcast %mul3A_224 : f32 to vector<16xf32>
        %mul3A_226 = arith.mulf %get3A_173, %mul3A_225 : vector<16xf32>
        %gt3A_227 = arith.constant 0.000000e+00 : f32
        %gt3A_228 = vector.broadcast %gt3A_227 : f32 to vector<16xf32>
        %gt3A_229 = arith.cmpf ogt, %mul3A_226, %gt3A_228 : vector<16xf32>
        %exp3A_230 = math.exp %mul3A_226 : vector<16xf32>
        %sub3A_231 = arith.constant 1.000000e+00 : f32
        %sub3A_232 = vector.broadcast %sub3A_231 : f32 to vector<16xf32>
        %sub3A_233 = arith.subf %exp3A_230, %sub3A_232 : vector<16xf32>
        %select_n3A_234 = arith.select %gt3A_229, %mul3A_226, %sub3A_233 : vector<16xi1>, vector<16xf32>
        %swap3A_235 = arith.index_cast %add3A_196 : i32 to index
        %swap3A_236 = arith.constant 32 : index
        %swap3A_237 = tpu.vector_load %arg6[%swap3A_235, %swap3A_236] {strides = array<i32>} : memref<320x128xf32, #tpu.memory_space<vmem>>, vector<1x16xf32>,
        %swap3A_238 = vector.shape_cast %swap3A_237 : vector<1x16xf32> to vector<16xf32>
        %swap3A_239 = vector.shape_cast %select_n3A_234 : vector<16xf32> to vector<1x16xf32>
        tpu.vector_store %arg6[%swap3A_235, %swap3A_236], %swap3A_239 {strides = array<i32>} : memref<320x128xf32, #tpu.memory_space<vmem>>, vector<1x16xf32>,
        %mul3A_240 = arith.constant 0.17407766 : f32
        %mul3A_241 = vector.broadcast %mul3A_240 : f32 to vector<16xf32>
        %mul3A_242 = arith.mulf %get3A_177, %mul3A_241 : vector<16xf32>
        %gt3A_243 = arith.constant 0.000000e+00 : f32
        %gt3A_244 = vector.broadcast %gt3A_243 : f32 to vector<16xf32>
        %gt3A_245 = arith.cmpf ogt, %mul3A_242, %gt3A_244 : vector<16xf32>
        %exp3A_246 = math.exp %mul3A_242 : vector<16xf32>
        %sub3A_247 = arith.constant 1.000000e+00 : f32
        %sub3A_248 = vector.broadcast %sub3A_247 : f32 to vector<16xf32>
        %sub3A_249 = arith.subf %exp3A_246, %sub3A_248 : vector<16xf32>
        %select_n3A_250 = arith.select %gt3A_245, %mul3A_242, %sub3A_249 : vector<16xi1>, vector<16xf32>
        %swap3A_251 = arith.index_cast %add3A_196 : i32 to index
        %swap3A_252 = arith.constant 48 : index
        %swap3A_253 = tpu.vector_load %arg6[%swap3A_251, %swap3A_252] {strides = array<i32>} : memref<320x128xf32, #tpu.memory_space<vmem>>, vector<1x16xf32>,
        %swap3A_254 = vector.shape_cast %swap3A_253 : vector<1x16xf32> to vector<16xf32>
        %swap3A_255 = vector.shape_cast %select_n3A_250 : vector<16xf32> to vector<1x16xf32>
        tpu.vector_store %arg6[%swap3A_251, %swap3A_252], %swap3A_255 {strides = array<i32>} : memref<320x128xf32, #tpu.memory_space<vmem>>, vector<1x16xf32>,
        %mul3A_256 = arith.constant 0.17407766 : f32
        %mul3A_257 = vector.broadcast %mul3A_256 : f32 to vector<16xf32>
        %mul3A_258 = arith.mulf %get3A_181, %mul3A_257 : vector<16xf32>
        %gt3A_259 = arith.constant 0.000000e+00 : f32
        %gt3A_260 = vector.broadcast %gt3A_259 : f32 to vector<16xf32>
        %gt3A_261 = arith.cmpf ogt, %mul3A_258, %gt3A_260 : vector<16xf32>
        %exp3A_262 = math.exp %mul3A_258 : vector<16xf32>
        %sub3A_263 = arith.constant 1.000000e+00 : f32
        %sub3A_264 = vector.broadcast %sub3A_263 : f32 to vector<16xf32>
        %sub3A_265 = arith.subf %exp3A_262, %sub3A_264 : vector<16xf32>
        %select_n3A_266 = arith.select %gt3A_261, %mul3A_258, %sub3A_265 : vector<16xi1>, vector<16xf32>
        %swap3A_267 = arith.index_cast %add3A_196 : i32 to index
        %swap3A_268 = arith.constant 64 : index
        %swap3A_269 = tpu.vector_load %arg6[%swap3A_267, %swap3A_268] {strides = array<i32>} : memref<320x128xf32, #tpu.memory_space<vmem>>, vector<1x16xf32>,
        %swap3A_270 = vector.shape_cast %swap3A_269 : vector<1x16xf32> to vector<16xf32>
        %swap3A_271 = vector.shape_cast %select_n3A_266 : vector<16xf32> to vector<1x16xf32>
        tpu.vector_store %arg6[%swap3A_267, %swap3A_268], %swap3A_271 {strides = array<i32>} : memref<320x128xf32, #tpu.memory_space<vmem>>, vector<1x16xf32>,
        %mul3A_272 = arith.constant 0.17407766 : f32
        %mul3A_273 = vector.broadcast %mul3A_272 : f32 to vector<16xf32>
        %mul3A_274 = arith.mulf %get3A_185, %mul3A_273 : vector<16xf32>
        %gt3A_275 = arith.constant 0.000000e+00 : f32
        %gt3A_276 = vector.broadcast %gt3A_275 : f32 to vector<16xf32>
        %gt3A_277 = arith.cmpf ogt, %mul3A_274, %gt3A_276 : vector<16xf32>
        %exp3A_278 = math.exp %mul3A_274 : vector<16xf32>
        %sub3A_279 = arith.constant 1.000000e+00 : f32
        %sub3A_280 = vector.broadcast %sub3A_279 : f32 to vector<16xf32>
        %sub3A_281 = arith.subf %exp3A_278, %sub3A_280 : vector<16xf32>
        %select_n3A_282 = arith.select %gt3A_277, %mul3A_274, %sub3A_281 : vector<16xi1>, vector<16xf32>
        %swap3A_283 = arith.index_cast %add3A_196 : i32 to index
        %swap3A_284 = arith.constant 80 : index
        %swap3A_285 = tpu.vector_load %arg6[%swap3A_283, %swap3A_284] {strides = array<i32>} : memref<320x128xf32, #tpu.memory_space<vmem>>, vector<1x16xf32>,
        %swap3A_286 = vector.shape_cast %swap3A_285 : vector<1x16xf32> to vector<16xf32>
        %swap3A_287 = vector.shape_cast %select_n3A_282 : vector<16xf32> to vector<1x16xf32>
        tpu.vector_store %arg6[%swap3A_283, %swap3A_284], %swap3A_287 {strides = array<i32>} : memref<320x128xf32, #tpu.memory_space<vmem>>, vector<1x16xf32>,
        %mul3A_288 = arith.constant 0.17407766 : f32
        %mul3A_289 = vector.broadcast %mul3A_288 : f32 to vector<16xf32>
        %mul3A_290 = arith.mulf %get3A_189, %mul3A_289 : vector<16xf32>
        %gt3A_291 = arith.constant 0.000000e+00 : f32
        %gt3A_292 = vector.broadcast %gt3A_291 : f32 to vector<16xf32>
        %gt3A_293 = arith.cmpf ogt, %mul3A_290, %gt3A_292 : vector<16xf32>
        %exp3A_294 = math.exp %mul3A_290 : vector<16xf32>
        %sub3A_295 = arith.constant 1.000000e+00 : f32
        %sub3A_296 = vector.broadcast %sub3A_295 : f32 to vector<16xf32>
        %sub3A_297 = arith.subf %exp3A_294, %sub3A_296 : vector<16xf32>
        %select_n3A_298 = arith.select %gt3A_293, %mul3A_290, %sub3A_297 : vector<16xi1>, vector<16xf32>
        %swap3A_299 = arith.index_cast %add3A_196 : i32 to index
        %swap3A_300 = arith.constant 96 : index
        %swap3A_301 = tpu.vector_load %arg6[%swap3A_299, %swap3A_300] {strides = array<i32>} : memref<320x128xf32, #tpu.memory_space<vmem>>, vector<1x16xf32>,
        %swap3A_302 = vector.shape_cast %swap3A_301 : vector<1x16xf32> to vector<16xf32>
        %swap3A_303 = vector.shape_cast %select_n3A_298 : vector<16xf32> to vector<1x16xf32>
        tpu.vector_store %arg6[%swap3A_299, %swap3A_300], %swap3A_303 {strides = array<i32>} : memref<320x128xf32, #tpu.memory_space<vmem>>, vector<1x16xf32>,
        %mul3A_304 = arith.constant 0.17407766 : f32
        %mul3A_305 = vector.broadcast %mul3A_304 : f32 to vector<16xf32>
        %mul3A_306 = arith.mulf %get3A_193, %mul3A_305 : vector<16xf32>
        %gt3A_307 = arith.constant 0.000000e+00 : f32
        %gt3A_308 = vector.broadcast %gt3A_307 : f32 to vector<16xf32>
        %gt3A_309 = arith.cmpf ogt, %mul3A_306, %gt3A_308 : vector<16xf32>
        %exp3A_310 = math.exp %mul3A_306 : vector<16xf32>
        %sub3A_311 = arith.constant 1.000000e+00 : f32
        %sub3A_312 = vector.broadcast %sub3A_311 : f32 to vector<16xf32>
        %sub3A_313 = arith.subf %exp3A_310, %sub3A_312 : vector<16xf32>
        %select_n3A_314 = arith.select %gt3A_309, %mul3A_306, %sub3A_313 : vector<16xi1>, vector<16xf32>
        %swap3A_315 = arith.index_cast %add3A_196 : i32 to index
        %swap3A_316 = arith.constant 112 : index
        %swap3A_317 = tpu.vector_load %arg6[%swap3A_315, %swap3A_316] {strides = array<i32>} : memref<320x128xf32, #tpu.memory_space<vmem>>, vector<1x16xf32>,
        %swap3A_318 = vector.shape_cast %swap3A_317 : vector<1x16xf32> to vector<16xf32>
        %swap3A_319 = vector.shape_cast %select_n3A_314 : vector<16xf32> to vector<1x16xf32>
        tpu.vector_store %arg6[%swap3A_315, %swap3A_316], %swap3A_319 {strides = array<i32>} : memref<320x128xf32, #tpu.memory_space<vmem>>, vector<1x16xf32>,
      }
      %scan3A_154 = arith.constant 4 : i32
      %add3A_155 = arith.constant 4 : i32
      %add3A_156 = arith.addi %add3A_137, %add3A_155 : i32
      %lt3A_157 = arith.constant 80 : i32
      %lt3A_158 = arith.cmpi slt, %add3A_156, %lt3A_157 : i32
      %convert_element_type3A_159 = arith.extui %lt3A_158 : i1 to i32
      %cond3A_160 = arith.constant 0 : i32
      %cond3A_161 = arith.cmpi ne, %convert_element_type3A_159, %cond3A_160 : i32
      scf.if %cond3A_161 {
        %mul3A_162 = arith.constant 128 : i32
        %mul3A_163 = arith.muli %add3A_156, %mul3A_162 : i32
        %dma_start3A_164 = tpu.memref_slice %arg5[%mul3A_163] : memref<10240xi32, #tpu.memory_space<vmem>> -> memref<128xi32, #tpu.memory_space<vmem>>
        %dma_start3A_165 = arith.constant 0 : i32
        %dma_start3A_166 = arith.constant 0 : i32
        %dma_start3A_167 = tpu.memref_slice %arg2[%dma_start3A_165, %dma_start3A_166] : memref<10240x128xf32, #tpu.memory_space<hbm>> -> memref<10240x128xf32, #tpu.memory_space<hbm>>
        tpu.enqueue_indirect_dma source(%dma_start3A_167 : memref<10240x128xf32, #tpu.memory_space<hbm>>) target(%arg10 : memref<128x128xf32, #tpu.memory_space<vmem>>) offsets(%dma_start3A_164 : memref<128xi32, #tpu.memory_space<vmem>>) semaphore(%arg18 : memref<!tpu.dma_semaphore, #tpu.memory_space<semaphore_mem>>)
        %mul3A_168 = arith.constant 4 : i32
        %mul3A_169 = arith.muli %add3A_156, %mul3A_168 : i32
        %add3A_170 = arith.addi %mul3A_2, %mul3A_169 : i32
        %dma_start3A_171 = arith.constant 0 : i32
        %dma_start3A_172 = tpu.memref_slice %arg2[%add3A_170, %dma_start3A_171] : memref<10240x128xf32, #tpu.memory_space<hbm>> -> memref<4x128xf32, #tpu.memory_space<hbm>>
        %dma_start3A_173 = arith.constant 0 : i32
        %dma_start3A_174 = tpu.memref_slice %arg2[%add3A_170, %dma_start3A_173] : memref<10240x128xf32, #tpu.memory_space<hbm>> -> memref<4x128xf32, #tpu.memory_space<hbm>>
        tpu.enqueue_dma source(%dma_start3A_174 : memref<4x128xf32, #tpu.memory_space<hbm>>) target(%arg14 : memref<4x128xf32, #tpu.memory_space<vmem>>) target_semaphore(%arg22 : memref<!tpu.dma_semaphore, #tpu.memory_space<semaphore_mem>>)
      } else {
      }
    }
    %scan3A_52 = arith.constant 20 : i32
    "tpu.region"() ({
      %run_scoped3A = tpu.sem_alloc : memref<!tpu.dma_semaphore, #tpu.memory_space<semaphore_mem>>
      %dma_start3A_53 = arith.constant 0 : i32
      %dma_start3A_54 = tpu.memref_slice %arg4[%mul3A_2, %dma_start3A_53] : memref<10240x128xf32, #tpu.memory_space<hbm>> -> memref<320x128xf32, #tpu.memory_space<hbm>>
      %dma_start3A_55 = arith.constant 0 : i32
      %dma_start3A_56 = tpu.memref_slice %arg4[%mul3A_2, %dma_start3A_55] : memref<10240x128xf32, #tpu.memory_space<hbm>> -> memref<320x128xf32, #tpu.memory_space<hbm>>
      tpu.enqueue_dma source(%arg6 : memref<320x128xf32, #tpu.memory_space<vmem>>) target(%dma_start3A_56 : memref<320x128xf32, #tpu.memory_space<hbm>>) target_semaphore(%run_scoped3A : memref<!tpu.dma_semaphore, #tpu.memory_space<semaphore_mem>>)
      %dma_wait3A = arith.constant 0 : i32
      %dma_wait3A_57 = tpu.memref_slice %arg4[%mul3A_2, %dma_wait3A] : memref<10240x128xf32, #tpu.memory_space<hbm>> -> memref<320x128xf32, #tpu.memory_space<hbm>>
      %dma_wait3A_58 = arith.constant 0 : i32
      %dma_wait3A_59 = tpu.memref_slice %arg4[%mul3A_2, %dma_wait3A_58] : memref<10240x128xf32, #tpu.memory_space<hbm>> -> memref<320x128xf32, #tpu.memory_space<hbm>>
      tpu.wait_dma2 semaphore(%run_scoped3A : memref<!tpu.dma_semaphore, #tpu.memory_space<semaphore_mem>>) src(%arg6 : memref<320x128xf32, #tpu.memory_space<vmem>>) dst(%dma_wait3A_59 : memref<320x128xf32, #tpu.memory_space<hbm>>)
      tpu.yield
    }) : () -> ()
    return
  }
}

module attributes {stable_mosaic.version = 14 : i64} {
  func.func @_mm_body(%arg0: i32, %arg1: memref<1024x128xf32, #tpu.memory_space<vmem>>, %arg2: memref<128x128xf32, #tpu.memory_space<vmem>>, %arg3: memref<1x128xf32, #tpu.memory_space<vmem>>, %arg4: memref<1024x128xf32, #tpu.memory_space<vmem>>) attributes {dimension_semantics = [#tpu.dimension_semantics<arbitrary>], iteration_bounds = array<i64: 10>, scalar_prefetch = 0 : i64, scratch_operands = 0 : i64, tpu.core_type = #tpu.core_type<tc>, window_params = [{transform_indices = @transform_0, window_bounds = array<i64: 1024, 128>}, {pipeline_mode = #tpu.pipeline_mode<synchronous>, transform_indices = @transform_1, window_bounds = array<i64: 128, 128>}, {pipeline_mode = #tpu.pipeline_mode<synchronous>, transform_indices = @transform_2, window_bounds = array<i64: 1, 128>}, {transform_indices = @transform_3, window_bounds = array<i64: 1024, 128>}]} {
    %get3A = arith.constant 0 : index
    %get3A_0 = arith.constant 0 : index
    %get3A_1 = vector.load %arg1[%get3A, %get3A_0] : memref<1024x128xf32, #tpu.memory_space<vmem>>, vector<1024x128xf32>
    %get3A_2 = arith.constant 0 : index
    %get3A_3 = arith.constant 0 : index
    %get3A_4 = vector.load %arg2[%get3A_2, %get3A_3] : memref<128x128xf32, #tpu.memory_space<vmem>>, vector<128x128xf32>
    %dot_general3A = arith.constant dense<0.000000e+00> : vector<1024x128xf32>
    %dot_general3A_5 = tpu.matmul %get3A_1, %get3A_4, %dot_general3A {dimension_numbers = #tpu.dot_dimension_numbers<[1], [1], [0], [0], [0, 0, 1, 0], [], []>, precision = #tpu.contract_precision<fp32>, transpose_lhs_hint = false} : vector<1024x128xf32>, vector<128x128xf32>, vector<1024x128xf32> -> vector<1024x128xf32>
    %get3A_6 = arith.constant 0 : index
    %get3A_7 = arith.constant 0 : index
    %get3A_8 = vector.load %arg3[%get3A_6, %get3A_7] : memref<1x128xf32, #tpu.memory_space<vmem>>, vector<1x128xf32>
    %add3A = vector.broadcast %get3A_8 : vector<1x128xf32> to vector<1024x128xf32>
    %add3A_9 = arith.addf %dot_general3A_5, %add3A : vector<1024x128xf32>
    %mul3A = arith.constant 0.17407766 : f32
    %mul3A_10 = vector.broadcast %mul3A : f32 to vector<1024x128xf32>
    %mul3A_11 = arith.mulf %add3A_9, %mul3A_10 : vector<1024x128xf32>
    %swap3A = arith.constant 0 : index
    %swap3A_12 = arith.constant 0 : index
    %swap3A_13 = vector.load %arg4[%swap3A, %swap3A_12] : memref<1024x128xf32, #tpu.memory_space<vmem>>, vector<1024x128xf32>
    tpu.vector_store %arg4[%swap3A, %swap3A_12], %mul3A_11 {strides = array<i32>} : memref<1024x128xf32, #tpu.memory_space<vmem>>, vector<1024x128xf32>,
    return
  }
  func.func @transform_0(%arg0: i32) -> (i32, i32) {
    %c0_i32 = arith.constant 0 : i32
    %c0_i32_0 = arith.constant 0 : i32
    return %arg0, %c0_i32 : i32, i32
  }
  func.func @transform_1(%arg0: i32) -> (i32, i32) {
    %c0_i32 = arith.constant 0 : i32
    %c0_i32_0 = arith.constant 0 : i32
    %c0_i32_1 = arith.constant 0 : i32
    return %c0_i32, %c0_i32_0 : i32, i32
  }
  func.func @transform_2(%arg0: i32) -> (i32, i32) {
    %c0_i32 = arith.constant 0 : i32
    %c0_i32_0 = arith.constant 0 : i32
    %c0_i32_1 = arith.constant 0 : i32
    return %c0_i32, %c0_i32_0 : i32, i32
  }
  func.func @transform_3(%arg0: i32) -> (i32, i32) {
    %c0_i32 = arith.constant 0 : i32
    %c0_i32_0 = arith.constant 0 : i32
    return %arg0, %c0_i32 : i32, i32
  }
}

</mosaic_0001>

<sc_bundles>
// kernel: kernel.6.cloned.1.call-start
scs
__scs_entry_jumppad:
0x0: {  	(pc) =	sbr.rel $0x88, $3  }
0x1: {  	(tag) =	ssettag $0x0;
	lr =	simm.s32 $0x1  }
0x2: {  	[smem:$0x3F9B] =	sst lr;
	_ =	strace $0xD0000000  }
0x3: {  	_ = 	snop  }
0x4: {  	_ = 	snop  }
0x5: {  	_ = 	snop  }
0x6: {  	_ = 	snop  }
0x7: {  	_ = 	snop  }
__scs_overlays_trampoline_lowered:
0x8: {  	[smem:$0x3FAA] =	sst s0  }
0x9: {  	[smem:$0x3FAB] =	sst s1  }
0xa: {  	[smem:$0x3FAC] =	sst s2  }
0xb: {  	[smem:$0x3FAD] =	sst s3  }
0xc: {  	[smem:$0x3FAE] =	sst s4  }
0xd: {  	[smem:$0x3FAF] =	sst s5  }
0xe: {  	[smem:$0x3FB0] =	sst s6  }
0xf: {  	[smem:$0x3FB1] =	sst s7  }
0x10: {  	[smem:$0x3FB2] =	sst s8  }
0x11: {  	[smem:$0x3FB3] =	sst s9;
	s0 =	simm.s32 @!p0 $0x0  }
0x12: {  	s1 =	sld [smem:$0x3F99];
	s0 =	simm.s32 @p0 $0x1  }
0x13: {  	[smem:$0x3FB4] =	sst s0;
	s0 =	simm.s32 @!p1 $0x0  }
0x14: {  	s2 =	sld [smem:$0x3F98];
	s0 =	simm.s32 @p1 $0x1  }
0x15: {  	[smem:$0x3FB5] =	sst s0;
	s0 =	simm.s32 @!p2 $0x0  }
0x16: {  	s3 =	sld [smem:$0x3FDB];
	s0 =	simm.s32 @p2 $0x1  }
0x17: {  	s4 =	simm.s32 $0x1BF5;
	[smem:$0x3FB7] =	sst s0  }
0x18: {  	s0 =	sld [smem:$0x3F9A];
	_ =	swait.ge [sflag:s4], $0x0  }
0x19: {  	s7 =	sld [smem:$0x3F9B]  }
0x1a: {  	s8 =	sadd.s32 $0xFFFFE003, lr  }
0x1b: {  	s9 =	sadd.s32 $0xFFFFFEF7, lr;
	s5 =	simm.s32 $0xFFFFFFFF;
	p2 =	slt.u32 s8, $0xFFFFF086  }
0x1c: {  	p1 =	slt.u32 s9, $0xF7A;
	s5 =	simm.s32 @!p2 $0x0  }
0x1d: {  	s5 =	simm.s32 @p1 $0x1;
	p0 =	seq.s32 s7, s2  }
0x1e: {  	s7 =	smul.u32 @!p0 $0xF7A, s2;
	p2 =	seq.s32 @!p0 s5, $0x0  }
0x1f: {  	s9 =	smul.u32 $0xF7A, s1;
	s8 =	simm.s32 @!p0 $0x1BF5;
	p2 =	por !p2, p0  }
0x20: {  	[sflag:s8] =	ssyncset.s32 @!p0 $0xFFFFF086;
	s6 =	sadd.s32 @!p0 s3, s7;
	s7 =	simm.s32 @!p0 $0x108  }
0x21: {  	s3 =	sadd.s32 s3, s9;
	s6 =	sadd.s32 @!p0 $0x88, s6;
	s7 =	simm.s32 @p2 $0x1082  }
0x22: {  	[simem:s7], [sflag:s8] =	dma.local @!p0 [hbm:s6], $0xF7A  }
0x23: {  	s9 =	sor.u32 $0xD0000000, s2;
	s6 =	simm.s32 $0x108;
	_ =	swait.ge @!p0 [sflag:s8], $0x0  }
0x24: {  	s3 =	sadd.s32 $0x88, s3;
	s6 =	simm.s32 @!p1 $0x1082;
	[sflag:s4] =	ssyncset.s32 $0xFFFFF086  }
0x25: {  	[simem:s6], [sflag:s4] =	dma.local [hbm:s3], $0xF7A  }
0x26: {  	[smem:$0x3F9B] =	sst s1;
	(tag) =	ssettag s2;
	_ =	strace s9  }
0x27: {  	s1 =	sld [smem:$0x3FAB]  }
0x28: {  	s2 =	sld [smem:$0x3FAC]  }
0x29: {  	s4 =	sld [smem:$0x3FAE]  }
0x2a: {  	p0 =	seq.s32 s5, $0x0;
	s5 =	sld [smem:$0x3FAF]  }
0x2b: {  	s6 =	sld [smem:$0x3FB0]  }
0x2c: {  	s7 =	sld [smem:$0x3FB1]  }
0x2d: {  	s3 =	simm.s32 $0x108;
	s8 =	sld [smem:$0x3FB2]  }
0x2e: {  	s3 =	simm.s32 @!p0 $0x1082;
	s9 =	sld [smem:$0x3FB3]  }
0x2f: {  	lr =	sadd.s32 s0, s3;
	s0 =	sld [smem:$0x3FAA]  }
0x30: {  	s3 =	sld [smem:$0x3FAD]  }
0x31: {  	[smem:$0x3FB6] =	sst s10  }
0x32: {  	s10 =	sld [smem:$0x3FB4];
	_ =	sdelay $0x3  }
0x33: {  	p0 =	seq.s32 s10, $0x1;
	s10 =	sld [smem:$0x3FB6];
	_ =	sdelay $0x3  }
0x34: {  	[smem:$0x3FB6] =	sst s10  }
0x35: {  	s10 =	sld [smem:$0x3FB5];
	_ =	sdelay $0x3  }
0x36: {  	p1 =	seq.s32 s10, $0x1;
	s10 =	sld [smem:$0x3FB6];
	_ =	sdelay $0x3  }
0x37: {  	[smem:$0x3FB6] =	sst s10  }
0x38: {  	s10 =	sld [smem:$0x3FB7]  }
0x39: {  	_ = 	snop;
	(pc) =	sbr.ind lr, $3  }
0x3a: {  	_ = 	snop  }
0x3b: {  	_ = 	snop  }
0x3c: {  	p2 =	seq.s32 s10, $0x1;
	s10 =	sld [smem:$0x3FB6]  }
0x3d: {  	_ =	shalt  }
0x3e: {  	_ =	shalt  }
0x3f: {  	_ =	shalt  }
0x40: {  	_ =	shalt  }
0x41: {  	_ =	shalt  }
0x42: {  	_ =	shalt  }
0x43: {  	_ =	shalt  }
0x44: {  	_ =	shalt  }
0x45: {  	_ =	shalt  }
0x46: {  	_ =	shalt  }
0x47: {  	_ =	shalt  }
0x48: {  	_ =	shalt  }
0x49: {  	_ =	shalt  }
0x4a: {  	_ =	shalt  }
0x4b: {  	_ =	shalt  }
0x4c: {  	_ =	shalt  }
0x4d: {  	_ =	shalt  }
0x4e: {  	_ =	shalt  }
0x4f: {  	_ =	shalt  }
0x50: {  	_ =	shalt  }
0x51: {  	_ =	shalt  }
0x52: {  	_ =	shalt  }
0x53: {  	_ =	shalt  }
0x54: {  	_ =	shalt  }
0x55: {  	_ =	shalt  }
0x56: {  	_ =	shalt  }
0x57: {  	_ =	shalt  }
0x58: {  	_ =	shalt  }
0x59: {  	_ =	shalt  }
0x5a: {  	_ =	shalt  }
0x5b: {  	_ =	shalt  }
0x5c: {  	_ =	shalt  }
0x5d: {  	_ =	shalt  }
0x5e: {  	_ =	shalt  }
0x5f: {  	_ =	shalt  }
0x60: {  	_ =	shalt  }
0x61: {  	_ =	shalt  }
0x62: {  	_ =	shalt  }
0x63: {  	_ =	shalt  }
0x64: {  	_ =	shalt  }
0x65: {  	_ =	shalt  }
0x66: {  	_ =	shalt  }
0x67: {  	_ =	shalt  }
0x68: {  	_ =	shalt  }
0x69: {  	_ =	shalt  }
0x6a: {  	_ =	shalt  }
0x6b: {  	_ =	shalt  }
0x6c: {  	_ =	shalt  }
0x6d: {  	_ =	shalt  }
0x6e: {  	_ =	shalt  }
0x6f: {  	_ =	shalt  }
0x70: {  	_ =	shalt  }
0x71: {  	_ =	shalt  }
0x72: {  	_ =	shalt  }
0x73: {  	_ =	shalt  }
0x74: {  	_ =	shalt  }
0x75: {  	_ =	shalt  }
0x76: {  	_ =	shalt  }
0x77: {  	_ =	shalt  }
0x78: {  	_ =	shalt  }
0x79: {  	_ =	shalt  }
0x7a: {  	_ =	shalt  }
0x7b: {  	_ =	shalt  }
0x7c: {  	_ =	shalt  }
0x7d: {  	_ =	shalt  }
0x7e: {  	_ =	shalt  }
0x7f: {  	_ =	shalt  }
0x80: {  	_ =	shalt  }
0x81: {  	_ =	shalt  }
0x82: {  	_ =	shalt  }
0x83: {  	_ =	shalt  }
0x84: {  	_ =	shalt  }
0x85: {  	_ =	shalt  }
0x86: {  	_ =	shalt  }
0x87: {  	_ =	shalt  }
.Lfunc_end0:
.L_simem_size_0:
called_computation_lowered:
.L_overlay_start_0:
0x88: {  	s2 =	sld [smem:$0x3FD9]  }
0x89: {  	s3 =	sld [smem:$0x3FFE];
	_ =	sdelay $0x1  }
0x8a: {  	s1 =	srdreg.scid  }
0x8b: {  	s0 =	sand.u32 $0x1, s1  }
0x8c: {  	s17 =	sshll.u32 s0, $0xA;
	s2 =	sadd.s32 s3, s2  }
0x8d: {  	s2 =	sadd.s32 s2, s17  }
0x8e: {  	[smem:$0x3FC2] =	sst s2  }
0x8f: {  	_ = 	snop  }
0x90: {  	s2 =	sld [smem:$0x3FD0];
	(tm) =	ssettm $0x1  }
0x91: {  	s18 =	sld [smem:$0x3FFB];
	_ =	sdelay $0x3  }
0x92: {  	_ =	strace s18  }
0x93: {  	s3 =	sld [smem:$0x3FFC];
	_ =	sdelay $0x3  }
0x94: {  	_ =	strace s3  }
0x95: {  	s3 =	sld [smem:$0x3FFD];
	_ =	sdelay $0x3  }
0x96: {  	_ =	strace s3  }
0x97: {  	_ =	strace $0x8FFFFFFF  }
0x98: {  	s19 =	sld [smem:$0x3FDB];
	_ =	sdelay $0x1  }
0x99: {  	s4 =	simm.s32 $_scs_section_size  }
0x9a: {  	s5 =	simm.s32 $_size__tile_overlayer_lowered;
	s6 =	simm.s32 $_tile_overlayer_lowered  }
0x9b: {  	s22 =	simm.s32 $0x1BFF;
	s21 =	sshll.u32 s6, $0x1;
	s3 =	sadd.s32 s4, s19  }
0x9c: {  	s7 =	simm.s32 $0x0;
	s20 =	sshll.u32 s5, $0x1;
	s5 =	sadd.s32 s21, s3  }
0x9d: {  	[timem:s7], [sflag:s22] =	dma.local [hbm:s5], s20  }
0x9e: {  	_ =	swait.ge [sflag:s22], s20  }
0x9f: {  	s4 =	ssub.s32 $0x0, s20;
	[sflag:s22] =	ssyncset.done $0x0  }
0xa0: {  	[sflag:s22] =	ssyncadd.s32 s4;
	_ =	sdelay $0x1  }
0xa1: {  	s23 =	simm.s32 $0x1B8B  }
0xa2: {  	_ =	swait.ge [sflag:s23], $0x1  }
0xa3: {  	[sflag:s23] =	ssyncset.done $0x0  }
0xa4: {  	s25 =	simm.s32 $0x1B8E;
	s24 =	sld [smem:$0x3FFE];
	[sflag:s23] =	ssyncadd.s32 $0xFFFFFFFF  }
0xa5: {  	s26 =	simm.s32 $execute0_lowered;
	[smem:$0x3FD2] =	sst s25  }
0xa6: {  	s5 =	sshll.u32 s26, $0x1;
	_ =	strace $0x80000046;
	[dreg:$0x1] =	wrdreg $0xFFFFFFFF  }
0xa7: {  	s28 =	simm.s32 $_size_execute0_lowered;
	s3 =	sadd.s32 s3, s5;
	[dreg:$0x0] =	wrdreg $0x0  }
0xa8: {  	s5 =	sshll.u32 s28, $0x1;
	[dreg:$0x2] =	wrdreg s3  }
0xa9: {  	[dreg:$0x3] =	wrdreg s5  }
0xaa: {  	[dreg:$0x4] =	wrdreg $0xC0  }
0xab: {  	_ =	task [dreg:s7], $0x5FFFF  }
0xac: {  	[dreg:$0x1] =	wrdreg $0xFFFFFFFF  }
0xad: {  	[dreg:$0x0] =	wrdreg $0x60  }
0xae: {  	[dreg:$0x2] =	wrdreg s24  }
0xaf: {  	[dreg:$0x3] =	wrdreg s2  }
0xb0: {  	[dreg:$0x4] =	wrdreg $0x9  }
0xb1: {  	_ =	task.clear_ibuf [dreg:s7], $0x5FFFF;
	_ =	strace $0x90000046  }
0xb2: {  	s29 =	simm.s32 $0x9;
	_ =	strace $0x80000048  }
0xb3: {  	_ =	swait.ge [sflag:s29], $0x1  }
0xb4: {  	[sflag:s29] =	ssyncadd.s32 $0xFFFFFFFF  }
0xb5: {  	_ =	strace $0x90000048  }
0xb6: {  	_ =	sfence  }
0xb7: {  	s30 =	sld [smem:$0x0];
	_ =	sdelay $0x2  }
0xb8: {  	s31 =	sshll.u32 s1, $0xD;
	s1 =	sshrl.u32 s1, $0x2  }
0xb9: {  	s3 =	sand.u32 $0x4000, s31;
	s1 =	sadd.s32 s1, s30  }
0xba: {  	s0 =	sor.u32 s3, s0;
	s1 =	sshll.u32 s1, $0x11  }
0xbb: {  	s0 =	sor.u32 s1, s0  }
0xbc: {  	s0 =	sadd.s32 $0x8F2B, s0  }
0xbd: {  	[sflag:s0] =	ssyncadd.remote.s32 $0x1  }
0xbe: {  	_ =	sfence.sel $0xFFFF  }
0xbf: {  	[dreg:$0x0] =	wrdreg $0xFFFFFFFF;
	(pc) =	sbr.abs _section_cstart, $3  }
0xc0: {  	[dreg:$0x1] =	wrdreg $0xFFFFFFFF  }
0xc1: {  	_ =	task.clear_ibuf [dreg:s7], $0x2FFFF;
	_ =	strace $0x9FFFFFFF  }
0xc2: {  	(tm) =	ssettm $0x7FFFFFFF  }
0xc3: {  	_ =	shalt  }
tec
execute0_lowered:
.L_overlay_start_1:
0x0: {  	(tag) =	ssettag $0x1  }
0x1: {  	s0 =	rddreg [dreg:$0x0]  }
0x2: {  	s1 =	rddreg [dreg:$0x1]  }
0x3: {  	s3 =	srdreg.scid;
	s5 =	stileid.u32;
	s2 =	simm.s32 $0x0  }
0x4: {  	s12 =	simm.s32 $0x9;
	s13 =	simm.s32 $0x80;
	s22 =	simm.s32 $0x18800  }
0x5: {  	s23 =	simm.s32 $0x1CE00;
	s28 =	simm.s32 $0x6;
	s29 =	simm.s32 $0x3  }
0x6: {  	s30 =	simm.s32 $0x7;
	s4 =	sand.u32 $0x1, s3;
	s24 =	sshll.u32 s5, $0x1  }
0x7: {  	s31 =	simm.s32 $0x4;
	s14 =	simm.s32 $0x0;
	s9 =	sor.u32 s4, s24  }
0x8: {  	[smem:$0x7FF] =	sst s2;
	s3 =	sadd.s32 $0x1E00, s0;
	s25 =	smul.u32 $0x1400, s9  }
0x9: {  	_ =	strace $0x80000047;
	s6 =	ssub.s32 $0x2, s4;
	s7 =	smul.u32 $0x500, s9  }
0xa: {  	s24 =	simm.s32 $0x1;
	s8 =	sshrl.u32 s6, $0x1;
	s9 =	smul.u32 $0xA000, s9  }
.Ltmp0:
0xb: {  	s11 =	ssub.s32 s6, s8;
	s0 =	sadd.s32 s25, s0;
	(pc) =	sbr.rel .LBB2_1-.Ltmp0, $4  }
0xc: {  	s4 =	sadd.s32 s3, s25;
	s1 =	sadd.s32 s1, s7;
	s11 =	smax.u32 s11, $0x1  }
0xd: {  	s25 =	simm.s32 $0x5;
	[dreg:$0x3] =	wrdreg s1;
	s26 =	sadd.s32 $0x40, s4  }
0xe: {  	s7 =	sadd.s32 $0x80, s4;
	s8 =	sadd.s32 $0xC0, s4;
	s10 =	sadd.s32 $0x29E00, s0  }
0xf: {  	s0 =	simm.s32 $0x8;
	[dreg:$0x4] =	wrdreg s26;
	s26 =	simm.s32 $0x2  }
.LBB2_12:
0x10: {  	s14 =	sadd.s32 $0x1, s14  }
0x11: {  	p0 =	sne.s32 s14, s11  }
.Ltmp1:
0x12: {  	s1 =	simm.s32 $0x2800;
	(pc) =	sbr.rel @!p0 .LBB2_13-.Ltmp1, $4  }
0x13: {  	[hbm4b:s10+s2] =	stream.linear.scatter [tilespmem:s1], [sflag:$0x9], $0xA000, $0x38;
	[tilespmem:$0x1D000] =	vst v63  }
0x14: {  	_ =	swait.ge [sflag:s12], $0xA000  }
0x15: {  	[sflag:s12] =	ssyncset.done $0x0  }
0x16: {  	[sflag:s12] =	ssyncadd.s32 $0xFFFF6000  }
.LBB2_1:
0x17: {  	s1 =	rddreg [dreg:$0x3]  }
0x18: {  	[tilespmem:s2], [sflag:$0x9] =	stream.linear.gather [hbm4b:s1+s2], $0x2800, $0x38;
	[tilespmem:$0x1D000] =	vst v63  }
0x19: {  	_ =	swait.ge [sflag:s12], $0x2800  }
0x1a: {  	[sflag:s12] =	ssyncset.done $0x0  }
0x1b: {  	s6 =	simm.s32 $0xC800;
	[sflag:s12] =	ssyncadd.s32 $0xFFFFD800  }
0x1c: {  	[tilespmem:s6], [sflag:$0x1] =	stream.indirect.gather [hbm4b:s3+s13], $0x80, s2, s13, $0xb8;
	[tilespmem:$0x1D000] =	vst v63  }
0x1d: {  	s15 =	simm.s32 $0x1C800  }
0x1e: {  	[tilespmem:s15], [sflag:$0x5] =	stream.linear.gather [hbm4b:s4+s2], $0x200, $0x38;
	[tilespmem:$0x1D000] =	vst v63  }
0x1f: {  	s16 =	simm.s32 $0x10800  }
0x20: {  	[tilespmem:s16], [sflag:$0x2] =	stream.indirect.gather [hbm4b:s3+s13], $0x80, s13, s13, $0xb8;
	[tilespmem:$0x1D000] =	vst v63  }
0x21: {  	s5 =	simm.s32 $0x1CA00;
	s17 =	rddreg [dreg:$0x4]  }
0x22: {  	[tilespmem:s5], [sflag:$0x6] =	stream.linear.gather [hbm4b:s17+s2], $0x200, $0x38;
	[tilespmem:$0x1D000] =	vst v63  }
0x23: {  	s18 =	simm.s32 $0x100;
	s19 =	simm.s32 $0x14800  }
0x24: {  	[tilespmem:s19], [sflag:$0x3] =	stream.indirect.gather [hbm4b:s3+s13], $0x80, s18, s13, $0xb8;
	[tilespmem:$0x1D000] =	vst v63  }
0x25: {  	s20 =	simm.s32 $0x1CC00  }
0x26: {  	[tilespmem:s20], [sflag:$0x7] =	stream.linear.gather [hbm4b:s7+s2], $0x200, $0x38;
	[tilespmem:$0x1D000] =	vst v63  }
0x27: {  	s21 =	simm.s32 $0x180;
	s15 =	simm.s32 $0x2840;
	s16 =	simm.s32 $0x2A00  }
0x28: {  	[tilespmem:s22], [sflag:$0x4] =	stream.indirect.gather [hbm4b:s3+s13], $0x80, s21, s13, $0xb8;
	[tilespmem:$0x1D000] =	vst v63  }
0x29: {  	s17 =	simm.s32 $0x2C00;
	s18 =	simm.s32 $0x2E00;
	s19 =	simm.s32 $0x0  }
0x2a: {  	[tilespmem:s23], [sflag:$0x8] =	stream.linear.gather [hbm4b:s8+s2], $0x200, $0x38;
	[tilespmem:$0x1D000] =	vst v63  }
.LBB2_2:
0x2b: {  	_ =	swait.ge [sflag:s24], $0x4000  }
0x2c: {  	[sflag:s24] =	ssyncset.done $0x0  }
0x2d: {  	[sflag:s24] =	ssyncadd.s32 $0xFFFFC000  }
0x2e: {  	_ =	swait.ge [sflag:s25], $0x200  }
0x2f: {  	[sflag:s25] =	ssyncset.done $0x0  }
0x30: {  	s21 =	simm.s32 $0x0;
	[sflag:s25] =	ssyncadd.s32 $0xFFFFFE00  }
0x31: {  	v0 =	vld [tilespmem:s21+$0x1C830];
	_ =	sdelay $0x1  }
0x32: {  	v1 =	vld [tilespmem:s21+$0x1C820]  }
0x33: {  	v2 =	vld [tilespmem:s21+$0x1C800];
	_ =	sdelay $0x1  }
0x34: {  	v3 =	vld [tilespmem:s21+$0x1C810];
	v8 =	vmul.f32 $1.740776600e-01, v0;
	_ =	sdelay $0x1  }
0x35: {  	v0 =	vmul.f32 $1.442695020e+00, v8  }
0x36: {  	v1 =	vmul.f32 $1.740776600e-01, v1;
	v7 =	vmul.f32 $1.740776600e-01, v2;
	v2 =	vld [tilespmem:s21+$0x1C840]  }
0x37: {  	v4 =	vld [tilespmem:s21+$0x1C850];
	(erf) = vpow2.f32 v0  }
0x38: {  	v6 =	vmul.f32 $1.740776600e-01, v3;
	v3 =	vmul.f32 $1.442695020e+00, v1;
	v0 =	vld [tilespmem:s21+$0x1C860]  }
0x39: {  	v10 =	vld [tilespmem:s21+$0x1C870];
	v5 =	vmul.f32 $1.442695020e+00, v7  }
0x3a: {  	v9 =	vmul.f32 $1.442695020e+00, v6;
	(erf) = vpow2.f32 v3  }
0x3b: {  	(erf) = vpow2.f32 v5;
	v5 =	vmul.f32 $1.740776600e-01, v2  }
0x3c: {  	v4 =	vmul.f32 $1.740776600e-01, v4;
	(erf) = vpow2.f32 v9  }
0x3d: {  	v9 =	vmul.f32 $1.442695020e+00, v5;
	v3 =	vmul.f32 $1.740776600e-01, v0  }
0x3e: {  	v2 =	vmul.f32 $1.740776600e-01, v10;
	v0 =	vmul.f32 $1.442695020e+00, v4  }
0x3f: {  	(erf) = vpow2.f32 v9;
	v10 =	vmul.f32 $1.442695020e+00, v3  }
0x40: {  	v9 =	vmul.f32 $1.442695020e+00, v2;
	(erf) = vpow2.f32 v0;
	v11 =	vpop (erf)  }
0x41: {  	(erf) = vpow2.f32 v10;
	v11 =	vadd.f32 $-1.000000000e+00, v11  }
0x42: {  	(erf) = vpow2.f32 v9  }
0x43: {  	v0 =	vmov s15;
	v10 =	vpop (erf)  }
0x44: {  	vm0 =	vgt.f32 v7, $0.0e+00;
	vm1 =	vgt.f32 v8, $0.0e+00;
	v12 =	vpop (erf)  }
0x45: {  	s20 =	simm.s32 $0x200;
	v9 =	vadd.f32 $-1.000000000e+00, v10;
	v8 =	vsel vm1, v8, v11;
	v10 =	vadd.f32 $-1.000000000e+00, v12;
	v11 =	vpop (erf)  }
.LBB2_3:
0x46: {  	p0 =	sne.s32 s20, $0x600;
	v11 =	vadd.f32 $-1.000000000e+00, v11;
	s1 =	smov.u32 s20;
	s20 =	sadd.s32 $0x200, s20  }
0x47: {  	v10 =	vsel vm0, v7, v10;
	vm0 =	vgt.f32 v6, $0.0e+00  }
0x48: {  	s1 =	sshra.s32 s1, $0x2;
	[tilespmem:v0+s21+$0xFFFFFFC0 ss:$0x1] =	vst.idx.msk $0xffff, v10;
	v6 =	vsel vm0, v6, v11;
	vm0 =	vgt.f32 v1, $0.0e+00;
	v7 =	vpop (erf)  }
0x49: {  	[tilespmem:v0+s21+$0xFFFFFFD0 ss:$0x1] =	vst.idx.msk $0xffff, v6;
	v1 =	vsel vm0, v1, v9;
	v6 =	vadd.f32 $-1.000000000e+00, v7;
	v7 =	vpop (erf)  }
0x4a: {  	vm0 =	vgt.f32 v5, $0.0e+00;
	[tilespmem:v0+s21+$0xFFFFFFE0 ss:$0x1] =	vst.idx.msk $0xffff, v1;
	v1 =	vadd.f32 $-1.000000000e+00, v7;
	v7 =	vpop (erf)  }
0x4b: {  	[tilespmem:v0+s21+$0xFFFFFFF0 ss:$0x1] =	vst.idx.msk $0xffff, v8;
	v5 =	vsel vm0, v5, v6;
	vm0 =	vgt.f32 v4, $0.0e+00;
	v6 =	vadd.f32 $-1.000000000e+00, v7;
	v7 =	vpop (erf)  }
0x4c: {  	[tilespmem:v0+s21+$0x0 ss:$0x1] =	vst.idx.msk $0xffff, v5;
	v1 =	vsel vm0, v4, v1;
	vm0 =	vgt.f32 v3, $0.0e+00;
	v4 =	vadd.f32 $-1.000000000e+00, v7  }
0x4d: {  	[tilespmem:v0+s21+$0x10 ss:$0x1] =	vst.idx.msk $0xffff, v1;
	v1 =	vsel vm0, v3, v6;
	vm0 =	vgt.f32 v2, $0.0e+00  }
0x4e: {  	[tilespmem:v0+s21+$0x20 ss:$0x1] =	vst.idx.msk $0xffff, v1;
	v1 =	vsel vm0, v2, v4  }
0x4f: {  	[tilespmem:v0+s21+$0x30 ss:$0x1] =	vst.idx.msk $0xffff, v1;
	s21 =	smov.u32 s1  }
0x50: {  	v1 =	vld [tilespmem:s21+$0x1C830]  }
0x51: {  	v2 =	vld [tilespmem:s21+$0x1C820]  }
0x52: {  	v3 =	vld [tilespmem:s21+$0x1C800]  }
0x53: {  	v4 =	vld [tilespmem:s21+$0x1C810];
	_ =	sdelay $0x1  }
0x54: {  	v8 =	vmul.f32 $1.740776600e-01, v1  }
0x55: {  	v5 =	vld [tilespmem:s21+$0x1C840];
	v1 =	vmul.f32 $1.740776600e-01, v2  }
0x56: {  	v2 =	vld [tilespmem:s21+$0x1C850];
	v7 =	vmul.f32 $1.740776600e-01, v3;
	v3 =	vmul.f32 $1.442695020e+00, v8  }
0x57: {  	v9 =	vld [tilespmem:s21+$0x1C860];
	v6 =	vmul.f32 $1.740776600e-01, v4;
	v4 =	vmul.f32 $1.442695020e+00, v1  }
0x58: {  	v10 =	vld [tilespmem:s21+$0x1C870];
	vm0 =	vgt.f32 v7, $0.0e+00;
	v11 =	vmul.f32 $1.442695020e+00, v7;
	(erf) = vpow2.f32 v3  }
0x59: {  	v3 =	vmul.f32 $1.442695020e+00, v6;
	(erf) = vpow2.f32 v4  }
0x5a: {  	v5 =	vmul.f32 $1.740776600e-01, v5;
	(erf) = vpow2.f32 v11  }
0x5b: {  	v4 =	vmul.f32 $1.740776600e-01, v2;
	(erf) = vpow2.f32 v3  }
0x5c: {  	v11 =	vmul.f32 $1.442695020e+00, v5;
	v3 =	vmul.f32 $1.740776600e-01, v9  }
0x5d: {  	v9 =	vmul.f32 $1.442695020e+00, v4;
	v2 =	vmul.f32 $1.740776600e-01, v10  }
0x5e: {  	v10 =	vmul.f32 $1.442695020e+00, v3;
	(erf) = vpow2.f32 v11  }
0x5f: {  	v11 =	vmul.f32 $1.442695020e+00, v2;
	(erf) = vpow2.f32 v9  }
.Ltmp2:
0x60: {  	(erf) = vpow2.f32 v10;
	(pc) =	sbr.rel @p0 .LBB2_3-.Ltmp2, $4  }
0x61: {  	v9 =	vpop (erf);
	(erf) = vpow2.f32 v11  }
0x62: {  	v12 =	vadd.f32 $-1.000000000e+00, v9;
	v9 =	vpop (erf)  }
0x63: {  	vm1 =	vgt.f32 v8, $0.0e+00;
	v9 =	vadd.f32 $-1.000000000e+00, v9;
	v10 =	vpop (erf)  }
0x64: {  	v10 =	vadd.f32 $-1.000000000e+00, v10;
	v8 =	vsel vm1, v8, v12;
	v11 =	vpop (erf)  }
0x65: {  	_ = 	snop  }
0x66: {  	v7 =	vsel vm0, v7, v10  }
0x67: {  	v11 =	vadd.f32 $-1.000000000e+00, v11  }
0x68: {  	vm0 =	vgt.f32 v6, $0.0e+00  }
0x69: {  	[tilespmem:v0+s21+$0xFFFFFFC0 ss:$0x1] =	vst.idx.msk $0xffff, v7;
	v6 =	vsel vm0, v6, v11;
	vm0 =	vgt.f32 v1, $0.0e+00;
	v7 =	vpop (erf)  }
0x6a: {  	[tilespmem:v0+s21+$0xFFFFFFD0 ss:$0x1] =	vst.idx.msk $0xffff, v6;
	v1 =	vsel vm0, v1, v9;
	v6 =	vadd.f32 $-1.000000000e+00, v7;
	v7 =	vpop (erf)  }
0x6b: {  	vm0 =	vgt.f32 v5, $0.0e+00;
	[tilespmem:v0+s21+$0xFFFFFFE0 ss:$0x1] =	vst.idx.msk $0xffff, v1;
	v1 =	vadd.f32 $-1.000000000e+00, v7;
	v7 =	vpop (erf)  }
0x6c: {  	[tilespmem:v0+s21+$0xFFFFFFF0 ss:$0x1] =	vst.idx.msk $0xffff, v8;
	v5 =	vsel vm0, v5, v6;
	vm0 =	vgt.f32 v4, $0.0e+00;
	v6 =	vadd.f32 $-1.000000000e+00, v7;
	v7 =	vpop (erf)  }
0x6d: {  	[tilespmem:v0+s21+$0x0 ss:$0x1] =	vst.idx.msk $0xffff, v5;
	v1 =	vsel vm0, v4, v1;
	vm0 =	vgt.f32 v3, $0.0e+00;
	v4 =	vadd.f32 $-1.000000000e+00, v7  }
0x6e: {  	s20 =	sshll.u32 s19, $0xB;
	p0 =	seq.s32 s19, $0x13;
	[tilespmem:v0+s21+$0x10 ss:$0x1] =	vst.idx.msk $0xffff, v1;
	v1 =	vsel vm0, v3, v6;
	vm0 =	vgt.f32 v2, $0.0e+00  }
0x6f: {  	s1 =	sadd.s32 @!p0 $0x800, s20;
	s5 =	simm.s32 @!p0 $0x80;
	[tilespmem:v0+s21+$0x20 ss:$0x1] =	vst.idx.msk $0xffff, v1;
	v1 =	vsel vm0, v2, v4  }
0x70: {  	s6 =	simm.s32 @!p0 $0xC800;
	[tilespmem:v0+s21+$0x30 ss:$0x1] =	vst.idx.msk $0xffff, v1;
	s21 =	sshrl.u32 @!p0 s1, $0x2;
	s1 =	sadd.s32 @!p0 s9, s1  }
0x71: {  	[tilespmem:s6], [sflag:$0x1] =	stream.indirect.gather @!p0 [hbm4b:s3+s5], $0x80, s21, s5, $0xb8;
	[tilespmem:$0x1D000] =	vst v63  }
0x72: {  	s1 =	sshrl.u32 @!p0 s1, $0x3  }
0x73: {  	s5 =	simm.s32 @!p0 $0x0;
	s6 =	simm.s32 @!p0 $0x1C800;
	s1 =	sadd.s32 @!p0 s3, s1  }
0x74: {  	[tilespmem:s6], [sflag:$0x5] =	stream.linear.gather @!p0 [hbm4b:s1+s5], $0x200, $0x38;
	[tilespmem:$0x1D000] =	vst v63  }
0x75: {  	_ =	swait.ge [sflag:s26], $0x4000  }
0x76: {  	[sflag:s26] =	ssyncset.done $0x0  }
0x77: {  	[sflag:s26] =	ssyncadd.s32 $0xFFFFC000  }
0x78: {  	_ =	swait.ge [sflag:s28], $0x200  }
0x79: {  	[sflag:s28] =	ssyncset.done $0x0  }
0x7a: {  	s21 =	simm.s32 $0x0;
	[sflag:s28] =	ssyncadd.s32 $0xFFFFFE00  }
0x7b: {  	v0 =	vld [tilespmem:s21+$0x1CA30];
	_ =	sdelay $0x1  }
0x7c: {  	v1 =	vld [tilespmem:s21+$0x1CA20]  }
0x7d: {  	v2 =	vld [tilespmem:s21+$0x1CA00];
	_ =	sdelay $0x1  }
0x7e: {  	v3 =	vld [tilespmem:s21+$0x1CA10];
	v8 =	vmul.f32 $1.740776600e-01, v0;
	_ =	sdelay $0x1  }
0x7f: {  	v0 =	vmul.f32 $1.442695020e+00, v8  }
0x80: {  	v1 =	vmul.f32 $1.740776600e-01, v1;
	v7 =	vmul.f32 $1.740776600e-01, v2;
	v2 =	vld [tilespmem:s21+$0x1CA40]  }
0x81: {  	v4 =	vld [tilespmem:s21+$0x1CA50];
	(erf) = vpow2.f32 v0  }
0x82: {  	v6 =	vmul.f32 $1.740776600e-01, v3;
	v3 =	vmul.f32 $1.442695020e+00, v1;
	v0 =	vld [tilespmem:s21+$0x1CA60]  }
0x83: {  	v10 =	vld [tilespmem:s21+$0x1CA70];
	v5 =	vmul.f32 $1.442695020e+00, v7  }
0x84: {  	v9 =	vmul.f32 $1.442695020e+00, v6;
	(erf) = vpow2.f32 v3  }
0x85: {  	(erf) = vpow2.f32 v5;
	v5 =	vmul.f32 $1.740776600e-01, v2  }
0x86: {  	v4 =	vmul.f32 $1.740776600e-01, v4;
	(erf) = vpow2.f32 v9  }
0x87: {  	v9 =	vmul.f32 $1.442695020e+00, v5;
	v3 =	vmul.f32 $1.740776600e-01, v0  }
0x88: {  	v2 =	vmul.f32 $1.740776600e-01, v10;
	v0 =	vmul.f32 $1.442695020e+00, v4  }
0x89: {  	(erf) = vpow2.f32 v9;
	v10 =	vmul.f32 $1.442695020e+00, v3  }
0x8a: {  	v9 =	vmul.f32 $1.442695020e+00, v2;
	(erf) = vpow2.f32 v0;
	v11 =	vpop (erf)  }
0x8b: {  	(erf) = vpow2.f32 v10;
	v11 =	vadd.f32 $-1.000000000e+00, v11  }
0x8c: {  	(erf) = vpow2.f32 v9  }
0x8d: {  	v0 =	vmov s16;
	v10 =	vpop (erf)  }
0x8e: {  	vm0 =	vgt.f32 v7, $0.0e+00;
	vm1 =	vgt.f32 v8, $0.0e+00;
	v12 =	vpop (erf)  }
0x8f: {  	s1 =	simm.s32 $0x200;
	v9 =	vadd.f32 $-1.000000000e+00, v10;
	v8 =	vsel vm1, v8, v11;
	v10 =	vadd.f32 $-1.000000000e+00, v12;
	v11 =	vpop (erf)  }
.LBB2_5:
0x90: {  	p1 =	sne.s32 s1, $0x600;
	v11 =	vadd.f32 $-1.000000000e+00, v11;
	s5 =	smov.u32 s1;
	s1 =	sadd.s32 $0x200, s1  }
0x91: {  	v10 =	vsel vm0, v7, v10;
	vm0 =	vgt.f32 v6, $0.0e+00  }
0x92: {  	s5 =	sshra.s32 s5, $0x2;
	[tilespmem:v0+s21+$0x0 ss:$0x1] =	vst.idx.msk $0xffff, v10;
	v6 =	vsel vm0, v6, v11;
	vm0 =	vgt.f32 v1, $0.0e+00;
	v7 =	vpop (erf)  }
0x93: {  	[tilespmem:v0+s21+$0x10 ss:$0x1] =	vst.idx.msk $0xffff, v6;
	v1 =	vsel vm0, v1, v9;
	v6 =	vadd.f32 $-1.000000000e+00, v7;
	v7 =	vpop (erf)  }
0x94: {  	vm0 =	vgt.f32 v5, $0.0e+00;
	[tilespmem:v0+s21+$0x20 ss:$0x1] =	vst.idx.msk $0xffff, v1;
	v1 =	vadd.f32 $-1.000000000e+00, v7;
	v7 =	vpop (erf)  }
0x95: {  	[tilespmem:v0+s21+$0x30 ss:$0x1] =	vst.idx.msk $0xffff, v8;
	v5 =	vsel vm0, v5, v6;
	vm0 =	vgt.f32 v4, $0.0e+00;
	v6 =	vadd.f32 $-1.000000000e+00, v7;
	v7 =	vpop (erf)  }
0x96: {  	[tilespmem:v0+s21+$0x40 ss:$0x1] =	vst.idx.msk $0xffff, v5;
	v1 =	vsel vm0, v4, v1;
	vm0 =	vgt.f32 v3, $0.0e+00;
	v4 =	vadd.f32 $-1.000000000e+00, v7  }
0x97: {  	[tilespmem:v0+s21+$0x50 ss:$0x1] =	vst.idx.msk $0xffff, v1;
	v1 =	vsel vm0, v3, v6;
	vm0 =	vgt.f32 v2, $0.0e+00  }
0x98: {  	[tilespmem:v0+s21+$0x60 ss:$0x1] =	vst.idx.msk $0xffff, v1;
	v1 =	vsel vm0, v2, v4  }
0x99: {  	[tilespmem:v0+s21+$0x70 ss:$0x1] =	vst.idx.msk $0xffff, v1;
	s21 =	smov.u32 s5  }
0x9a: {  	v1 =	vld [tilespmem:s21+$0x1CA30]  }
0x9b: {  	v2 =	vld [tilespmem:s21+$0x1CA20]  }
0x9c: {  	v3 =	vld [tilespmem:s21+$0x1CA00]  }
0x9d: {  	v4 =	vld [tilespmem:s21+$0x1CA10];
	_ =	sdelay $0x1  }
0x9e: {  	v8 =	vmul.f32 $1.740776600e-01, v1  }
0x9f: {  	v5 =	vld [tilespmem:s21+$0x1CA40];
	v1 =	vmul.f32 $1.740776600e-01, v2  }
0xa0: {  	v2 =	vld [tilespmem:s21+$0x1CA50];
	v7 =	vmul.f32 $1.740776600e-01, v3;
	v3 =	vmul.f32 $1.442695020e+00, v8  }
0xa1: {  	v9 =	vld [tilespmem:s21+$0x1CA60];
	v6 =	vmul.f32 $1.740776600e-01, v4;
	v4 =	vmul.f32 $1.442695020e+00, v1  }
0xa2: {  	v10 =	vld [tilespmem:s21+$0x1CA70];
	vm0 =	vgt.f32 v7, $0.0e+00;
	v11 =	vmul.f32 $1.442695020e+00, v7;
	(erf) = vpow2.f32 v3  }
0xa3: {  	v3 =	vmul.f32 $1.442695020e+00, v6;
	(erf) = vpow2.f32 v4  }
0xa4: {  	v5 =	vmul.f32 $1.740776600e-01, v5;
	(erf) = vpow2.f32 v11  }
0xa5: {  	v4 =	vmul.f32 $1.740776600e-01, v2;
	(erf) = vpow2.f32 v3  }
0xa6: {  	v11 =	vmul.f32 $1.442695020e+00, v5;
	v3 =	vmul.f32 $1.740776600e-01, v9  }
0xa7: {  	v9 =	vmul.f32 $1.442695020e+00, v4;
	v2 =	vmul.f32 $1.740776600e-01, v10  }
0xa8: {  	v10 =	vmul.f32 $1.442695020e+00, v3;
	(erf) = vpow2.f32 v11  }
0xa9: {  	v11 =	vmul.f32 $1.442695020e+00, v2;
	(erf) = vpow2.f32 v9  }
.Ltmp3:
0xaa: {  	(erf) = vpow2.f32 v10;
	(pc) =	sbr.rel @p1 .LBB2_5-.Ltmp3, $4  }
0xab: {  	v9 =	vpop (erf);
	(erf) = vpow2.f32 v11  }
0xac: {  	v12 =	vadd.f32 $-1.000000000e+00, v9;
	v9 =	vpop (erf)  }
0xad: {  	vm1 =	vgt.f32 v8, $0.0e+00;
	v9 =	vadd.f32 $-1.000000000e+00, v9;
	v10 =	vpop (erf)  }
0xae: {  	v10 =	vadd.f32 $-1.000000000e+00, v10;
	v8 =	vsel vm1, v8, v12;
	v11 =	vpop (erf)  }
0xaf: {  	_ = 	snop  }
0xb0: {  	v7 =	vsel vm0, v7, v10  }
0xb1: {  	v11 =	vadd.f32 $-1.000000000e+00, v11  }
0xb2: {  	vm0 =	vgt.f32 v6, $0.0e+00  }
0xb3: {  	[tilespmem:v0+s21+$0x0 ss:$0x1] =	vst.idx.msk $0xffff, v7;
	v6 =	vsel vm0, v6, v11;
	vm0 =	vgt.f32 v1, $0.0e+00;
	v7 =	vpop (erf)  }
0xb4: {  	[tilespmem:v0+s21+$0x10 ss:$0x1] =	vst.idx.msk $0xffff, v6;
	v1 =	vsel vm0, v1, v9;
	v6 =	vadd.f32 $-1.000000000e+00, v7;
	v7 =	vpop (erf)  }
0xb5: {  	vm0 =	vgt.f32 v5, $0.0e+00;
	[tilespmem:v0+s21+$0x20 ss:$0x1] =	vst.idx.msk $0xffff, v1;
	v1 =	vadd.f32 $-1.000000000e+00, v7;
	v7 =	vpop (erf)  }
0xb6: {  	[tilespmem:v0+s21+$0x30 ss:$0x1] =	vst.idx.msk $0xffff, v8;
	v5 =	vsel vm0, v5, v6;
	vm0 =	vgt.f32 v4, $0.0e+00;
	v6 =	vadd.f32 $-1.000000000e+00, v7;
	v7 =	vpop (erf)  }
0xb7: {  	[tilespmem:v0+s21+$0x40 ss:$0x1] =	vst.idx.msk $0xffff, v5;
	v1 =	vsel vm0, v4, v1;
	vm0 =	vgt.f32 v3, $0.0e+00;
	v4 =	vadd.f32 $-1.000000000e+00, v7  }
0xb8: {  	s1 =	sadd.s32 @!p0 $0xA00, s20;
	[tilespmem:v0+s21+$0x50 ss:$0x1] =	vst.idx.msk $0xffff, v1;
	v1 =	vsel vm0, v3, v6;
	vm0 =	vgt.f32 v2, $0.0e+00  }
0xb9: {  	s5 =	sshrl.u32 @!p0 s1, $0x2;
	s1 =	sadd.s32 @!p0 s9, s1;
	[tilespmem:v0+s21+$0x60 ss:$0x1] =	vst.idx.msk $0xffff, v1;
	v1 =	vsel vm0, v2, v4  }
0xba: {  	s6 =	simm.s32 @!p0 $0x80;
	s1 =	sshrl.u32 @!p0 s1, $0x3;
	[tilespmem:v0+s21+$0x70 ss:$0x1] =	vst.idx.msk $0xffff, v1;
	s21 =	simm.s32 @!p0 $0x10800  }
0xbb: {  	[tilespmem:s21], [sflag:$0x2] =	stream.indirect.gather @!p0 [hbm4b:s3+s6], $0x80, s5, s6, $0xb8;
	[tilespmem:$0x1D000] =	vst v63  }
0xbc: {  	s1 =	sadd.s32 @!p0 s3, s1;
	s5 =	simm.s32 @!p0 $0x0;
	s6 =	simm.s32 @!p0 $0x1CA00  }
0xbd: {  	[tilespmem:s6], [sflag:$0x6] =	stream.linear.gather @!p0 [hbm4b:s1+s5], $0x200, $0x38;
	[tilespmem:$0x1D000] =	vst v63  }
0xbe: {  	_ =	swait.ge [sflag:s29], $0x4000  }
0xbf: {  	[sflag:s29] =	ssyncset.done $0x0  }
0xc0: {  	[sflag:s29] =	ssyncadd.s32 $0xFFFFC000  }
0xc1: {  	_ =	swait.ge [sflag:s30], $0x200  }
0xc2: {  	[sflag:s30] =	ssyncset.done $0x0  }
0xc3: {  	s21 =	simm.s32 $0x0;
	[sflag:s30] =	ssyncadd.s32 $0xFFFFFE00  }
0xc4: {  	v0 =	vld [tilespmem:s21+$0x1CC30];
	_ =	sdelay $0x1  }
0xc5: {  	v1 =	vld [tilespmem:s21+$0x1CC20]  }
0xc6: {  	v2 =	vld [tilespmem:s21+$0x1CC00];
	_ =	sdelay $0x1  }
0xc7: {  	v3 =	vld [tilespmem:s21+$0x1CC10];
	v8 =	vmul.f32 $1.740776600e-01, v0;
	_ =	sdelay $0x1  }
0xc8: {  	v0 =	vmul.f32 $1.442695020e+00, v8  }
0xc9: {  	v1 =	vmul.f32 $1.740776600e-01, v1;
	v7 =	vmul.f32 $1.740776600e-01, v2;
	v2 =	vld [tilespmem:s21+$0x1CC40]  }
0xca: {  	v4 =	vld [tilespmem:s21+$0x1CC50];
	(erf) = vpow2.f32 v0  }
0xcb: {  	v6 =	vmul.f32 $1.740776600e-01, v3;
	v3 =	vmul.f32 $1.442695020e+00, v1;
	v0 =	vld [tilespmem:s21+$0x1CC60]  }
0xcc: {  	v10 =	vld [tilespmem:s21+$0x1CC70];
	v5 =	vmul.f32 $1.442695020e+00, v7  }
0xcd: {  	v9 =	vmul.f32 $1.442695020e+00, v6;
	(erf) = vpow2.f32 v3  }
0xce: {  	(erf) = vpow2.f32 v5;
	v5 =	vmul.f32 $1.740776600e-01, v2  }
0xcf: {  	v4 =	vmul.f32 $1.740776600e-01, v4;
	(erf) = vpow2.f32 v9  }
0xd0: {  	v9 =	vmul.f32 $1.442695020e+00, v5;
	v3 =	vmul.f32 $1.740776600e-01, v0  }
0xd1: {  	v2 =	vmul.f32 $1.740776600e-01, v10;
	v0 =	vmul.f32 $1.442695020e+00, v4  }
0xd2: {  	(erf) = vpow2.f32 v9;
	v10 =	vmul.f32 $1.442695020e+00, v3  }
0xd3: {  	v9 =	vmul.f32 $1.442695020e+00, v2;
	(erf) = vpow2.f32 v0;
	v11 =	vpop (erf)  }
0xd4: {  	(erf) = vpow2.f32 v10;
	v11 =	vadd.f32 $-1.000000000e+00, v11  }
0xd5: {  	(erf) = vpow2.f32 v9  }
0xd6: {  	v0 =	vmov s17;
	v10 =	vpop (erf)  }
0xd7: {  	vm0 =	vgt.f32 v7, $0.0e+00;
	vm1 =	vgt.f32 v8, $0.0e+00;
	v12 =	vpop (erf)  }
0xd8: {  	s1 =	simm.s32 $0x200;
	v9 =	vadd.f32 $-1.000000000e+00, v10;
	v8 =	vsel vm1, v8, v11;
	v10 =	vadd.f32 $-1.000000000e+00, v12;
	v11 =	vpop (erf)  }
.LBB2_7:
0xd9: {  	p1 =	sne.s32 s1, $0x600;
	v11 =	vadd.f32 $-1.000000000e+00, v11;
	s5 =	smov.u32 s1;
	s1 =	sadd.s32 $0x200, s1  }
0xda: {  	v10 =	vsel vm0, v7, v10;
	vm0 =	vgt.f32 v6, $0.0e+00  }
0xdb: {  	s5 =	sshra.s32 s5, $0x2;
	[tilespmem:v0+s21+$0x0 ss:$0x1] =	vst.idx.msk $0xffff, v10;
	v6 =	vsel vm0, v6, v11;
	vm0 =	vgt.f32 v1, $0.0e+00;
	v7 =	vpop (erf)  }
0xdc: {  	[tilespmem:v0+s21+$0x10 ss:$0x1] =	vst.idx.msk $0xffff, v6;
	v1 =	vsel vm0, v1, v9;
	v6 =	vadd.f32 $-1.000000000e+00, v7;
	v7 =	vpop (erf)  }
0xdd: {  	vm0 =	vgt.f32 v5, $0.0e+00;
	[tilespmem:v0+s21+$0x20 ss:$0x1] =	vst.idx.msk $0xffff, v1;
	v1 =	vadd.f32 $-1.000000000e+00, v7;
	v7 =	vpop (erf)  }
0xde: {  	[tilespmem:v0+s21+$0x30 ss:$0x1] =	vst.idx.msk $0xffff, v8;
	v5 =	vsel vm0, v5, v6;
	vm0 =	vgt.f32 v4, $0.0e+00;
	v6 =	vadd.f32 $-1.000000000e+00, v7;
	v7 =	vpop (erf)  }
0xdf: {  	[tilespmem:v0+s21+$0x40 ss:$0x1] =	vst.idx.msk $0xffff, v5;
	v1 =	vsel vm0, v4, v1;
	vm0 =	vgt.f32 v3, $0.0e+00;
	v4 =	vadd.f32 $-1.000000000e+00, v7  }
0xe0: {  	[tilespmem:v0+s21+$0x50 ss:$0x1] =	vst.idx.msk $0xffff, v1;
	v1 =	vsel vm0, v3, v6;
	vm0 =	vgt.f32 v2, $0.0e+00  }
0xe1: {  	[tilespmem:v0+s21+$0x60 ss:$0x1] =	vst.idx.msk $0xffff, v1;
	v1 =	vsel vm0, v2, v4  }
0xe2: {  	[tilespmem:v0+s21+$0x70 ss:$0x1] =	vst.idx.msk $0xffff, v1;
	s21 =	smov.u32 s5  }
0xe3: {  	v1 =	vld [tilespmem:s21+$0x1CC30]  }
0xe4: {  	v2 =	vld [tilespmem:s21+$0x1CC20]  }
0xe5: {  	v3 =	vld [tilespmem:s21+$0x1CC00]  }
0xe6: {  	v4 =	vld [tilespmem:s21+$0x1CC10];
	_ =	sdelay $0x1  }
0xe7: {  	v8 =	vmul.f32 $1.740776600e-01, v1  }
0xe8: {  	v5 =	vld [tilespmem:s21+$0x1CC40];
	v1 =	vmul.f32 $1.740776600e-01, v2  }
0xe9: {  	v2 =	vld [tilespmem:s21+$0x1CC50];
	v7 =	vmul.f32 $1.740776600e-01, v3;
	v3 =	vmul.f32 $1.442695020e+00, v8  }
0xea: {  	v9 =	vld [tilespmem:s21+$0x1CC60];
	v6 =	vmul.f32 $1.740776600e-01, v4;
	v4 =	vmul.f32 $1.442695020e+00, v1  }
0xeb: {  	v10 =	vld [tilespmem:s21+$0x1CC70];
	vm0 =	vgt.f32 v7, $0.0e+00;
	v11 =	vmul.f32 $1.442695020e+00, v7;
	(erf) = vpow2.f32 v3  }
0xec: {  	v3 =	vmul.f32 $1.442695020e+00, v6;
	(erf) = vpow2.f32 v4  }
0xed: {  	v5 =	vmul.f32 $1.740776600e-01, v5;
	(erf) = vpow2.f32 v11  }
0xee: {  	v4 =	vmul.f32 $1.740776600e-01, v2;
	(erf) = vpow2.f32 v3  }
0xef: {  	v11 =	vmul.f32 $1.442695020e+00, v5;
	v3 =	vmul.f32 $1.740776600e-01, v9  }
0xf0: {  	v9 =	vmul.f32 $1.442695020e+00, v4;
	v2 =	vmul.f32 $1.740776600e-01, v10  }
0xf1: {  	v10 =	vmul.f32 $1.442695020e+00, v3;
	(erf) = vpow2.f32 v11  }
0xf2: {  	v11 =	vmul.f32 $1.442695020e+00, v2;
	(erf) = vpow2.f32 v9  }
.Ltmp4:
0xf3: {  	(erf) = vpow2.f32 v10;
	(pc) =	sbr.rel @p1 .LBB2_7-.Ltmp4, $4  }
0xf4: {  	v9 =	vpop (erf);
	(erf) = vpow2.f32 v11  }
0xf5: {  	v12 =	vadd.f32 $-1.000000000e+00, v9;
	v9 =	vpop (erf)  }
0xf6: {  	vm1 =	vgt.f32 v8, $0.0e+00;
	v9 =	vadd.f32 $-1.000000000e+00, v9;
	v10 =	vpop (erf)  }
0xf7: {  	v10 =	vadd.f32 $-1.000000000e+00, v10;
	v8 =	vsel vm1, v8, v12;
	v11 =	vpop (erf)  }
0xf8: {  	_ = 	snop  }
0xf9: {  	v7 =	vsel vm0, v7, v10  }
0xfa: {  	v11 =	vadd.f32 $-1.000000000e+00, v11  }
0xfb: {  	vm0 =	vgt.f32 v6, $0.0e+00  }
0xfc: {  	[tilespmem:v0+s21+$0x0 ss:$0x1] =	vst.idx.msk $0xffff, v7;
	v6 =	vsel vm0, v6, v11;
	vm0 =	vgt.f32 v1, $0.0e+00;
	v7 =	vpop (erf)  }
0xfd: {  	[tilespmem:v0+s21+$0x10 ss:$0x1] =	vst.idx.msk $0xffff, v6;
	v1 =	vsel vm0, v1, v9;
	v6 =	vadd.f32 $-1.000000000e+00, v7;
	v7 =	vpop (erf)  }
0xfe: {  	vm0 =	vgt.f32 v5, $0.0e+00;
	[tilespmem:v0+s21+$0x20 ss:$0x1] =	vst.idx.msk $0xffff, v1;
	v1 =	vadd.f32 $-1.000000000e+00, v7;
	v7 =	vpop (erf)  }
0xff: {  	[tilespmem:v0+s21+$0x30 ss:$0x1] =	vst.idx.msk $0xffff, v8;
	v5 =	vsel vm0, v5, v6;
	vm0 =	vgt.f32 v4, $0.0e+00;
	v6 =	vadd.f32 $-1.000000000e+00, v7;
	v7 =	vpop (erf)  }
0x100: {  	[tilespmem:v0+s21+$0x40 ss:$0x1] =	vst.idx.msk $0xffff, v5;
	v1 =	vsel vm0, v4, v1;
	vm0 =	vgt.f32 v3, $0.0e+00;
	v4 =	vadd.f32 $-1.000000000e+00, v7  }
0x101: {  	s1 =	sadd.s32 @!p0 $0xC00, s20;
	[tilespmem:v0+s21+$0x50 ss:$0x1] =	vst.idx.msk $0xffff, v1;
	v1 =	vsel vm0, v3, v6;
	vm0 =	vgt.f32 v2, $0.0e+00  }
0x102: {  	s5 =	sshrl.u32 @!p0 s1, $0x2;
	s1 =	sadd.s32 @!p0 s9, s1;
	[tilespmem:v0+s21+$0x60 ss:$0x1] =	vst.idx.msk $0xffff, v1;
	v1 =	vsel vm0, v2, v4  }
0x103: {  	s6 =	simm.s32 @!p0 $0x80;
	s1 =	sshrl.u32 @!p0 s1, $0x3;
	[tilespmem:v0+s21+$0x70 ss:$0x1] =	vst.idx.msk $0xffff, v1;
	s21 =	simm.s32 @!p0 $0x14800  }
0x104: {  	[tilespmem:s21], [sflag:$0x3] =	stream.indirect.gather @!p0 [hbm4b:s3+s6], $0x80, s5, s6, $0xb8;
	[tilespmem:$0x1D000] =	vst v63  }
0x105: {  	s1 =	sadd.s32 @!p0 s3, s1;
	s5 =	simm.s32 @!p0 $0x0;
	s6 =	simm.s32 @!p0 $0x1CC00  }
0x106: {  	[tilespmem:s6], [sflag:$0x7] =	stream.linear.gather @!p0 [hbm4b:s1+s5], $0x200, $0x38;
	[tilespmem:$0x1D000] =	vst v63  }
0x107: {  	_ =	swait.ge [sflag:s31], $0x4000  }
0x108: {  	[sflag:s31] =	ssyncset.done $0x0  }
0x109: {  	[sflag:s31] =	ssyncadd.s32 $0xFFFFC000  }
0x10a: {  	_ =	swait.ge [sflag:s0], $0x200  }
0x10b: {  	[sflag:s0] =	ssyncset.done $0x0  }
0x10c: {  	s21 =	simm.s32 $0x0;
	[sflag:s0] =	ssyncadd.s32 $0xFFFFFE00  }
0x10d: {  	v0 =	vld [tilespmem:s21+$0x1CE30];
	_ =	sdelay $0x1  }
0x10e: {  	v1 =	vld [tilespmem:s21+$0x1CE20]  }
0x10f: {  	v2 =	vld [tilespmem:s21+$0x1CE00];
	_ =	sdelay $0x1  }
0x110: {  	v3 =	vld [tilespmem:s21+$0x1CE10];
	v8 =	vmul.f32 $1.740776600e-01, v0;
	_ =	sdelay $0x1  }
0x111: {  	v0 =	vmul.f32 $1.442695020e+00, v8  }
0x112: {  	v1 =	vmul.f32 $1.740776600e-01, v1;
	v7 =	vmul.f32 $1.740776600e-01, v2;
	v2 =	vld [tilespmem:s21+$0x1CE40]  }
0x113: {  	v4 =	vld [tilespmem:s21+$0x1CE50];
	(erf) = vpow2.f32 v0  }
0x114: {  	v6 =	vmul.f32 $1.740776600e-01, v3;
	v3 =	vmul.f32 $1.442695020e+00, v1;
	v0 =	vld [tilespmem:s21+$0x1CE60]  }
0x115: {  	v10 =	vld [tilespmem:s21+$0x1CE70];
	v5 =	vmul.f32 $1.442695020e+00, v7  }
0x116: {  	v9 =	vmul.f32 $1.442695020e+00, v6;
	(erf) = vpow2.f32 v3  }
0x117: {  	(erf) = vpow2.f32 v5;
	v5 =	vmul.f32 $1.740776600e-01, v2  }
0x118: {  	v4 =	vmul.f32 $1.740776600e-01, v4;
	(erf) = vpow2.f32 v9  }
0x119: {  	v9 =	vmul.f32 $1.442695020e+00, v5;
	v3 =	vmul.f32 $1.740776600e-01, v0  }
0x11a: {  	v2 =	vmul.f32 $1.740776600e-01, v10;
	v0 =	vmul.f32 $1.442695020e+00, v4  }
0x11b: {  	(erf) = vpow2.f32 v9;
	v10 =	vmul.f32 $1.442695020e+00, v3  }
0x11c: {  	v9 =	vmul.f32 $1.442695020e+00, v2;
	(erf) = vpow2.f32 v0;
	v11 =	vpop (erf)  }
0x11d: {  	(erf) = vpow2.f32 v10;
	v11 =	vadd.f32 $-1.000000000e+00, v11  }
0x11e: {  	(erf) = vpow2.f32 v9  }
0x11f: {  	v0 =	vmov s18;
	v10 =	vpop (erf)  }
0x120: {  	vm0 =	vgt.f32 v7, $0.0e+00;
	vm1 =	vgt.f32 v8, $0.0e+00;
	v12 =	vpop (erf)  }
0x121: {  	s1 =	simm.s32 $0x200;
	v9 =	vadd.f32 $-1.000000000e+00, v10;
	v8 =	vsel vm1, v8, v11;
	v10 =	vadd.f32 $-1.000000000e+00, v12;
	v11 =	vpop (erf)  }
.LBB2_9:
0x122: {  	p1 =	sne.s32 s1, $0x600;
	v11 =	vadd.f32 $-1.000000000e+00, v11;
	s5 =	smov.u32 s1;
	s1 =	sadd.s32 $0x200, s1  }
0x123: {  	v10 =	vsel vm0, v7, v10;
	vm0 =	vgt.f32 v6, $0.0e+00  }
0x124: {  	s5 =	sshra.s32 s5, $0x2;
	[tilespmem:v0+s21+$0x0 ss:$0x1] =	vst.idx.msk $0xffff, v10;
	v6 =	vsel vm0, v6, v11;
	vm0 =	vgt.f32 v1, $0.0e+00;
	v7 =	vpop (erf)  }
0x125: {  	[tilespmem:v0+s21+$0x10 ss:$0x1] =	vst.idx.msk $0xffff, v6;
	v1 =	vsel vm0, v1, v9;
	v6 =	vadd.f32 $-1.000000000e+00, v7;
	v7 =	vpop (erf)  }
0x126: {  	vm0 =	vgt.f32 v5, $0.0e+00;
	[tilespmem:v0+s21+$0x20 ss:$0x1] =	vst.idx.msk $0xffff, v1;
	v1 =	vadd.f32 $-1.000000000e+00, v7;
	v7 =	vpop (erf)  }
0x127: {  	[tilespmem:v0+s21+$0x30 ss:$0x1] =	vst.idx.msk $0xffff, v8;
	v5 =	vsel vm0, v5, v6;
	vm0 =	vgt.f32 v4, $0.0e+00;
	v6 =	vadd.f32 $-1.000000000e+00, v7;
	v7 =	vpop (erf)  }
0x128: {  	[tilespmem:v0+s21+$0x40 ss:$0x1] =	vst.idx.msk $0xffff, v5;
	v1 =	vsel vm0, v4, v1;
	vm0 =	vgt.f32 v3, $0.0e+00;
	v4 =	vadd.f32 $-1.000000000e+00, v7  }
0x129: {  	[tilespmem:v0+s21+$0x50 ss:$0x1] =	vst.idx.msk $0xffff, v1;
	v1 =	vsel vm0, v3, v6;
	vm0 =	vgt.f32 v2, $0.0e+00  }
0x12a: {  	[tilespmem:v0+s21+$0x60 ss:$0x1] =	vst.idx.msk $0xffff, v1;
	v1 =	vsel vm0, v2, v4  }
0x12b: {  	[tilespmem:v0+s21+$0x70 ss:$0x1] =	vst.idx.msk $0xffff, v1;
	s21 =	smov.u32 s5  }
0x12c: {  	v1 =	vld [tilespmem:s21+$0x1CE30]  }
0x12d: {  	v2 =	vld [tilespmem:s21+$0x1CE20]  }
0x12e: {  	v3 =	vld [tilespmem:s21+$0x1CE00]  }
0x12f: {  	v4 =	vld [tilespmem:s21+$0x1CE10];
	_ =	sdelay $0x1  }
0x130: {  	v8 =	vmul.f32 $1.740776600e-01, v1  }
0x131: {  	v5 =	vld [tilespmem:s21+$0x1CE40];
	v1 =	vmul.f32 $1.740776600e-01, v2  }
0x132: {  	v2 =	vld [tilespmem:s21+$0x1CE50];
	v7 =	vmul.f32 $1.740776600e-01, v3;
	v3 =	vmul.f32 $1.442695020e+00, v8  }
0x133: {  	v9 =	vld [tilespmem:s21+$0x1CE60];
	v6 =	vmul.f32 $1.740776600e-01, v4;
	v4 =	vmul.f32 $1.442695020e+00, v1  }
0x134: {  	v10 =	vld [tilespmem:s21+$0x1CE70];
	vm0 =	vgt.f32 v7, $0.0e+00;
	v11 =	vmul.f32 $1.442695020e+00, v7;
	(erf) = vpow2.f32 v3  }
0x135: {  	v3 =	vmul.f32 $1.442695020e+00, v6;
	(erf) = vpow2.f32 v4  }
0x136: {  	v5 =	vmul.f32 $1.740776600e-01, v5;
	(erf) = vpow2.f32 v11  }
0x137: {  	v4 =	vmul.f32 $1.740776600e-01, v2;
	(erf) = vpow2.f32 v3  }
0x138: {  	v11 =	vmul.f32 $1.442695020e+00, v5;
	v3 =	vmul.f32 $1.740776600e-01, v9  }
0x139: {  	v9 =	vmul.f32 $1.442695020e+00, v4;
	v2 =	vmul.f32 $1.740776600e-01, v10  }
0x13a: {  	v10 =	vmul.f32 $1.442695020e+00, v3;
	(erf) = vpow2.f32 v11  }
0x13b: {  	v11 =	vmul.f32 $1.442695020e+00, v2;
	(erf) = vpow2.f32 v9  }
.Ltmp5:
0x13c: {  	(erf) = vpow2.f32 v10;
	(pc) =	sbr.rel @p1 .LBB2_9-.Ltmp5, $4  }
0x13d: {  	v9 =	vpop (erf);
	(erf) = vpow2.f32 v11  }
0x13e: {  	v12 =	vadd.f32 $-1.000000000e+00, v9;
	v9 =	vpop (erf)  }
0x13f: {  	vm1 =	vgt.f32 v8, $0.0e+00;
	v9 =	vadd.f32 $-1.000000000e+00, v9;
	v10 =	vpop (erf)  }
0x140: {  	v10 =	vadd.f32 $-1.000000000e+00, v10;
	v8 =	vsel vm1, v8, v12;
	v11 =	vpop (erf)  }
0x141: {  	_ =	sdelay $0x1  }
0x142: {  	v11 =	vadd.f32 $-1.000000000e+00, v11  }
0x143: {  	vm10 =	vgt.f32 v6, $0.0e+00;
	v7 =	vsel vm0, v7, v10  }
0x144: {  	vm11 =	vgt.f32 v1, $0.0e+00;
	[tilespmem:v0+s21+$0x0 ss:$0x1] =	vst.idx.msk $0xffff, v7;
	v6 =	vsel vm10, v6, v11;
	v54 =	vpop (erf)  }
0x145: {  	v1 =	vsel vm11, v1, v9;
	[tilespmem:v0+s21+$0x10 ss:$0x1] =	vst.idx.msk $0xffff, v6;
	v55 =	vadd.f32 $-1.000000000e+00, v54;
	v56 =	vpop (erf)  }
0x146: {  	vm12 =	vgt.f32 v5, $0.0e+00;
	[tilespmem:v0+s21+$0x20 ss:$0x1] =	vst.idx.msk $0xffff, v1;
	v57 =	vadd.f32 $-1.000000000e+00, v56;
	v58 =	vpop (erf)  }
.Ltmp6:
0x147: {  	vm13 =	vgt.f32 v4, $0.0e+00;
	[tilespmem:v0+s21+$0x30 ss:$0x1] =	vst.idx.msk $0xffff, v8;
	v5 =	vsel vm12, v5, v55;
	v59 =	vadd.f32 $-1.000000000e+00, v58;
	v60 =	vpop (erf);
	(pc) =	sbr.rel @p0 .LBB2_12-.Ltmp6, $4  }
0x148: {  	vm14 =	vgt.f32 v3, $0.0e+00;
	[tilespmem:v0+s21+$0x40 ss:$0x1] =	vst.idx.msk $0xffff, v5;
	v1 =	vsel vm13, v4, v57;
	v61 =	vadd.f32 $-1.000000000e+00, v60  }
0x149: {  	vm15 =	vgt.f32 v2, $0.0e+00;
	[tilespmem:v0+s21+$0x50 ss:$0x1] =	vst.idx.msk $0xffff, v1;
	v62 =	vsel vm14, v3, v59  }
0x14a: {  	[tilespmem:v0+s21+$0x60 ss:$0x1] =	vst.idx.msk $0xffff, v62;
	v63 =	vsel vm15, v2, v61  }
0x14b: {  	[tilespmem:v0+s21+$0x70 ss:$0x1] =	vst.idx.msk $0xffff, v63  }
0x14c: {  	s1 =	sadd.s32 $0xE00, s20;
	s19 =	sadd.s32 $0x1, s19  }
.Ltmp7:
0x14d: {  	s5 =	sshrl.u32 s1, $0x2;
	s1 =	sadd.s32 s9, s1;
	(pc) =	sbr.rel .LBB2_2-.Ltmp7, $4  }
0x14e: {  	[tilespmem:s22], [sflag:$0x4] =	stream.indirect.gather [hbm4b:s3+s13], $0x80, s5, s13, $0xb8;
	[tilespmem:$0x1D000] =	vst v63  }
0x14f: {  	s15 =	sadd.s32 $0x800, s15;
	s16 =	sadd.s32 $0x800, s16;
	s1 =	sshrl.u32 s1, $0x3  }
0x150: {  	s17 =	sadd.s32 $0x800, s17;
	s18 =	sadd.s32 $0x800, s18;
	s1 =	sadd.s32 s3, s1  }
0x151: {  	[tilespmem:s23], [sflag:$0x8] =	stream.linear.gather [hbm4b:s1+s2], $0x200, $0x38;
	[tilespmem:$0x1D000] =	vst v63  }
.LBB2_13:
0x152: {  	_ =	sfence.sel $0x180000  }
0x153: {  	[bflag:$0x0] =	sbarrier.arrive $0xFFFF  }
0x154: {  	_ =	strace $0x90000047  }
0x155: {  	s0 =	stileid.u32;
	[bflag:$0x2] =	sbarrier.arrive $0xFFFF  }
0x156: {  	p0 =	sne.s32 s0, $0x0;
	s0 =	rddreg [dreg:$0x2]  }
0x157: {  	s0 =	sadd.s32 @!p0 $0x100000, s0  }
0x158: {  	[sflag:s0] =	ssyncadd.tile.s32 @!p0 $0x1;
	_ =	shalt  }
.Lfunc_end2:
_tile_overlayer_lowered:
.L_overlay_start_2:
0x159: {  	(tag) =	ssettag $0x2  }
0x15a: {  	s0 =	rddreg [dreg:$0x0];
	s2 =	stileid.u32  }
0x15b: {  	s1 =	rddreg [dreg:$0x1];
	p0 =	sne.s32 s2, $0x0  }
0x15c: {  	s3 =	rddreg [dreg:$0x2];
	[bflag:$0x3] =	sbarrier.arrive $0xFFFF;
	s2 =	simm.s32 @!p0 $0x1C09  }
0x15d: {  	[timem:s3], [sflag:s2] =	dma.local @!p0 [hbm:s0], s1  }
0x15e: {  	s0 =	simm.s32 @!p0 $0x9  }
0x15f: {  	_ =	swait.ge @!p0 [sflag:s0], s1  }
0x160: {  	s1 =	ssub.s32 @!p0 $0x0, s1;
	[sflag:s0] =	ssyncset.done @!p0 $0x0  }
0x161: {  	[sflag:s0] =	ssyncadd.s32 @!p0 s1  }
0x162: {  	[bflag:$0x3] =	sbarrier.arrive $0xFFFF  }
0x163: {  	_ =	shalt  }

// kernel: kernel.9.cloned.1.call-start
scs
__scs_entry_jumppad:
0x0: {  	(pc) =	sbr.rel $0x88, $3  }
0x1: {  	(tag) =	ssettag $0x0;
	lr =	simm.s32 $0x1  }
0x2: {  	[smem:$0x3F9B] =	sst lr;
	_ =	strace $0xD0000000  }
0x3: {  	_ = 	snop  }
0x4: {  	_ = 	snop  }
0x5: {  	_ = 	snop  }
0x6: {  	_ = 	snop  }
0x7: {  	_ = 	snop  }
__scs_overlays_trampoline_lowered:
0x8: {  	[smem:$0x3FAA] =	sst s0  }
0x9: {  	[smem:$0x3FAB] =	sst s1  }
0xa: {  	[smem:$0x3FAC] =	sst s2  }
0xb: {  	[smem:$0x3FAD] =	sst s3  }
0xc: {  	[smem:$0x3FAE] =	sst s4  }
0xd: {  	[smem:$0x3FAF] =	sst s5  }
0xe: {  	[smem:$0x3FB0] =	sst s6  }
0xf: {  	[smem:$0x3FB1] =	sst s7  }
0x10: {  	[smem:$0x3FB2] =	sst s8  }
0x11: {  	[smem:$0x3FB3] =	sst s9;
	s0 =	simm.s32 @!p0 $0x0  }
0x12: {  	s1 =	sld [smem:$0x3F99];
	s0 =	simm.s32 @p0 $0x1  }
0x13: {  	[smem:$0x3FB4] =	sst s0;
	s0 =	simm.s32 @!p1 $0x0  }
0x14: {  	s2 =	sld [smem:$0x3F98];
	s0 =	simm.s32 @p1 $0x1  }
0x15: {  	[smem:$0x3FB5] =	sst s0;
	s0 =	simm.s32 @!p2 $0x0  }
0x16: {  	s3 =	sld [smem:$0x3FDB];
	s0 =	simm.s32 @p2 $0x1  }
0x17: {  	s4 =	simm.s32 $0x1BF5;
	[smem:$0x3FB7] =	sst s0  }
0x18: {  	s0 =	sld [smem:$0x3F9A];
	_ =	swait.ge [sflag:s4], $0x0  }
0x19: {  	s7 =	sld [smem:$0x3F9B]  }
0x1a: {  	s8 =	sadd.s32 $0xFFFFE003, lr  }
0x1b: {  	s9 =	sadd.s32 $0xFFFFFEF7, lr;
	s5 =	simm.s32 $0xFFFFFFFF;
	p2 =	slt.u32 s8, $0xFFFFF086  }
0x1c: {  	p1 =	slt.u32 s9, $0xF7A;
	s5 =	simm.s32 @!p2 $0x0  }
0x1d: {  	s5 =	simm.s32 @p1 $0x1;
	p0 =	seq.s32 s7, s2  }
0x1e: {  	s7 =	smul.u32 @!p0 $0xF7A, s2;
	p2 =	seq.s32 @!p0 s5, $0x0  }
0x1f: {  	s9 =	smul.u32 $0xF7A, s1;
	s8 =	simm.s32 @!p0 $0x1BF5;
	p2 =	por !p2, p0  }
0x20: {  	[sflag:s8] =	ssyncset.s32 @!p0 $0xFFFFF086;
	s6 =	sadd.s32 @!p0 s3, s7;
	s7 =	simm.s32 @!p0 $0x108  }
0x21: {  	s3 =	sadd.s32 s3, s9;
	s6 =	sadd.s32 @!p0 $0x88, s6;
	s7 =	simm.s32 @p2 $0x1082  }
0x22: {  	[simem:s7], [sflag:s8] =	dma.local @!p0 [hbm:s6], $0xF7A  }
0x23: {  	s9 =	sor.u32 $0xD0000000, s2;
	s6 =	simm.s32 $0x108;
	_ =	swait.ge @!p0 [sflag:s8], $0x0  }
0x24: {  	s3 =	sadd.s32 $0x88, s3;
	s6 =	simm.s32 @!p1 $0x1082;
	[sflag:s4] =	ssyncset.s32 $0xFFFFF086  }
0x25: {  	[simem:s6], [sflag:s4] =	dma.local [hbm:s3], $0xF7A  }
0x26: {  	[smem:$0x3F9B] =	sst s1;
	(tag) =	ssettag s2;
	_ =	strace s9  }
0x27: {  	s1 =	sld [smem:$0x3FAB]  }
0x28: {  	s2 =	sld [smem:$0x3FAC]  }
0x29: {  	s4 =	sld [smem:$0x3FAE]  }
0x2a: {  	p0 =	seq.s32 s5, $0x0;
	s5 =	sld [smem:$0x3FAF]  }
0x2b: {  	s6 =	sld [smem:$0x3FB0]  }
0x2c: {  	s7 =	sld [smem:$0x3FB1]  }
0x2d: {  	s3 =	simm.s32 $0x108;
	s8 =	sld [smem:$0x3FB2]  }
0x2e: {  	s3 =	simm.s32 @!p0 $0x1082;
	s9 =	sld [smem:$0x3FB3]  }
0x2f: {  	lr =	sadd.s32 s0, s3;
	s0 =	sld [smem:$0x3FAA]  }
0x30: {  	s3 =	sld [smem:$0x3FAD]  }
0x31: {  	[smem:$0x3FB6] =	sst s10  }
0x32: {  	s10 =	sld [smem:$0x3FB4];
	_ =	sdelay $0x3  }
0x33: {  	p0 =	seq.s32 s10, $0x1;
	s10 =	sld [smem:$0x3FB6];
	_ =	sdelay $0x3  }
0x34: {  	[smem:$0x3FB6] =	sst s10  }
0x35: {  	s10 =	sld [smem:$0x3FB5];
	_ =	sdelay $0x3  }
0x36: {  	p1 =	seq.s32 s10, $0x1;
	s10 =	sld [smem:$0x3FB6];
	_ =	sdelay $0x3  }
0x37: {  	[smem:$0x3FB6] =	sst s10  }
0x38: {  	s10 =	sld [smem:$0x3FB7]  }
0x39: {  	_ = 	snop;
	(pc) =	sbr.ind lr, $3  }
0x3a: {  	_ = 	snop  }
0x3b: {  	_ = 	snop  }
0x3c: {  	p2 =	seq.s32 s10, $0x1;
	s10 =	sld [smem:$0x3FB6]  }
0x3d: {  	_ =	shalt  }
0x3e: {  	_ =	shalt  }
0x3f: {  	_ =	shalt  }
0x40: {  	_ =	shalt  }
0x41: {  	_ =	shalt  }
0x42: {  	_ =	shalt  }
0x43: {  	_ =	shalt  }
0x44: {  	_ =	shalt  }
0x45: {  	_ =	shalt  }
0x46: {  	_ =	shalt  }
0x47: {  	_ =	shalt  }
0x48: {  	_ =	shalt  }
0x49: {  	_ =	shalt  }
0x4a: {  	_ =	shalt  }
0x4b: {  	_ =	shalt  }
0x4c: {  	_ =	shalt  }
0x4d: {  	_ =	shalt  }
0x4e: {  	_ =	shalt  }
0x4f: {  	_ =	shalt  }
0x50: {  	_ =	shalt  }
0x51: {  	_ =	shalt  }
0x52: {  	_ =	shalt  }
0x53: {  	_ =	shalt  }
0x54: {  	_ =	shalt  }
0x55: {  	_ =	shalt  }
0x56: {  	_ =	shalt  }
0x57: {  	_ =	shalt  }
0x58: {  	_ =	shalt  }
0x59: {  	_ =	shalt  }
0x5a: {  	_ =	shalt  }
0x5b: {  	_ =	shalt  }
0x5c: {  	_ =	shalt  }
0x5d: {  	_ =	shalt  }
0x5e: {  	_ =	shalt  }
0x5f: {  	_ =	shalt  }
0x60: {  	_ =	shalt  }
0x61: {  	_ =	shalt  }
0x62: {  	_ =	shalt  }
0x63: {  	_ =	shalt  }
0x64: {  	_ =	shalt  }
0x65: {  	_ =	shalt  }
0x66: {  	_ =	shalt  }
0x67: {  	_ =	shalt  }
0x68: {  	_ =	shalt  }
0x69: {  	_ =	shalt  }
0x6a: {  	_ =	shalt  }
0x6b: {  	_ =	shalt  }
0x6c: {  	_ =	shalt  }
0x6d: {  	_ =	shalt  }
0x6e: {  	_ =	shalt  }
0x6f: {  	_ =	shalt  }
0x70: {  	_ =	shalt  }
0x71: {  	_ =	shalt  }
0x72: {  	_ =	shalt  }
0x73: {  	_ =	shalt  }
0x74: {  	_ =	shalt  }
0x75: {  	_ =	shalt  }
0x76: {  	_ =	shalt  }
0x77: {  	_ =	shalt  }
0x78: {  	_ =	shalt  }
0x79: {  	_ =	shalt  }
0x7a: {  	_ =	shalt  }
0x7b: {  	_ =	shalt  }
0x7c: {  	_ =	shalt  }
0x7d: {  	_ =	shalt  }
0x7e: {  	_ =	shalt  }
0x7f: {  	_ =	shalt  }
0x80: {  	_ =	shalt  }
0x81: {  	_ =	shalt  }
0x82: {  	_ =	shalt  }
0x83: {  	_ =	shalt  }
0x84: {  	_ =	shalt  }
0x85: {  	_ =	shalt  }
0x86: {  	_ =	shalt  }
0x87: {  	_ =	shalt  }
.Lfunc_end0:
.L_simem_size_0:
called_computation.1_lowered:
.L_overlay_start_0:
0x88: {  	s2 =	sld [smem:$0x3FD9]  }
0x89: {  	s3 =	sld [smem:$0x3FFE];
	_ =	sdelay $0x1  }
0x8a: {  	s1 =	srdreg.scid  }
0x8b: {  	s0 =	sand.u32 $0x1, s1  }
0x8c: {  	s17 =	sshll.u32 s0, $0xA;
	s2 =	sadd.s32 s3, s2  }
0x8d: {  	s2 =	sadd.s32 s2, s17  }
0x8e: {  	[smem:$0x3FC2] =	sst s2  }
0x8f: {  	_ = 	snop  }
0x90: {  	s2 =	sld [smem:$0x3FD0];
	(tm) =	ssettm $0x1  }
0x91: {  	s18 =	sld [smem:$0x3FFB];
	_ =	sdelay $0x3  }
0x92: {  	_ =	strace s18  }
0x93: {  	s3 =	sld [smem:$0x3FFC];
	_ =	sdelay $0x3  }
0x94: {  	_ =	strace s3  }
0x95: {  	s3 =	sld [smem:$0x3FFD];
	_ =	sdelay $0x3  }
0x96: {  	_ =	strace s3  }
0x97: {  	_ =	strace $0x8FFFFFFF  }
0x98: {  	s19 =	sld [smem:$0x3FDB];
	_ =	sdelay $0x1  }
0x99: {  	s4 =	simm.s32 $_scs_section_size  }
0x9a: {  	s5 =	simm.s32 $_size__tile_overlayer_lowered;
	s6 =	simm.s32 $_tile_overlayer_lowered  }
0x9b: {  	s22 =	simm.s32 $0x1BFF;
	s21 =	sshll.u32 s6, $0x1;
	s3 =	sadd.s32 s4, s19  }
0x9c: {  	s7 =	simm.s32 $0x0;
	s20 =	sshll.u32 s5, $0x1;
	s5 =	sadd.s32 s21, s3  }
0x9d: {  	[timem:s7], [sflag:s22] =	dma.local [hbm:s5], s20  }
0x9e: {  	_ =	swait.ge [sflag:s22], s20  }
0x9f: {  	s4 =	ssub.s32 $0x0, s20;
	[sflag:s22] =	ssyncset.done $0x0  }
0xa0: {  	[sflag:s22] =	ssyncadd.s32 s4;
	_ =	sdelay $0x1  }
0xa1: {  	s23 =	simm.s32 $0x1B8B  }
0xa2: {  	_ =	swait.ge [sflag:s23], $0x1  }
0xa3: {  	[sflag:s23] =	ssyncset.done $0x0  }
0xa4: {  	s25 =	simm.s32 $0x1B8E;
	s24 =	sld [smem:$0x3FFE];
	[sflag:s23] =	ssyncadd.s32 $0xFFFFFFFF  }
0xa5: {  	s26 =	simm.s32 $execute0_lowered;
	[smem:$0x3FD2] =	sst s25  }
0xa6: {  	s5 =	sshll.u32 s26, $0x1;
	_ =	strace $0x80000049;
	[dreg:$0x1] =	wrdreg $0xFFFFFFFF  }
0xa7: {  	s28 =	simm.s32 $_size_execute0_lowered;
	s3 =	sadd.s32 s3, s5;
	[dreg:$0x0] =	wrdreg $0x0  }
0xa8: {  	s5 =	sshll.u32 s28, $0x1;
	[dreg:$0x2] =	wrdreg s3  }
0xa9: {  	[dreg:$0x3] =	wrdreg s5  }
0xaa: {  	[dreg:$0x4] =	wrdreg $0xC0  }
0xab: {  	_ =	task [dreg:s7], $0x5FFFF  }
0xac: {  	[dreg:$0x1] =	wrdreg $0xFFFFFFFF  }
0xad: {  	[dreg:$0x0] =	wrdreg $0x60  }
0xae: {  	[dreg:$0x2] =	wrdreg s24  }
0xaf: {  	[dreg:$0x3] =	wrdreg s2  }
0xb0: {  	[dreg:$0x4] =	wrdreg $0x9  }
0xb1: {  	_ =	task.clear_ibuf [dreg:s7], $0x5FFFF;
	_ =	strace $0x90000049  }
0xb2: {  	s29 =	simm.s32 $0x9;
	_ =	strace $0x8000004B  }
0xb3: {  	_ =	swait.ge [sflag:s29], $0x1  }
0xb4: {  	[sflag:s29] =	ssyncadd.s32 $0xFFFFFFFF  }
0xb5: {  	_ =	strace $0x9000004B  }
0xb6: {  	_ =	sfence  }
0xb7: {  	s30 =	sld [smem:$0x0];
	_ =	sdelay $0x2  }
0xb8: {  	s31 =	sshll.u32 s1, $0xD;
	s1 =	sshrl.u32 s1, $0x2  }
0xb9: {  	s3 =	sand.u32 $0x4000, s31;
	s1 =	sadd.s32 s1, s30  }
0xba: {  	s0 =	sor.u32 s3, s0;
	s1 =	sshll.u32 s1, $0x11  }
0xbb: {  	s0 =	sor.u32 s1, s0  }
0xbc: {  	s0 =	sadd.s32 $0x8F2B, s0  }
0xbd: {  	[sflag:s0] =	ssyncadd.remote.s32 $0x1  }
0xbe: {  	_ =	sfence.sel $0xFFFF  }
0xbf: {  	[dreg:$0x0] =	wrdreg $0xFFFFFFFF;
	(pc) =	sbr.abs _section_cstart, $3  }
0xc0: {  	[dreg:$0x1] =	wrdreg $0xFFFFFFFF  }
0xc1: {  	_ =	task.clear_ibuf [dreg:s7], $0x2FFFF;
	_ =	strace $0x9FFFFFFF  }
0xc2: {  	(tm) =	ssettm $0x7FFFFFFF  }
0xc3: {  	_ =	shalt  }
tec
execute0_lowered:
.L_overlay_start_1:
0x0: {  	(tag) =	ssettag $0x1  }
0x1: {  	s0 =	rddreg [dreg:$0x0]  }
0x2: {  	s1 =	rddreg [dreg:$0x1]  }
0x3: {  	s3 =	srdreg.scid;
	s5 =	stileid.u32;
	s2 =	simm.s32 $0x0  }
0x4: {  	s12 =	simm.s32 $0x9;
	s13 =	simm.s32 $0x80;
	s22 =	simm.s32 $0x18800  }
0x5: {  	s23 =	simm.s32 $0x1CE00;
	s28 =	simm.s32 $0x6;
	s29 =	simm.s32 $0x3  }
0x6: {  	s30 =	simm.s32 $0x7;
	s4 =	sand.u32 $0x1, s3;
	s24 =	sshll.u32 s5, $0x1  }
0x7: {  	s31 =	simm.s32 $0x4;
	s14 =	simm.s32 $0x0;
	s9 =	sor.u32 s4, s24  }
0x8: {  	[smem:$0x7FF] =	sst s2;
	s3 =	sadd.s32 $0x1E00, s0;
	s25 =	smul.u32 $0x1400, s9  }
0x9: {  	_ =	strace $0x8000004A;
	s6 =	ssub.s32 $0x2, s4;
	s7 =	smul.u32 $0x500, s9  }
0xa: {  	s24 =	simm.s32 $0x1;
	s8 =	sshrl.u32 s6, $0x1;
	s9 =	smul.u32 $0xA000, s9  }
.Ltmp0:
0xb: {  	s11 =	ssub.s32 s6, s8;
	s0 =	sadd.s32 s25, s0;
	(pc) =	sbr.rel .LBB2_1-.Ltmp0, $4  }
0xc: {  	s4 =	sadd.s32 s3, s25;
	s1 =	sadd.s32 s1, s7;
	s11 =	smax.u32 s11, $0x1  }
0xd: {  	s25 =	simm.s32 $0x5;
	[dreg:$0x3] =	wrdreg s1;
	s26 =	sadd.s32 $0x40, s4  }
0xe: {  	s7 =	sadd.s32 $0x80, s4;
	s8 =	sadd.s32 $0xC0, s4;
	s10 =	sadd.s32 $0x29E00, s0  }
0xf: {  	s0 =	simm.s32 $0x8;
	[dreg:$0x4] =	wrdreg s26;
	s26 =	simm.s32 $0x2  }
.LBB2_12:
0x10: {  	s14 =	sadd.s32 $0x1, s14  }
0x11: {  	p0 =	sne.s32 s14, s11  }
.Ltmp1:
0x12: {  	s1 =	simm.s32 $0x2800;
	(pc) =	sbr.rel @!p0 .LBB2_13-.Ltmp1, $4  }
0x13: {  	[hbm4b:s10+s2] =	stream.linear.scatter [tilespmem:s1], [sflag:$0x9], $0xA000, $0x38;
	[tilespmem:$0x1D000] =	vst v63  }
0x14: {  	_ =	swait.ge [sflag:s12], $0xA000  }
0x15: {  	[sflag:s12] =	ssyncset.done $0x0  }
0x16: {  	[sflag:s12] =	ssyncadd.s32 $0xFFFF6000  }
.LBB2_1:
0x17: {  	s1 =	rddreg [dreg:$0x3]  }
0x18: {  	[tilespmem:s2], [sflag:$0x9] =	stream.linear.gather [hbm4b:s1+s2], $0x2800, $0x38;
	[tilespmem:$0x1D000] =	vst v63  }
0x19: {  	_ =	swait.ge [sflag:s12], $0x2800  }
0x1a: {  	[sflag:s12] =	ssyncset.done $0x0  }
0x1b: {  	s6 =	simm.s32 $0xC800;
	[sflag:s12] =	ssyncadd.s32 $0xFFFFD800  }
0x1c: {  	[tilespmem:s6], [sflag:$0x1] =	stream.indirect.gather [hbm4b:s3+s13], $0x80, s2, s13, $0xb8;
	[tilespmem:$0x1D000] =	vst v63  }
0x1d: {  	s15 =	simm.s32 $0x1C800  }
0x1e: {  	[tilespmem:s15], [sflag:$0x5] =	stream.linear.gather [hbm4b:s4+s2], $0x200, $0x38;
	[tilespmem:$0x1D000] =	vst v63  }
0x1f: {  	s16 =	simm.s32 $0x10800  }
0x20: {  	[tilespmem:s16], [sflag:$0x2] =	stream.indirect.gather [hbm4b:s3+s13], $0x80, s13, s13, $0xb8;
	[tilespmem:$0x1D000] =	vst v63  }
0x21: {  	s5 =	simm.s32 $0x1CA00;
	s17 =	rddreg [dreg:$0x4]  }
0x22: {  	[tilespmem:s5], [sflag:$0x6] =	stream.linear.gather [hbm4b:s17+s2], $0x200, $0x38;
	[tilespmem:$0x1D000] =	vst v63  }
0x23: {  	s18 =	simm.s32 $0x100;
	s19 =	simm.s32 $0x14800  }
0x24: {  	[tilespmem:s19], [sflag:$0x3] =	stream.indirect.gather [hbm4b:s3+s13], $0x80, s18, s13, $0xb8;
	[tilespmem:$0x1D000] =	vst v63  }
0x25: {  	s20 =	simm.s32 $0x1CC00  }
0x26: {  	[tilespmem:s20], [sflag:$0x7] =	stream.linear.gather [hbm4b:s7+s2], $0x200, $0x38;
	[tilespmem:$0x1D000] =	vst v63  }
0x27: {  	s21 =	simm.s32 $0x180;
	s15 =	simm.s32 $0x2840;
	s16 =	simm.s32 $0x2A00  }
0x28: {  	[tilespmem:s22], [sflag:$0x4] =	stream.indirect.gather [hbm4b:s3+s13], $0x80, s21, s13, $0xb8;
	[tilespmem:$0x1D000] =	vst v63  }
0x29: {  	s17 =	simm.s32 $0x2C00;
	s18 =	simm.s32 $0x2E00;
	s19 =	simm.s32 $0x0  }
0x2a: {  	[tilespmem:s23], [sflag:$0x8] =	stream.linear.gather [hbm4b:s8+s2], $0x200, $0x38;
	[tilespmem:$0x1D000] =	vst v63  }
.LBB2_2:
0x2b: {  	_ =	swait.ge [sflag:s24], $0x4000  }
0x2c: {  	[sflag:s24] =	ssyncset.done $0x0  }
0x2d: {  	[sflag:s24] =	ssyncadd.s32 $0xFFFFC000  }
0x2e: {  	_ =	swait.ge [sflag:s25], $0x200  }
0x2f: {  	[sflag:s25] =	ssyncset.done $0x0  }
0x30: {  	s21 =	simm.s32 $0x0;
	[sflag:s25] =	ssyncadd.s32 $0xFFFFFE00  }
0x31: {  	v0 =	vld [tilespmem:s21+$0x1C830];
	_ =	sdelay $0x1  }
0x32: {  	v1 =	vld [tilespmem:s21+$0x1C820]  }
0x33: {  	v2 =	vld [tilespmem:s21+$0x1C800];
	_ =	sdelay $0x1  }
0x34: {  	v3 =	vld [tilespmem:s21+$0x1C810];
	v8 =	vmul.f32 $1.740776600e-01, v0;
	_ =	sdelay $0x1  }
0x35: {  	v0 =	vmul.f32 $1.442695020e+00, v8  }
0x36: {  	v1 =	vmul.f32 $1.740776600e-01, v1;
	v7 =	vmul.f32 $1.740776600e-01, v2;
	v2 =	vld [tilespmem:s21+$0x1C840]  }
0x37: {  	v4 =	vld [tilespmem:s21+$0x1C850];
	(erf) = vpow2.f32 v0  }
0x38: {  	v6 =	vmul.f32 $1.740776600e-01, v3;
	v3 =	vmul.f32 $1.442695020e+00, v1;
	v0 =	vld [tilespmem:s21+$0x1C860]  }
0x39: {  	v10 =	vld [tilespmem:s21+$0x1C870];
	v5 =	vmul.f32 $1.442695020e+00, v7  }
0x3a: {  	v9 =	vmul.f32 $1.442695020e+00, v6;
	(erf) = vpow2.f32 v3  }
0x3b: {  	(erf) = vpow2.f32 v5;
	v5 =	vmul.f32 $1.740776600e-01, v2  }
0x3c: {  	v4 =	vmul.f32 $1.740776600e-01, v4;
	(erf) = vpow2.f32 v9  }
0x3d: {  	v9 =	vmul.f32 $1.442695020e+00, v5;
	v3 =	vmul.f32 $1.740776600e-01, v0  }
0x3e: {  	v2 =	vmul.f32 $1.740776600e-01, v10;
	v0 =	vmul.f32 $1.442695020e+00, v4  }
0x3f: {  	(erf) = vpow2.f32 v9;
	v10 =	vmul.f32 $1.442695020e+00, v3  }
0x40: {  	v9 =	vmul.f32 $1.442695020e+00, v2;
	(erf) = vpow2.f32 v0;
	v11 =	vpop (erf)  }
0x41: {  	(erf) = vpow2.f32 v10;
	v11 =	vadd.f32 $-1.000000000e+00, v11  }
0x42: {  	(erf) = vpow2.f32 v9  }
0x43: {  	v0 =	vmov s15;
	v10 =	vpop (erf)  }
0x44: {  	vm0 =	vgt.f32 v7, $0.0e+00;
	vm1 =	vgt.f32 v8, $0.0e+00;
	v12 =	vpop (erf)  }
0x45: {  	s20 =	simm.s32 $0x200;
	v9 =	vadd.f32 $-1.000000000e+00, v10;
	v8 =	vsel vm1, v8, v11;
	v10 =	vadd.f32 $-1.000000000e+00, v12;
	v11 =	vpop (erf)  }
.LBB2_3:
0x46: {  	p0 =	sne.s32 s20, $0x600;
	v11 =	vadd.f32 $-1.000000000e+00, v11;
	s1 =	smov.u32 s20;
	s20 =	sadd.s32 $0x200, s20  }
0x47: {  	v10 =	vsel vm0, v7, v10;
	vm0 =	vgt.f32 v6, $0.0e+00  }
0x48: {  	s1 =	sshra.s32 s1, $0x2;
	[tilespmem:v0+s21+$0xFFFFFFC0 ss:$0x1] =	vst.idx.msk $0xffff, v10;
	v6 =	vsel vm0, v6, v11;
	vm0 =	vgt.f32 v1, $0.0e+00;
	v7 =	vpop (erf)  }
0x49: {  	[tilespmem:v0+s21+$0xFFFFFFD0 ss:$0x1] =	vst.idx.msk $0xffff, v6;
	v1 =	vsel vm0, v1, v9;
	v6 =	vadd.f32 $-1.000000000e+00, v7;
	v7 =	vpop (erf)  }
0x4a: {  	vm0 =	vgt.f32 v5, $0.0e+00;
	[tilespmem:v0+s21+$0xFFFFFFE0 ss:$0x1] =	vst.idx.msk $0xffff, v1;
	v1 =	vadd.f32 $-1.000000000e+00, v7;
	v7 =	vpop (erf)  }
0x4b: {  	[tilespmem:v0+s21+$0xFFFFFFF0 ss:$0x1] =	vst.idx.msk $0xffff, v8;
	v5 =	vsel vm0, v5, v6;
	vm0 =	vgt.f32 v4, $0.0e+00;
	v6 =	vadd.f32 $-1.000000000e+00, v7;
	v7 =	vpop (erf)  }
0x4c: {  	[tilespmem:v0+s21+$0x0 ss:$0x1] =	vst.idx.msk $0xffff, v5;
	v1 =	vsel vm0, v4, v1;
	vm0 =	vgt.f32 v3, $0.0e+00;
	v4 =	vadd.f32 $-1.000000000e+00, v7  }
0x4d: {  	[tilespmem:v0+s21+$0x10 ss:$0x1] =	vst.idx.msk $0xffff, v1;
	v1 =	vsel vm0, v3, v6;
	vm0 =	vgt.f32 v2, $0.0e+00  }
0x4e: {  	[tilespmem:v0+s21+$0x20 ss:$0x1] =	vst.idx.msk $0xffff, v1;
	v1 =	vsel vm0, v2, v4  }
0x4f: {  	[tilespmem:v0+s21+$0x30 ss:$0x1] =	vst.idx.msk $0xffff, v1;
	s21 =	smov.u32 s1  }
0x50: {  	v1 =	vld [tilespmem:s21+$0x1C830]  }
0x51: {  	v2 =	vld [tilespmem:s21+$0x1C820]  }
0x52: {  	v3 =	vld [tilespmem:s21+$0x1C800]  }
0x53: {  	v4 =	vld [tilespmem:s21+$0x1C810];
	_ =	sdelay $0x1  }
0x54: {  	v8 =	vmul.f32 $1.740776600e-01, v1  }
0x55: {  	v5 =	vld [tilespmem:s21+$0x1C840];
	v1 =	vmul.f32 $1.740776600e-01, v2  }
0x56: {  	v2 =	vld [tilespmem:s21+$0x1C850];
	v7 =	vmul.f32 $1.740776600e-01, v3;
	v3 =	vmul.f32 $1.442695020e+00, v8  }
0x57: {  	v9 =	vld [tilespmem:s21+$0x1C860];
	v6 =	vmul.f32 $1.740776600e-01, v4;
	v4 =	vmul.f32 $1.442695020e+00, v1  }
0x58: {  	v10 =	vld [tilespmem:s21+$0x1C870];
	vm0 =	vgt.f32 v7, $0.0e+00;
	v11 =	vmul.f32 $1.442695020e+00, v7;
	(erf) = vpow2.f32 v3  }
0x59: {  	v3 =	vmul.f32 $1.442695020e+00, v6;
	(erf) = vpow2.f32 v4  }
0x5a: {  	v5 =	vmul.f32 $1.740776600e-01, v5;
	(erf) = vpow2.f32 v11  }
0x5b: {  	v4 =	vmul.f32 $1.740776600e-01, v2;
	(erf) = vpow2.f32 v3  }
0x5c: {  	v11 =	vmul.f32 $1.442695020e+00, v5;
	v3 =	vmul.f32 $1.740776600e-01, v9  }
0x5d: {  	v9 =	vmul.f32 $1.442695020e+00, v4;
	v2 =	vmul.f32 $1.740776600e-01, v10  }
0x5e: {  	v10 =	vmul.f32 $1.442695020e+00, v3;
	(erf) = vpow2.f32 v11  }
0x5f: {  	v11 =	vmul.f32 $1.442695020e+00, v2;
	(erf) = vpow2.f32 v9  }
.Ltmp2:
0x60: {  	(erf) = vpow2.f32 v10;
	(pc) =	sbr.rel @p0 .LBB2_3-.Ltmp2, $4  }
0x61: {  	v9 =	vpop (erf);
	(erf) = vpow2.f32 v11  }
0x62: {  	v12 =	vadd.f32 $-1.000000000e+00, v9;
	v9 =	vpop (erf)  }
0x63: {  	vm1 =	vgt.f32 v8, $0.0e+00;
	v9 =	vadd.f32 $-1.000000000e+00, v9;
	v10 =	vpop (erf)  }
0x64: {  	v10 =	vadd.f32 $-1.000000000e+00, v10;
	v8 =	vsel vm1, v8, v12;
	v11 =	vpop (erf)  }
0x65: {  	_ = 	snop  }
0x66: {  	v7 =	vsel vm0, v7, v10  }
0x67: {  	v11 =	vadd.f32 $-1.000000000e+00, v11  }
0x68: {  	vm0 =	vgt.f32 v6, $0.0e+00  }
0x69: {  	[tilespmem:v0+s21+$0xFFFFFFC0 ss:$0x1] =	vst.idx.msk $0xffff, v7;
	v6 =	vsel vm0, v6, v11;
	vm0 =	vgt.f32 v1, $0.0e+00;
	v7 =	vpop (erf)  }
0x6a: {  	[tilespmem:v0+s21+$0xFFFFFFD0 ss:$0x1] =	vst.idx.msk $0xffff, v6;
	v1 =	vsel vm0, v1, v9;
	v6 =	vadd.f32 $-1.000000000e+00, v7;
	v7 =	vpop (erf)  }
0x6b: {  	vm0 =	vgt.f32 v5, $0.0e+00;
	[tilespmem:v0+s21+$0xFFFFFFE0 ss:$0x1] =	vst.idx.msk $0xffff, v1;
	v1 =	vadd.f32 $-1.000000000e+00, v7;
	v7 =	vpop (erf)  }
0x6c: {  	[tilespmem:v0+s21+$0xFFFFFFF0 ss:$0x1] =	vst.idx.msk $0xffff, v8;
	v5 =	vsel vm0, v5, v6;
	vm0 =	vgt.f32 v4, $0.0e+00;
	v6 =	vadd.f32 $-1.000000000e+00, v7;
	v7 =	vpop (erf)  }
0x6d: {  	[tilespmem:v0+s21+$0x0 ss:$0x1] =	vst.idx.msk $0xffff, v5;
	v1 =	vsel vm0, v4, v1;
	vm0 =	vgt.f32 v3, $0.0e+00;
	v4 =	vadd.f32 $-1.000000000e+00, v7  }
0x6e: {  	s20 =	sshll.u32 s19, $0xB;
	p0 =	seq.s32 s19, $0x13;
	[tilespmem:v0+s21+$0x10 ss:$0x1] =	vst.idx.msk $0xffff, v1;
	v1 =	vsel vm0, v3, v6;
	vm0 =	vgt.f32 v2, $0.0e+00  }
0x6f: {  	s1 =	sadd.s32 @!p0 $0x800, s20;
	s5 =	simm.s32 @!p0 $0x80;
	[tilespmem:v0+s21+$0x20 ss:$0x1] =	vst.idx.msk $0xffff, v1;
	v1 =	vsel vm0, v2, v4  }
0x70: {  	s6 =	simm.s32 @!p0 $0xC800;
	[tilespmem:v0+s21+$0x30 ss:$0x1] =	vst.idx.msk $0xffff, v1;
	s21 =	sshrl.u32 @!p0 s1, $0x2;
	s1 =	sadd.s32 @!p0 s9, s1  }
0x71: {  	[tilespmem:s6], [sflag:$0x1] =	stream.indirect.gather @!p0 [hbm4b:s3+s5], $0x80, s21, s5, $0xb8;
	[tilespmem:$0x1D000] =	vst v63  }
0x72: {  	s1 =	sshrl.u32 @!p0 s1, $0x3  }
0x73: {  	s5 =	simm.s32 @!p0 $0x0;
	s6 =	simm.s32 @!p0 $0x1C800;
	s1 =	sadd.s32 @!p0 s3, s1  }
0x74: {  	[tilespmem:s6], [sflag:$0x5] =	stream.linear.gather @!p0 [hbm4b:s1+s5], $0x200, $0x38;
	[tilespmem:$0x1D000] =	vst v63  }
0x75: {  	_ =	swait.ge [sflag:s26], $0x4000  }
0x76: {  	[sflag:s26] =	ssyncset.done $0x0  }
0x77: {  	[sflag:s26] =	ssyncadd.s32 $0xFFFFC000  }
0x78: {  	_ =	swait.ge [sflag:s28], $0x200  }
0x79: {  	[sflag:s28] =	ssyncset.done $0x0  }
0x7a: {  	s21 =	simm.s32 $0x0;
	[sflag:s28] =	ssyncadd.s32 $0xFFFFFE00  }
0x7b: {  	v0 =	vld [tilespmem:s21+$0x1CA30];
	_ =	sdelay $0x1  }
0x7c: {  	v1 =	vld [tilespmem:s21+$0x1CA20]  }
0x7d: {  	v2 =	vld [tilespmem:s21+$0x1CA00];
	_ =	sdelay $0x1  }
0x7e: {  	v3 =	vld [tilespmem:s21+$0x1CA10];
	v8 =	vmul.f32 $1.740776600e-01, v0;
	_ =	sdelay $0x1  }
0x7f: {  	v0 =	vmul.f32 $1.442695020e+00, v8  }
0x80: {  	v1 =	vmul.f32 $1.740776600e-01, v1;
	v7 =	vmul.f32 $1.740776600e-01, v2;
	v2 =	vld [tilespmem:s21+$0x1CA40]  }
0x81: {  	v4 =	vld [tilespmem:s21+$0x1CA50];
	(erf) = vpow2.f32 v0  }
0x82: {  	v6 =	vmul.f32 $1.740776600e-01, v3;
	v3 =	vmul.f32 $1.442695020e+00, v1;
	v0 =	vld [tilespmem:s21+$0x1CA60]  }
0x83: {  	v10 =	vld [tilespmem:s21+$0x1CA70];
	v5 =	vmul.f32 $1.442695020e+00, v7  }
0x84: {  	v9 =	vmul.f32 $1.442695020e+00, v6;
	(erf) = vpow2.f32 v3  }
0x85: {  	(erf) = vpow2.f32 v5;
	v5 =	vmul.f32 $1.740776600e-01, v2  }
0x86: {  	v4 =	vmul.f32 $1.740776600e-01, v4;
	(erf) = vpow2.f32 v9  }
0x87: {  	v9 =	vmul.f32 $1.442695020e+00, v5;
	v3 =	vmul.f32 $1.740776600e-01, v0  }
0x88: {  	v2 =	vmul.f32 $1.740776600e-01, v10;
	v0 =	vmul.f32 $1.442695020e+00, v4  }
0x89: {  	(erf) = vpow2.f32 v9;
	v10 =	vmul.f32 $1.442695020e+00, v3  }
0x8a: {  	v9 =	vmul.f32 $1.442695020e+00, v2;
	(erf) = vpow2.f32 v0;
	v11 =	vpop (erf)  }
0x8b: {  	(erf) = vpow2.f32 v10;
	v11 =	vadd.f32 $-1.000000000e+00, v11  }
0x8c: {  	(erf) = vpow2.f32 v9  }
0x8d: {  	v0 =	vmov s16;
	v10 =	vpop (erf)  }
0x8e: {  	vm0 =	vgt.f32 v7, $0.0e+00;
	vm1 =	vgt.f32 v8, $0.0e+00;
	v12 =	vpop (erf)  }
0x8f: {  	s1 =	simm.s32 $0x200;
	v9 =	vadd.f32 $-1.000000000e+00, v10;
	v8 =	vsel vm1, v8, v11;
	v10 =	vadd.f32 $-1.000000000e+00, v12;
	v11 =	vpop (erf)  }
.LBB2_5:
0x90: {  	p1 =	sne.s32 s1, $0x600;
	v11 =	vadd.f32 $-1.000000000e+00, v11;
	s5 =	smov.u32 s1;
	s1 =	sadd.s32 $0x200, s1  }
0x91: {  	v10 =	vsel vm0, v7, v10;
	vm0 =	vgt.f32 v6, $0.0e+00  }
0x92: {  	s5 =	sshra.s32 s5, $0x2;
	[tilespmem:v0+s21+$0x0 ss:$0x1] =	vst.idx.msk $0xffff, v10;
	v6 =	vsel vm0, v6, v11;
	vm0 =	vgt.f32 v1, $0.0e+00;
	v7 =	vpop (erf)  }
0x93: {  	[tilespmem:v0+s21+$0x10 ss:$0x1] =	vst.idx.msk $0xffff, v6;
	v1 =	vsel vm0, v1, v9;
	v6 =	vadd.f32 $-1.000000000e+00, v7;
	v7 =	vpop (erf)  }
0x94: {  	vm0 =	vgt.f32 v5, $0.0e+00;
	[tilespmem:v0+s21+$0x20 ss:$0x1] =	vst.idx.msk $0xffff, v1;
	v1 =	vadd.f32 $-1.000000000e+00, v7;
	v7 =	vpop (erf)  }
0x95: {  	[tilespmem:v0+s21+$0x30 ss:$0x1] =	vst.idx.msk $0xffff, v8;
	v5 =	vsel vm0, v5, v6;
	vm0 =	vgt.f32 v4, $0.0e+00;
	v6 =	vadd.f32 $-1.000000000e+00, v7;
	v7 =	vpop (erf)  }
0x96: {  	[tilespmem:v0+s21+$0x40 ss:$0x1] =	vst.idx.msk $0xffff, v5;
	v1 =	vsel vm0, v4, v1;
	vm0 =	vgt.f32 v3, $0.0e+00;
	v4 =	vadd.f32 $-1.000000000e+00, v7  }
0x97: {  	[tilespmem:v0+s21+$0x50 ss:$0x1] =	vst.idx.msk $0xffff, v1;
	v1 =	vsel vm0, v3, v6;
	vm0 =	vgt.f32 v2, $0.0e+00  }
0x98: {  	[tilespmem:v0+s21+$0x60 ss:$0x1] =	vst.idx.msk $0xffff, v1;
	v1 =	vsel vm0, v2, v4  }
0x99: {  	[tilespmem:v0+s21+$0x70 ss:$0x1] =	vst.idx.msk $0xffff, v1;
	s21 =	smov.u32 s5  }
0x9a: {  	v1 =	vld [tilespmem:s21+$0x1CA30]  }
0x9b: {  	v2 =	vld [tilespmem:s21+$0x1CA20]  }
0x9c: {  	v3 =	vld [tilespmem:s21+$0x1CA00]  }
0x9d: {  	v4 =	vld [tilespmem:s21+$0x1CA10];
	_ =	sdelay $0x1  }
0x9e: {  	v8 =	vmul.f32 $1.740776600e-01, v1  }
0x9f: {  	v5 =	vld [tilespmem:s21+$0x1CA40];
	v1 =	vmul.f32 $1.740776600e-01, v2  }
0xa0: {  	v2 =	vld [tilespmem:s21+$0x1CA50];
	v7 =	vmul.f32 $1.740776600e-01, v3;
	v3 =	vmul.f32 $1.442695020e+00, v8  }
0xa1: {  	v9 =	vld [tilespmem:s21+$0x1CA60];
	v6 =	vmul.f32 $1.740776600e-01, v4;
	v4 =	vmul.f32 $1.442695020e+00, v1  }
0xa2: {  	v10 =	vld [tilespmem:s21+$0x1CA70];
	vm0 =	vgt.f32 v7, $0.0e+00;
	v11 =	vmul.f32 $1.442695020e+00, v7;
	(erf) = vpow2.f32 v3  }
0xa3: {  	v3 =	vmul.f32 $1.442695020e+00, v6;
	(erf) = vpow2.f32 v4  }
0xa4: {  	v5 =	vmul.f32 $1.740776600e-01, v5;
	(erf) = vpow2.f32 v11  }
0xa5: {  	v4 =	vmul.f32 $1.740776600e-01, v2;
	(erf) = vpow2.f32 v3  }
0xa6: {  	v11 =	vmul.f32 $1.442695020e+00, v5;
	v3 =	vmul.f32 $1.740776600e-01, v9  }
0xa7: {  	v9 =	vmul.f32 $1.442695020e+00, v4;
	v2 =	vmul.f32 $1.740776600e-01, v10  }
0xa8: {  	v10 =	vmul.f32 $1.442695020e+00, v3;
	(erf) = vpow2.f32 v11  }
0xa9: {  	v11 =	vmul.f32 $1.442695020e+00, v2;
	(erf) = vpow2.f32 v9  }
.Ltmp3:
0xaa: {  	(erf) = vpow2.f32 v10;
	(pc) =	sbr.rel @p1 .LBB2_5-.Ltmp3, $4  }
0xab: {  	v9 =	vpop (erf);
	(erf) = vpow2.f32 v11  }
0xac: {  	v12 =	vadd.f32 $-1.000000000e+00, v9;
	v9 =	vpop (erf)  }
0xad: {  	vm1 =	vgt.f32 v8, $0.0e+00;
	v9 =	vadd.f32 $-1.000000000e+00, v9;
	v10 =	vpop (erf)  }
0xae: {  	v10 =	vadd.f32 $-1.000000000e+00, v10;
	v8 =	vsel vm1, v8, v12;
	v11 =	vpop (erf)  }
0xaf: {  	_ = 	snop  }
0xb0: {  	v7 =	vsel vm0, v7, v10  }
0xb1: {  	v11 =	vadd.f32 $-1.000000000e+00, v11  }
0xb2: {  	vm0 =	vgt.f32 v6, $0.0e+00  }
0xb3: {  	[tilespmem:v0+s21+$0x0 ss:$0x1] =	vst.idx.msk $0xffff, v7;
	v6 =	vsel vm0, v6, v11;
	vm0 =	vgt.f32 v1, $0.0e+00;
	v7 =	vpop (erf)  }
0xb4: {  	[tilespmem:v0+s21+$0x10 ss:$0x1] =	vst.idx.msk $0xffff, v6;
	v1 =	vsel vm0, v1, v9;
	v6 =	vadd.f32 $-1.000000000e+00, v7;
	v7 =	vpop (erf)  }
0xb5: {  	vm0 =	vgt.f32 v5, $0.0e+00;
	[tilespmem:v0+s21+$0x20 ss:$0x1] =	vst.idx.msk $0xffff, v1;
	v1 =	vadd.f32 $-1.000000000e+00, v7;
	v7 =	vpop (erf)  }
0xb6: {  	[tilespmem:v0+s21+$0x30 ss:$0x1] =	vst.idx.msk $0xffff, v8;
	v5 =	vsel vm0, v5, v6;
	vm0 =	vgt.f32 v4, $0.0e+00;
	v6 =	vadd.f32 $-1.000000000e+00, v7;
	v7 =	vpop (erf)  }
0xb7: {  	[tilespmem:v0+s21+$0x40 ss:$0x1] =	vst.idx.msk $0xffff, v5;
	v1 =	vsel vm0, v4, v1;
	vm0 =	vgt.f32 v3, $0.0e+00;
	v4 =	vadd.f32 $-1.000000000e+00, v7  }
0xb8: {  	s1 =	sadd.s32 @!p0 $0xA00, s20;
	[tilespmem:v0+s21+$0x50 ss:$0x1] =	vst.idx.msk $0xffff, v1;
	v1 =	vsel vm0, v3, v6;
	vm0 =	vgt.f32 v2, $0.0e+00  }
0xb9: {  	s5 =	sshrl.u32 @!p0 s1, $0x2;
	s1 =	sadd.s32 @!p0 s9, s1;
	[tilespmem:v0+s21+$0x60 ss:$0x1] =	vst.idx.msk $0xffff, v1;
	v1 =	vsel vm0, v2, v4  }
0xba: {  	s6 =	simm.s32 @!p0 $0x80;
	s1 =	sshrl.u32 @!p0 s1, $0x3;
	[tilespmem:v0+s21+$0x70 ss:$0x1] =	vst.idx.msk $0xffff, v1;
	s21 =	simm.s32 @!p0 $0x10800  }
0xbb: {  	[tilespmem:s21], [sflag:$0x2] =	stream.indirect.gather @!p0 [hbm4b:s3+s6], $0x80, s5, s6, $0xb8;
	[tilespmem:$0x1D000] =	vst v63  }
0xbc: {  	s1 =	sadd.s32 @!p0 s3, s1;
	s5 =	simm.s32 @!p0 $0x0;
	s6 =	simm.s32 @!p0 $0x1CA00  }
0xbd: {  	[tilespmem:s6], [sflag:$0x6] =	stream.linear.gather @!p0 [hbm4b:s1+s5], $0x200, $0x38;
	[tilespmem:$0x1D000] =	vst v63  }
0xbe: {  	_ =	swait.ge [sflag:s29], $0x4000  }
0xbf: {  	[sflag:s29] =	ssyncset.done $0x0  }
0xc0: {  	[sflag:s29] =	ssyncadd.s32 $0xFFFFC000  }
0xc1: {  	_ =	swait.ge [sflag:s30], $0x200  }
0xc2: {  	[sflag:s30] =	ssyncset.done $0x0  }
0xc3: {  	s21 =	simm.s32 $0x0;
	[sflag:s30] =	ssyncadd.s32 $0xFFFFFE00  }
0xc4: {  	v0 =	vld [tilespmem:s21+$0x1CC30];
	_ =	sdelay $0x1  }
0xc5: {  	v1 =	vld [tilespmem:s21+$0x1CC20]  }
0xc6: {  	v2 =	vld [tilespmem:s21+$0x1CC00];
	_ =	sdelay $0x1  }
0xc7: {  	v3 =	vld [tilespmem:s21+$0x1CC10];
	v8 =	vmul.f32 $1.740776600e-01, v0;
	_ =	sdelay $0x1  }
0xc8: {  	v0 =	vmul.f32 $1.442695020e+00, v8  }
0xc9: {  	v1 =	vmul.f32 $1.740776600e-01, v1;
	v7 =	vmul.f32 $1.740776600e-01, v2;
	v2 =	vld [tilespmem:s21+$0x1CC40]  }
0xca: {  	v4 =	vld [tilespmem:s21+$0x1CC50];
	(erf) = vpow2.f32 v0  }
0xcb: {  	v6 =	vmul.f32 $1.740776600e-01, v3;
	v3 =	vmul.f32 $1.442695020e+00, v1;
	v0 =	vld [tilespmem:s21+$0x1CC60]  }
0xcc: {  	v10 =	vld [tilespmem:s21+$0x1CC70];
	v5 =	vmul.f32 $1.442695020e+00, v7  }
0xcd: {  	v9 =	vmul.f32 $1.442695020e+00, v6;
	(erf) = vpow2.f32 v3  }
0xce: {  	(erf) = vpow2.f32 v5;
	v5 =	vmul.f32 $1.740776600e-01, v2  }
0xcf: {  	v4 =	vmul.f32 $1.740776600e-01, v4;
	(erf) = vpow2.f32 v9  }
0xd0: {  	v9 =	vmul.f32 $1.442695020e+00, v5;
	v3 =	vmul.f32 $1.740776600e-01, v0  }
0xd1: {  	v2 =	vmul.f32 $1.740776600e-01, v10;
	v0 =	vmul.f32 $1.442695020e+00, v4  }
0xd2: {  	(erf) = vpow2.f32 v9;
	v10 =	vmul.f32 $1.442695020e+00, v3  }
0xd3: {  	v9 =	vmul.f32 $1.442695020e+00, v2;
	(erf) = vpow2.f32 v0;
	v11 =	vpop (erf)  }
0xd4: {  	(erf) = vpow2.f32 v10;
	v11 =	vadd.f32 $-1.000000000e+00, v11  }
0xd5: {  	(erf) = vpow2.f32 v9  }
0xd6: {  	v0 =	vmov s17;
	v10 =	vpop (erf)  }
0xd7: {  	vm0 =	vgt.f32 v7, $0.0e+00;
	vm1 =	vgt.f32 v8, $0.0e+00;
	v12 =	vpop (erf)  }
0xd8: {  	s1 =	simm.s32 $0x200;
	v9 =	vadd.f32 $-1.000000000e+00, v10;
	v8 =	vsel vm1, v8, v11;
	v10 =	vadd.f32 $-1.000000000e+00, v12;
	v11 =	vpop (erf)  }
.LBB2_7:
0xd9: {  	p1 =	sne.s32 s1, $0x600;
	v11 =	vadd.f32 $-1.000000000e+00, v11;
	s5 =	smov.u32 s1;
	s1 =	sadd.s32 $0x200, s1  }
0xda: {  	v10 =	vsel vm0, v7, v10;
	vm0 =	vgt.f32 v6, $0.0e+00  }
0xdb: {  	s5 =	sshra.s32 s5, $0x2;
	[tilespmem:v0+s21+$0x0 ss:$0x1] =	vst.idx.msk $0xffff, v10;
	v6 =	vsel vm0, v6, v11;
	vm0 =	vgt.f32 v1, $0.0e+00;
	v7 =	vpop (erf)  }
0xdc: {  	[tilespmem:v0+s21+$0x10 ss:$0x1] =	vst.idx.msk $0xffff, v6;
	v1 =	vsel vm0, v1, v9;
	v6 =	vadd.f32 $-1.000000000e+00, v7;
	v7 =	vpop (erf)  }
0xdd: {  	vm0 =	vgt.f32 v5, $0.0e+00;
	[tilespmem:v0+s21+$0x20 ss:$0x1] =	vst.idx.msk $0xffff, v1;
	v1 =	vadd.f32 $-1.000000000e+00, v7;
	v7 =	vpop (erf)  }
0xde: {  	[tilespmem:v0+s21+$0x30 ss:$0x1] =	vst.idx.msk $0xffff, v8;
	v5 =	vsel vm0, v5, v6;
	vm0 =	vgt.f32 v4, $0.0e+00;
	v6 =	vadd.f32 $-1.000000000e+00, v7;
	v7 =	vpop (erf)  }
0xdf: {  	[tilespmem:v0+s21+$0x40 ss:$0x1] =	vst.idx.msk $0xffff, v5;
	v1 =	vsel vm0, v4, v1;
	vm0 =	vgt.f32 v3, $0.0e+00;
	v4 =	vadd.f32 $-1.000000000e+00, v7  }
0xe0: {  	[tilespmem:v0+s21+$0x50 ss:$0x1] =	vst.idx.msk $0xffff, v1;
	v1 =	vsel vm0, v3, v6;
	vm0 =	vgt.f32 v2, $0.0e+00  }
0xe1: {  	[tilespmem:v0+s21+$0x60 ss:$0x1] =	vst.idx.msk $0xffff, v1;
	v1 =	vsel vm0, v2, v4  }
0xe2: {  	[tilespmem:v0+s21+$0x70 ss:$0x1] =	vst.idx.msk $0xffff, v1;
	s21 =	smov.u32 s5  }
0xe3: {  	v1 =	vld [tilespmem:s21+$0x1CC30]  }
0xe4: {  	v2 =	vld [tilespmem:s21+$0x1CC20]  }
0xe5: {  	v3 =	vld [tilespmem:s21+$0x1CC00]  }
0xe6: {  	v4 =	vld [tilespmem:s21+$0x1CC10];
	_ =	sdelay $0x1  }
0xe7: {  	v8 =	vmul.f32 $1.740776600e-01, v1  }
0xe8: {  	v5 =	vld [tilespmem:s21+$0x1CC40];
	v1 =	vmul.f32 $1.740776600e-01, v2  }
0xe9: {  	v2 =	vld [tilespmem:s21+$0x1CC50];
	v7 =	vmul.f32 $1.740776600e-01, v3;
	v3 =	vmul.f32 $1.442695020e+00, v8  }
0xea: {  	v9 =	vld [tilespmem:s21+$0x1CC60];
	v6 =	vmul.f32 $1.740776600e-01, v4;
	v4 =	vmul.f32 $1.442695020e+00, v1  }
0xeb: {  	v10 =	vld [tilespmem:s21+$0x1CC70];
	vm0 =	vgt.f32 v7, $0.0e+00;
	v11 =	vmul.f32 $1.442695020e+00, v7;
	(erf) = vpow2.f32 v3  }
0xec: {  	v3 =	vmul.f32 $1.442695020e+00, v6;
	(erf) = vpow2.f32 v4  }
0xed: {  	v5 =	vmul.f32 $1.740776600e-01, v5;
	(erf) = vpow2.f32 v11  }
0xee: {  	v4 =	vmul.f32 $1.740776600e-01, v2;
	(erf) = vpow2.f32 v3  }
0xef: {  	v11 =	vmul.f32 $1.442695020e+00, v5;
	v3 =	vmul.f32 $1.740776600e-01, v9  }
0xf0: {  	v9 =	vmul.f32 $1.442695020e+00, v4;
	v2 =	vmul.f32 $1.740776600e-01, v10  }
0xf1: {  	v10 =	vmul.f32 $1.442695020e+00, v3;
	(erf) = vpow2.f32 v11  }
0xf2: {  	v11 =	vmul.f32 $1.442695020e+00, v2;
	(erf) = vpow2.f32 v9  }
.Ltmp4:
0xf3: {  	(erf) = vpow2.f32 v10;
	(pc) =	sbr.rel @p1 .LBB2_7-.Ltmp4, $4  }
0xf4: {  	v9 =	vpop (erf);
	(erf) = vpow2.f32 v11  }
0xf5: {  	v12 =	vadd.f32 $-1.000000000e+00, v9;
	v9 =	vpop (erf)  }
0xf6: {  	vm1 =	vgt.f32 v8, $0.0e+00;
	v9 =	vadd.f32 $-1.000000000e+00, v9;
	v10 =	vpop (erf)  }
0xf7: {  	v10 =	vadd.f32 $-1.000000000e+00, v10;
	v8 =	vsel vm1, v8, v12;
	v11 =	vpop (erf)  }
0xf8: {  	_ = 	snop  }
0xf9: {  	v7 =	vsel vm0, v7, v10  }
0xfa: {  	v11 =	vadd.f32 $-1.000000000e+00, v11  }
0xfb: {  	vm0 =	vgt.f32 v6, $0.0e+00  }
0xfc: {  	[tilespmem:v0+s21+$0x0 ss:$0x1] =	vst.idx.msk $0xffff, v7;
	v6 =	vsel vm0, v6, v11;
	vm0 =	vgt.f32 v1, $0.0e+00;
	v7 =	vpop (erf)  }
0xfd: {  	[tilespmem:v0+s21+$0x10 ss:$0x1] =	vst.idx.msk $0xffff, v6;
	v1 =	vsel vm0, v1, v9;
	v6 =	vadd.f32 $-1.000000000e+00, v7;
	v7 =	vpop (erf)  }
0xfe: {  	vm0 =	vgt.f32 v5, $0.0e+00;
	[tilespmem:v0+s21+$0x20 ss:$0x1] =	vst.idx.msk $0xffff, v1;
	v1 =	vadd.f32 $-1.000000000e+00, v7;
	v7 =	vpop (erf)  }
0xff: {  	[tilespmem:v0+s21+$0x30 ss:$0x1] =	vst.idx.msk $0xffff, v8;
	v5 =	vsel vm0, v5, v6;
	vm0 =	vgt.f32 v4, $0.0e+00;
	v6 =	vadd.f32 $-1.000000000e+00, v7;
	v7 =	vpop (erf)  }
0x100: {  	[tilespmem:v0+s21+$0x40 ss:$0x1] =	vst.idx.msk $0xffff, v5;
	v1 =	vsel vm0, v4, v1;
	vm0 =	vgt.f32 v3, $0.0e+00;
	v4 =	vadd.f32 $-1.000000000e+00, v7  }
0x101: {  	s1 =	sadd.s32 @!p0 $0xC00, s20;
	[tilespmem:v0+s21+$0x50 ss:$0x1] =	vst.idx.msk $0xffff, v1;
	v1 =	vsel vm0, v3, v6;
	vm0 =	vgt.f32 v2, $0.0e+00  }
0x102: {  	s5 =	sshrl.u32 @!p0 s1, $0x2;
	s1 =	sadd.s32 @!p0 s9, s1;
	[tilespmem:v0+s21+$0x60 ss:$0x1] =	vst.idx.msk $0xffff, v1;
	v1 =	vsel vm0, v2, v4  }
0x103: {  	s6 =	simm.s32 @!p0 $0x80;
	s1 =	sshrl.u32 @!p0 s1, $0x3;
	[tilespmem:v0+s21+$0x70 ss:$0x1] =	vst.idx.msk $0xffff, v1;
	s21 =	simm.s32 @!p0 $0x14800  }
0x104: {  	[tilespmem:s21], [sflag:$0x3] =	stream.indirect.gather @!p0 [hbm4b:s3+s6], $0x80, s5, s6, $0xb8;
	[tilespmem:$0x1D000] =	vst v63  }
0x105: {  	s1 =	sadd.s32 @!p0 s3, s1;
	s5 =	simm.s32 @!p0 $0x0;
	s6 =	simm.s32 @!p0 $0x1CC00  }
0x106: {  	[tilespmem:s6], [sflag:$0x7] =	stream.linear.gather @!p0 [hbm4b:s1+s5], $0x200, $0x38;
	[tilespmem:$0x1D000] =	vst v63  }
0x107: {  	_ =	swait.ge [sflag:s31], $0x4000  }
0x108: {  	[sflag:s31] =	ssyncset.done $0x0  }
0x109: {  	[sflag:s31] =	ssyncadd.s32 $0xFFFFC000  }
0x10a: {  	_ =	swait.ge [sflag:s0], $0x200  }
0x10b: {  	[sflag:s0] =	ssyncset.done $0x0  }
0x10c: {  	s21 =	simm.s32 $0x0;
	[sflag:s0] =	ssyncadd.s32 $0xFFFFFE00  }
0x10d: {  	v0 =	vld [tilespmem:s21+$0x1CE30];
	_ =	sdelay $0x1  }
0x10e: {  	v1 =	vld [tilespmem:s21+$0x1CE20]  }
0x10f: {  	v2 =	vld [tilespmem:s21+$0x1CE00];
	_ =	sdelay $0x1  }
0x110: {  	v3 =	vld [tilespmem:s21+$0x1CE10];
	v8 =	vmul.f32 $1.740776600e-01, v0;
	_ =	sdelay $0x1  }
0x111: {  	v0 =	vmul.f32 $1.442695020e+00, v8  }
0x112: {  	v1 =	vmul.f32 $1.740776600e-01, v1;
	v7 =	vmul.f32 $1.740776600e-01, v2;
	v2 =	vld [tilespmem:s21+$0x1CE40]  }
0x113: {  	v4 =	vld [tilespmem:s21+$0x1CE50];
	(erf) = vpow2.f32 v0  }
0x114: {  	v6 =	vmul.f32 $1.740776600e-01, v3;
	v3 =	vmul.f32 $1.442695020e+00, v1;
	v0 =	vld [tilespmem:s21+$0x1CE60]  }
0x115: {  	v10 =	vld [tilespmem:s21+$0x1CE70];
	v5 =	vmul.f32 $1.442695020e+00, v7  }
0x116: {  	v9 =	vmul.f32 $1.442695020e+00, v6;
	(erf) = vpow2.f32 v3  }
0x117: {  	(erf) = vpow2.f32 v5;
	v5 =	vmul.f32 $1.740776600e-01, v2  }
0x118: {  	v4 =	vmul.f32 $1.740776600e-01, v4;
	(erf) = vpow2.f32 v9  }
0x119: {  	v9 =	vmul.f32 $1.442695020e+00, v5;
	v3 =	vmul.f32 $1.740776600e-01, v0  }
0x11a: {  	v2 =	vmul.f32 $1.740776600e-01, v10;
	v0 =	vmul.f32 $1.442695020e+00, v4  }
0x11b: {  	(erf) = vpow2.f32 v9;
	v10 =	vmul.f32 $1.442695020e+00, v3  }
0x11c: {  	v9 =	vmul.f32 $1.442695020e+00, v2;
	(erf) = vpow2.f32 v0;
	v11 =	vpop (erf)  }
0x11d: {  	(erf) = vpow2.f32 v10;
	v11 =	vadd.f32 $-1.000000000e+00, v11  }
0x11e: {  	(erf) = vpow2.f32 v9  }
0x11f: {  	v0 =	vmov s18;
	v10 =	vpop (erf)  }
0x120: {  	vm0 =	vgt.f32 v7, $0.0e+00;
	vm1 =	vgt.f32 v8, $0.0e+00;
	v12 =	vpop (erf)  }
0x121: {  	s1 =	simm.s32 $0x200;
	v9 =	vadd.f32 $-1.000000000e+00, v10;
	v8 =	vsel vm1, v8, v11;
	v10 =	vadd.f32 $-1.000000000e+00, v12;
	v11 =	vpop (erf)  }
.LBB2_9:
0x122: {  	p1 =	sne.s32 s1, $0x600;
	v11 =	vadd.f32 $-1.000000000e+00, v11;
	s5 =	smov.u32 s1;
	s1 =	sadd.s32 $0x200, s1  }
0x123: {  	v10 =	vsel vm0, v7, v10;
	vm0 =	vgt.f32 v6, $0.0e+00  }
0x124: {  	s5 =	sshra.s32 s5, $0x2;
	[tilespmem:v0+s21+$0x0 ss:$0x1] =	vst.idx.msk $0xffff, v10;
	v6 =	vsel vm0, v6, v11;
	vm0 =	vgt.f32 v1, $0.0e+00;
	v7 =	vpop (erf)  }
0x125: {  	[tilespmem:v0+s21+$0x10 ss:$0x1] =	vst.idx.msk $0xffff, v6;
	v1 =	vsel vm0, v1, v9;
	v6 =	vadd.f32 $-1.000000000e+00, v7;
	v7 =	vpop (erf)  }
0x126: {  	vm0 =	vgt.f32 v5, $0.0e+00;
	[tilespmem:v0+s21+$0x20 ss:$0x1] =	vst.idx.msk $0xffff, v1;
	v1 =	vadd.f32 $-1.000000000e+00, v7;
	v7 =	vpop (erf)  }
0x127: {  	[tilespmem:v0+s21+$0x30 ss:$0x1] =	vst.idx.msk $0xffff, v8;
	v5 =	vsel vm0, v5, v6;
	vm0 =	vgt.f32 v4, $0.0e+00;
	v6 =	vadd.f32 $-1.000000000e+00, v7;
	v7 =	vpop (erf)  }
0x128: {  	[tilespmem:v0+s21+$0x40 ss:$0x1] =	vst.idx.msk $0xffff, v5;
	v1 =	vsel vm0, v4, v1;
	vm0 =	vgt.f32 v3, $0.0e+00;
	v4 =	vadd.f32 $-1.000000000e+00, v7  }
0x129: {  	[tilespmem:v0+s21+$0x50 ss:$0x1] =	vst.idx.msk $0xffff, v1;
	v1 =	vsel vm0, v3, v6;
	vm0 =	vgt.f32 v2, $0.0e+00  }
0x12a: {  	[tilespmem:v0+s21+$0x60 ss:$0x1] =	vst.idx.msk $0xffff, v1;
	v1 =	vsel vm0, v2, v4  }
0x12b: {  	[tilespmem:v0+s21+$0x70 ss:$0x1] =	vst.idx.msk $0xffff, v1;
	s21 =	smov.u32 s5  }
0x12c: {  	v1 =	vld [tilespmem:s21+$0x1CE30]  }
0x12d: {  	v2 =	vld [tilespmem:s21+$0x1CE20]  }
0x12e: {  	v3 =	vld [tilespmem:s21+$0x1CE00]  }
0x12f: {  	v4 =	vld [tilespmem:s21+$0x1CE10];
	_ =	sdelay $0x1  }
0x130: {  	v8 =	vmul.f32 $1.740776600e-01, v1  }
0x131: {  	v5 =	vld [tilespmem:s21+$0x1CE40];
	v1 =	vmul.f32 $1.740776600e-01, v2  }
0x132: {  	v2 =	vld [tilespmem:s21+$0x1CE50];
	v7 =	vmul.f32 $1.740776600e-01, v3;
	v3 =	vmul.f32 $1.442695020e+00, v8  }
0x133: {  	v9 =	vld [tilespmem:s21+$0x1CE60];
	v6 =	vmul.f32 $1.740776600e-01, v4;
	v4 =	vmul.f32 $1.442695020e+00, v1  }
0x134: {  	v10 =	vld [tilespmem:s21+$0x1CE70];
	vm0 =	vgt.f32 v7, $0.0e+00;
	v11 =	vmul.f32 $1.442695020e+00, v7;
	(erf) = vpow2.f32 v3  }
0x135: {  	v3 =	vmul.f32 $1.442695020e+00, v6;
	(erf) = vpow2.f32 v4  }
0x136: {  	v5 =	vmul.f32 $1.740776600e-01, v5;
	(erf) = vpow2.f32 v11  }
0x137: {  	v4 =	vmul.f32 $1.740776600e-01, v2;
	(erf) = vpow2.f32 v3  }
0x138: {  	v11 =	vmul.f32 $1.442695020e+00, v5;
	v3 =	vmul.f32 $1.740776600e-01, v9  }
0x139: {  	v9 =	vmul.f32 $1.442695020e+00, v4;
	v2 =	vmul.f32 $1.740776600e-01, v10  }
0x13a: {  	v10 =	vmul.f32 $1.442695020e+00, v3;
	(erf) = vpow2.f32 v11  }
0x13b: {  	v11 =	vmul.f32 $1.442695020e+00, v2;
	(erf) = vpow2.f32 v9  }
.Ltmp5:
0x13c: {  	(erf) = vpow2.f32 v10;
	(pc) =	sbr.rel @p1 .LBB2_9-.Ltmp5, $4  }
0x13d: {  	v9 =	vpop (erf);
	(erf) = vpow2.f32 v11  }
0x13e: {  	v12 =	vadd.f32 $-1.000000000e+00, v9;
	v9 =	vpop (erf)  }
0x13f: {  	vm1 =	vgt.f32 v8, $0.0e+00;
	v9 =	vadd.f32 $-1.000000000e+00, v9;
	v10 =	vpop (erf)  }
0x140: {  	v10 =	vadd.f32 $-1.000000000e+00, v10;
	v8 =	vsel vm1, v8, v12;
	v11 =	vpop (erf)  }
0x141: {  	_ =	sdelay $0x1  }
0x142: {  	v11 =	vadd.f32 $-1.000000000e+00, v11  }
0x143: {  	vm10 =	vgt.f32 v6, $0.0e+00;
	v7 =	vsel vm0, v7, v10  }
0x144: {  	vm11 =	vgt.f32 v1, $0.0e+00;
	[tilespmem:v0+s21+$0x0 ss:$0x1] =	vst.idx.msk $0xffff, v7;
	v6 =	vsel vm10, v6, v11;
	v54 =	vpop (erf)  }
0x145: {  	v1 =	vsel vm11, v1, v9;
	[tilespmem:v0+s21+$0x10 ss:$0x1] =	vst.idx.msk $0xffff, v6;
	v55 =	vadd.f32 $-1.000000000e+00, v54;
	v56 =	vpop (erf)  }
0x146: {  	vm12 =	vgt.f32 v5, $0.0e+00;
	[tilespmem:v0+s21+$0x20 ss:$0x1] =	vst.idx.msk $0xffff, v1;
	v57 =	vadd.f32 $-1.000000000e+00, v56;
	v58 =	vpop (erf)  }
.Ltmp6:
0x147: {  	vm13 =	vgt.f32 v4, $0.0e+00;
	[tilespmem:v0+s21+$0x30 ss:$0x1] =	vst.idx.msk $0xffff, v8;
	v5 =	vsel vm12, v5, v55;
	v59 =	vadd.f32 $-1.000000000e+00, v58;
	v60 =	vpop (erf);
	(pc) =	sbr.rel @p0 .LBB2_12-.Ltmp6, $4  }
0x148: {  	vm14 =	vgt.f32 v3, $0.0e+00;
	[tilespmem:v0+s21+$0x40 ss:$0x1] =	vst.idx.msk $0xffff, v5;
	v1 =	vsel vm13, v4, v57;
	v61 =	vadd.f32 $-1.000000000e+00, v60  }
0x149: {  	vm15 =	vgt.f32 v2, $0.0e+00;
	[tilespmem:v0+s21+$0x50 ss:$0x1] =	vst.idx.msk $0xffff, v1;
	v62 =	vsel vm14, v3, v59  }
0x14a: {  	[tilespmem:v0+s21+$0x60 ss:$0x1] =	vst.idx.msk $0xffff, v62;
	v63 =	vsel vm15, v2, v61  }
0x14b: {  	[tilespmem:v0+s21+$0x70 ss:$0x1] =	vst.idx.msk $0xffff, v63  }
0x14c: {  	s1 =	sadd.s32 $0xE00, s20;
	s19 =	sadd.s32 $0x1, s19  }
.Ltmp7:
0x14d: {  	s5 =	sshrl.u32 s1, $0x2;
	s1 =	sadd.s32 s9, s1;
	(pc) =	sbr.rel .LBB2_2-.Ltmp7, $4  }
0x14e: {  	[tilespmem:s22], [sflag:$0x4] =	stream.indirect.gather [hbm4b:s3+s13], $0x80, s5, s13, $0xb8;
	[tilespmem:$0x1D000] =	vst v63  }
0x14f: {  	s15 =	sadd.s32 $0x800, s15;
	s16 =	sadd.s32 $0x800, s16;
	s1 =	sshrl.u32 s1, $0x3  }
0x150: {  	s17 =	sadd.s32 $0x800, s17;
	s18 =	sadd.s32 $0x800, s18;
	s1 =	sadd.s32 s3, s1  }
0x151: {  	[tilespmem:s23], [sflag:$0x8] =	stream.linear.gather [hbm4b:s1+s2], $0x200, $0x38;
	[tilespmem:$0x1D000] =	vst v63  }
.LBB2_13:
0x152: {  	_ =	sfence.sel $0x180000  }
0x153: {  	[bflag:$0x0] =	sbarrier.arrive $0xFFFF  }
0x154: {  	_ =	strace $0x9000004A  }
0x155: {  	s0 =	stileid.u32;
	[bflag:$0x2] =	sbarrier.arrive $0xFFFF  }
0x156: {  	p0 =	sne.s32 s0, $0x0;
	s0 =	rddreg [dreg:$0x2]  }
0x157: {  	s0 =	sadd.s32 @!p0 $0x100000, s0  }
0x158: {  	[sflag:s0] =	ssyncadd.tile.s32 @!p0 $0x1;
	_ =	shalt  }
.Lfunc_end2:
_tile_overlayer_lowered:
.L_overlay_start_2:
0x159: {  	(tag) =	ssettag $0x2  }
0x15a: {  	s0 =	rddreg [dreg:$0x0];
	s2 =	stileid.u32  }
0x15b: {  	s1 =	rddreg [dreg:$0x1];
	p0 =	sne.s32 s2, $0x0  }
0x15c: {  	s3 =	rddreg [dreg:$0x2];
	[bflag:$0x3] =	sbarrier.arrive $0xFFFF;
	s2 =	simm.s32 @!p0 $0x1C09  }
0x15d: {  	[timem:s3], [sflag:s2] =	dma.local @!p0 [hbm:s0], s1  }
0x15e: {  	s0 =	simm.s32 @!p0 $0x9  }
0x15f: {  	_ =	swait.ge @!p0 [sflag:s0], s1  }
0x160: {  	s1 =	ssub.s32 @!p0 $0x0, s1;
	[sflag:s0] =	ssyncset.done @!p0 $0x0  }
0x161: {  	[sflag:s0] =	ssyncadd.s32 @!p0 s1  }
0x162: {  	[bflag:$0x3] =	sbarrier.arrive $0xFFFF  }
0x163: {  	_ =	shalt  }

</sc_bundles>
